<compile_context>
chip_gen: v7x
topology: tpu7x:2x2x1
jax: 0.10.2.dev20260603
libtpu: 0.0.44.dev20260713+nightly
codegen_flags: <defaults>
</compile_context>

<pallas_src>
import functools

import jax
import jax.numpy as jnp
from jax import lax
from jax.experimental import pallas as pl
from jax.experimental.pallas import tpu as pltpu
from jax.experimental.pallas import tpu_sc as plsc

T = 2048
H = 1024
E = 512
NR = 64
NE = NR + 1
TB = 256
NB = T // TB
BLK = 128
NRB = 96
NTAB = NRB
NROW = NRB * BLK
NW = 32
TPW = T // NW
CH = 16
NCH = TPW // CH



def _route_meta_body(x_ref, rw_ref,
                     s0_ref, s1_ref, g0_ref, g1_ref, be_ref, nbt_ref,
                     i1_s, i2_s, r0_s, r1_s, c0_s, c1_s):
    i = pl.program_id(0)

    @pl.when(i < NB)
    def _router():
        x = x_ref[...]
        logits = lax.dot_general(x, rw_ref[...], (((1,), (1,)), ((), ())),
                                 preferred_element_type=jnp.float32)
        m = jnp.max(logits, axis=-1, keepdims=True)
        ex = jnp.exp(logits - m)
        probs = ex / jnp.sum(ex, axis=-1, keepdims=True)
        idx = lax.broadcasted_iota(jnp.int32, probs.shape, 1)
        m1 = jnp.max(probs, axis=-1, keepdims=True)
        i1 = jnp.min(jnp.where(probs == m1, idx, NR), axis=-1, keepdims=True)
        masked = jnp.where(idx == i1, -1.0, probs)
        m2 = jnp.max(masked, axis=-1, keepdims=True)
        i2 = jnp.min(jnp.where(masked == m2, idx, NR), axis=-1,
                     keepdims=True)
        off = i * TB
        g0_ref[pl.ds(off, TB), :] = jnp.broadcast_to(m1, (TB, 16))
        g1_ref[pl.ds(off, TB), :] = jnp.broadcast_to(m2, (TB, 16))
        i1_s[pl.ds(off, TB), :] = i1
        i2_s[pl.ds(off, TB), :] = i2
        o1 = (i1 == idx).astype(jnp.float32)
        o2 = (i2 == idx).astype(jnp.float32)
        r_i = lax.broadcasted_iota(jnp.int32, (TB, TB), 0)
        c_i = lax.broadcasted_iota(jnp.int32, (TB, TB), 1)
        tril = (r_i > c_i).astype(jnp.float32)
        cum1 = lax.dot_general(tril, o1, (((1,), (0,)), ((), ())),
                               preferred_element_type=jnp.float32)
        cum2 = lax.dot_general(tril, o2, (((1,), (0,)), ((), ())),
                               preferred_element_type=jnp.float32)
        r0_s[pl.ds(off, TB), :] = jnp.sum(
            cum1 * o1, axis=-1, keepdims=True).astype(jnp.int32)
        r1_s[pl.ds(off, TB), :] = jnp.sum(
            cum2 * o2, axis=-1, keepdims=True).astype(jnp.int32)
        rowsel = lax.broadcasted_iota(jnp.int32, (NB, NR), 0) == i
        c0_s[...] = jnp.where(rowsel, jnp.sum(o1, axis=0, keepdims=True),
                              c0_s[...])
        c1_s[...] = jnp.where(rowsel, jnp.sum(o2, axis=0, keepdims=True),
                              c1_s[...])

    @pl.when(i == NB)
    def _meta():
        c0 = c0_s[...]
        c1 = c1_s[...]
        r8 = lax.broadcasted_iota(jnp.int32, (NB, NB), 0)
        c8 = lax.broadcasted_iota(jnp.int32, (NB, NB), 1)
        tril8 = (r8 > c8).astype(jnp.float32)
        carry0 = lax.dot_general(tril8, c0, (((1,), (0,)), ((), ())),
                                 preferred_element_type=jnp.float32)
        carry1 = lax.dot_general(tril8, c1, (((1,), (0,)), ((), ())),
                                 preferred_element_type=jnp.float32)
        cnt0 = jnp.sum(c0, axis=0, keepdims=True)
        cnt1 = jnp.sum(c1, axis=0, keepdims=True)
        ctot = (cnt0 + cnt1).astype(jnp.int32)
        nb = (ctot + (BLK - 1)) // BLK
        nbf = nb.astype(jnp.float32)
        rE = lax.broadcasted_iota(jnp.int32, (NR, NR), 0)
        cE = lax.broadcasted_iota(jnp.int32, (NR, NR), 1)
        triu = (rE < cE).astype(jnp.float32)
        bc_excl = lax.dot_general(nbf, triu, (((1,), (0,)), ((), ())),
                                  preferred_element_type=jnp.float32)
        bc_incl = bc_excl + nbf
        nbt_ref[...] = jnp.sum(nb, axis=-1, keepdims=True)
        tb_of = lax.broadcasted_iota(jnp.int32, (T, NB), 0) // TB
        sel = (tb_of == lax.broadcasted_iota(jnp.int32, (T, NB), 1)).astype(
            jnp.float32)
        car0 = lax.dot_general(sel, carry0, (((1,), (0,)), ((), ())),
                               preferred_element_type=jnp.float32)
        car1 = lax.dot_general(sel, carry1, (((1,), (0,)), ((), ())),
                               preferred_element_type=jnp.float32)
        ie = lax.broadcasted_iota(jnp.int32, (T, NR), 1)
        o1 = (i1_s[...] == ie).astype(jnp.float32)
        o2 = (i2_s[...] == ie).astype(jnp.float32)
        base0 = jnp.sum(o1 * (BLK * bc_excl + car0), axis=-1, keepdims=True)
        base1 = jnp.sum(o2 * (BLK * bc_excl + cnt0 + car1), axis=-1,
                        keepdims=True)
        s0_ref[...] = base0.astype(jnp.int32) + r0_s[...]
        s1_ref[...] = base1.astype(jnp.int32) + r1_s[...]
        bi = lax.broadcasted_iota(jnp.int32, (2 * BLK, NR), 0).astype(
            jnp.float32)
        be = jnp.sum((bi >= bc_incl).astype(jnp.float32), axis=-1,
                     keepdims=True)
        be_ref[...] = be.astype(jnp.int32)


def _run_route_meta(x, router_W, *, interpret=False):
    full = lambda i: (0, 0)
    return pl.pallas_call(
        _route_meta_body,
        grid=(NB + 1,),
        in_specs=[
            pl.BlockSpec((TB, H), lambda i: (jnp.minimum(i, NB - 1), 0)),
            pl.BlockSpec((NR, H), full),
        ],
        out_specs=[
            pl.BlockSpec((T, 1), full),
            pl.BlockSpec((T, 1), full),
            pl.BlockSpec((T, 16), full),
            pl.BlockSpec((T, 16), full),
            pl.BlockSpec((2 * BLK, 1), full),
            pl.BlockSpec((1, 1), full),
        ],
        out_shape=[
            jax.ShapeDtypeStruct((T, 1), jnp.int32),
            jax.ShapeDtypeStruct((T, 1), jnp.int32),
            jax.ShapeDtypeStruct((T, 16), jnp.float32),
            jax.ShapeDtypeStruct((T, 16), jnp.float32),
            jax.ShapeDtypeStruct((2 * BLK, 1), jnp.int32),
            jax.ShapeDtypeStruct((1, 1), jnp.int32),
        ],
        scratch_shapes=[
            pltpu.VMEM((T, 1), jnp.int32),
            pltpu.VMEM((T, 1), jnp.int32),
            pltpu.VMEM((T, 1), jnp.int32),
            pltpu.VMEM((T, 1), jnp.int32),
            pltpu.VMEM((NB, NR), jnp.float32),
            pltpu.VMEM((NB, NR), jnp.float32),
        ],
        interpret=interpret,
    )(x, router_W)



def _dispatch_body(x_hbm, sidx_hbm, xs_hbm,
                   rbuf0, rbuf1, idx0, idx1, lsem, sem):
    wid = lax.axis_index("s") * 2 + lax.axis_index("c")
    rbufs = (rbuf0, rbuf1)
    idxs = (idx0, idx1)
    base = wid * TPW
    ld0 = pltpu.async_copy(x_hbm.at[pl.ds(base, CH)], rbuf0, lsem)
    loads = [ld0]
    for c in range(NCH):
        if c + 1 < NCH:
            loads.append(pltpu.async_copy(
                x_hbm.at[pl.ds(base + (c + 1) * CH, CH)],
                rbufs[(c + 1) % 2], lsem))
        j = (wid * NCH + c) * 2
        pltpu.sync_copy(sidx_hbm.at[j], idxs[0])
        pltpu.sync_copy(sidx_hbm.at[j + 1], idxs[1])
        loads[c].wait()
        s0 = pltpu.async_copy(rbufs[c % 2], xs_hbm.at[idxs[0]], sem)
        s1 = pltpu.async_copy(rbufs[c % 2], xs_hbm.at[idxs[1]], sem)
        s0.wait()
        s1.wait()


def _run_dispatch(x, sidx, *, interpret=False):
    mesh = plsc.VectorSubcoreMesh(core_axis_name="c", subcore_axis_name="s")
    f = pl.kernel(
        _dispatch_body,
        out_type=jax.ShapeDtypeStruct((NROW, H), jnp.float32),
        mesh=mesh,
        scratch_types=[
            pltpu.VMEM((CH, H), jnp.float32),
            pltpu.VMEM((CH, H), jnp.float32),
            pltpu.VMEM((CH,), jnp.int32),
            pltpu.VMEM((CH,), jnp.int32),
            pltpu.SemaphoreType.DMA,
            pltpu.SemaphoreType.DMA,
        ],
        interpret=interpret,
    )
    return f(x, sidx)



def _gelu(u):
    return 0.5 * u * (1.0 + lax.erf(u * (2.0 ** -0.5)))


def _expert_block(xb, wu, wd):
    up = lax.dot_general(xb.astype(jnp.bfloat16), wu.astype(jnp.bfloat16),
                         (((1,), (1,)), ((), ())),
                         preferred_element_type=jnp.float32)
    act = _gelu(up)
    return lax.dot_general(act.astype(jnp.bfloat16),
                           wd.astype(jnp.bfloat16),
                           (((1,), (1,)), ((), ())),
                           preferred_element_type=jnp.float32)


def _gmm_body(sp_ref, xs_ref, ru_ref, rd_ref, out_ref):
    i = pl.program_id(0)

    @pl.when(i < sp_ref[0])
    def _():
        out_ref[...] = _expert_block(xs_ref[...], ru_ref[0], rd_ref[0])


def _shared_body(x_ref, su_ref, sd_ref, out_ref):
    out_ref[...] = _expert_block(x_ref[...], su_ref[0], sd_ref[0])


def _run_shared(x, su, sd, *, interpret=False):
    return pl.pallas_call(
        _shared_body,
        grid=(T // BLK,),
        in_specs=[
            pl.BlockSpec((BLK, H), lambda i: (i, 0)),
            pl.BlockSpec((1, E, H), lambda i: (0, 0, 0)),
            pl.BlockSpec((1, H, E), lambda i: (0, 0, 0)),
        ],
        out_specs=pl.BlockSpec((BLK, H), lambda i: (i, 0)),
        out_shape=jax.ShapeDtypeStruct((T, H), jnp.float32),
        interpret=interpret,
    )(x, su, sd)


def _run_gmm(sp, xs, ru, rd, *, interpret=False):
    ridx = lambda i, sp: (jnp.minimum(sp[1 + i], NR - 1), 0, 0)
    grid_spec = pltpu.PrefetchScalarGridSpec(
        num_scalar_prefetch=1,
        grid=(NTAB,),
        in_specs=[
            pl.BlockSpec((BLK, H),
                         lambda i, sp: (jnp.minimum(i, sp[0] - 1), 0)),
            pl.BlockSpec((1, E, H), ridx),
            pl.BlockSpec((1, H, E), ridx),
        ],
        out_specs=pl.BlockSpec(
            (BLK, H), lambda i, sp: (jnp.minimum(i, sp[0] - 1), 0)),
    )
    return pl.pallas_call(
        _gmm_body,
        grid_spec=grid_spec,
        out_shape=jax.ShapeDtypeStruct((NROW, H), jnp.float32),
        compiler_params=pltpu.CompilerParams(
            dimension_semantics=("arbitrary",)),
        interpret=interpret,
    )(sp, xs, ru, rd)



def _combine_chunk_start(y_hbm, ys_hbm, sidx_hbm, gp0_hbm, gp1_hbm,
                         bufs, idxs, sems, wid, c):
    tb = wid * TPW + c * CH
    p = c % 2
    j = (wid * NCH + c) * 2
    acc, b0, b1, g0, g1 = bufs[p]
    i0, i1 = idxs[p]
    pltpu.sync_copy(sidx_hbm.at[j], i0)
    pltpu.sync_copy(sidx_hbm.at[j + 1], i1)
    copies = (pltpu.async_copy(ys_hbm.at[pl.ds(tb, CH)], acc, sems[p]),
              pltpu.async_copy(y_hbm.at[i0], b0, sems[p]),
              pltpu.async_copy(y_hbm.at[i1], b1, sems[p]),
              pltpu.async_copy(gp0_hbm.at[pl.ds(tb, CH)], g0, sems[p]),
              pltpu.async_copy(gp1_hbm.at[pl.ds(tb, CH)], g1, sems[p]))
    return copies


def _combine_body(y_hbm, ys_hbm, sidx_hbm, gp0_hbm, gp1_hbm, out_hbm,
                  acc0, b00, b10, g00, g10, acc1, b01, b11, g01, g11,
                  i00, i10, i01, i11, sem0, sem1):
    wid = lax.axis_index("s") * 2 + lax.axis_index("c")
    bufs = ((acc0, b00, b10, g00, g10), (acc1, b01, b11, g01, g11))
    idxs = ((i00, i10), (i01, i11))
    sems = (sem0, sem1)
    pend = _combine_chunk_start(y_hbm, ys_hbm, sidx_hbm, gp0_hbm, gp1_hbm,
                                bufs, idxs, sems, wid, 0)
    for c in range(NCH):
        if c + 1 < NCH:
            nxt = _combine_chunk_start(y_hbm, ys_hbm, sidx_hbm, gp0_hbm,
                                       gp1_hbm, bufs, idxs, sems, wid, c + 1)
        for cp in pend:
            cp.wait()
        p = c % 2
        acc, b0, b1, g0, g1 = bufs[p]

        def _row(r, carry, acc=acc, b0=b0, b1=b1, g0=g0, g1=g1):
            g0r = g0[r, :]
            g1r = g1[r, :]

            @plsc.parallel_loop(0, H, step=16, unroll=8)
            def _add(col):
                acc[r, pl.ds(col, 16)] = (acc[r, pl.ds(col, 16)]
                                          + g0r * b0[r, pl.ds(col, 16)]
                                          + g1r * b1[r, pl.ds(col, 16)])
            return carry
        lax.fori_loop(0, CH, _row, 0)
        tb = wid * TPW + c * CH
        pltpu.sync_copy(acc, out_hbm.at[pl.ds(tb, CH)])
        if c + 1 < NCH:
            pend = nxt


def _run_combine(yg, ys, sidx, gp0, gp1, *, interpret=False):
    mesh = plsc.VectorSubcoreMesh(core_axis_name="c", subcore_axis_name="s")
    f = pl.kernel(
        _combine_body,
        out_type=jax.ShapeDtypeStruct((T, H), jnp.float32),
        mesh=mesh,
        scratch_types=(
            [pltpu.VMEM((CH, H), jnp.float32)] * 3
            + [pltpu.VMEM((CH, 16), jnp.float32)] * 2
            + [pltpu.VMEM((CH, H), jnp.float32)] * 3
            + [pltpu.VMEM((CH, 16), jnp.float32)] * 2
            + [pltpu.VMEM((CH,), jnp.int32)] * 4
            + [pltpu.SemaphoreType.DMA, pltpu.SemaphoreType.DMA]
        ),
        interpret=interpret,
    )
    return f(yg, ys, sidx, gp0, gp1)



def _tile_layout(v2048):
    return v2048.reshape(NW, NCH, CH)


def kernel(x, shared_up, shared_down, routed_up, routed_down, router_W):
    s0, s1, gp0, gp1, be, nbt = _run_route_meta(x, router_W)
    sp = jnp.concatenate([nbt.reshape(1), be.reshape(2 * BLK)[:NTAB]])
    s0t = _tile_layout(s0.reshape(T))
    s1t = _tile_layout(s1.reshape(T))
    sidx = jnp.stack([s0t, s1t], axis=2).reshape(NW * NCH * 2, CH)
    xs = _run_dispatch(x, sidx)
    ys = _run_shared(x, shared_up, shared_down)
    yg = _run_gmm(sp, xs, routed_up, routed_down)
    return _run_combine(yg, ys, sidx, gp0, gp1)

# --- scband reference (transcript-rebuilt; emitter-appended) ---
"""Pipeline reference for scband-mo-e-44590350467674 (READ-ONLY COPY).

The authoritative reference and input builder live on the scoring server;
editing this copy changes nothing except your own understanding.
"""

import jax, jax.numpy as jnp
import numpy as np

H_DIM = 1024
E_DIM = 512
N_SHARED = 1
N_ROUTED = 64
TOP_K = 2
T = 2048


def setup_inputs(seed: int = 0) -> dict:
    key = jax.random.key(seed)
    ks = [jax.random.fold_in(key, i) for i in range(6)]
    x = jax.random.normal(ks[0], (T, H_DIM), dtype=jnp.float32)
    su = jax.random.normal(ks[1], (N_SHARED, E_DIM, H_DIM), dtype=jnp.float32) * (1.0 / np.sqrt(H_DIM))
    sd = jax.random.normal(ks[2], (N_SHARED, H_DIM, E_DIM), dtype=jnp.float32) * (1.0 / np.sqrt(E_DIM))
    ru = jax.random.normal(ks[3], (N_ROUTED, E_DIM, H_DIM), dtype=jnp.float32) * (1.0 / np.sqrt(H_DIM))
    rd = jax.random.normal(ks[4], (N_ROUTED, H_DIM, E_DIM), dtype=jnp.float32) * (1.0 / np.sqrt(E_DIM))
    rw = jax.random.normal(ks[5], (N_ROUTED, H_DIM), dtype=jnp.float32) * (1.0 / np.sqrt(H_DIM))
    return {"x": x, "shared_up": su, "shared_down": sd, "routed_up": ru, "routed_down": rd, "router_W": rw}


def _expert(x, Wu, Wd):
    up = x @ Wu.T
    return jax.nn.gelu(up, approximate=False) @ Wd.T


def reference(x, shared_up, shared_down, routed_up, routed_down, router_W):
    # shared experts (always active)
    shared_out = jnp.zeros_like(x)
    for i in range(shared_up.shape[0]):
        shared_out = shared_out + _expert(x, shared_up[i], shared_down[i])
    # router: softmax over routed experts, then top-k gating
    logits = x @ router_W.T
    probs = jax.nn.softmax(logits, axis=-1)
    top_p, top_i = jax.lax.top_k(probs, TOP_K)
    n_routed = routed_up.shape[0]
    t = x.shape[0]
    # dense per-token gate per expert: scatter-add top-k probs at top-k indices
    gates = jnp.zeros((t, n_routed), dtype=x.dtype).at[jnp.arange(t)[:, None], top_i].add(top_p)
    # routed experts: each token's output is the gate-weighted sum of its top-k experts
    def _routed_body(acc, inp):
        Wu, Wd, g = inp
        return acc + g[:, None] * _expert(x, Wu, Wd), None

    routed_out, _ = jax.lax.scan(
        _routed_body, jnp.zeros_like(x), (routed_up, routed_down, gates.T)
    )
    return shared_out + routed_out

if __name__ == "__main__":
    import jax
    _d = setup_inputs()
    print(jax.jit(kernel)(*tuple(_d.values())))

</pallas_src>

<mosaic_0001>
#map = affine_map<(d0, d1) -> (0, 0)>
module attributes {stable_mosaic.version = 14 : i64} {
  func.func @_combine_body(%arg0: i32, %arg1: i32, %arg2: memref<12288x1024xf32, #tpu.memory_space<hbm>>, %arg3: memref<2048x1024xf32, #tpu.memory_space<hbm>>, %arg4: memref<256x16xi32, #tpu.memory_space<hbm>>, %arg5: memref<2048x16xf32, #tpu.memory_space<hbm>>, %arg6: memref<2048x16xf32, #tpu.memory_space<hbm>>, %arg7: memref<2048x1024xf32, #tpu.memory_space<hbm>>, %arg8: memref<16x1024xf32, #tpu.memory_space<vmem>>, %arg9: memref<16x1024xf32, #tpu.memory_space<vmem>>, %arg10: memref<16x1024xf32, #tpu.memory_space<vmem>>, %arg11: memref<16x16xf32, #tpu.memory_space<vmem>>, %arg12: memref<16x16xf32, #tpu.memory_space<vmem>>, %arg13: memref<16x1024xf32, #tpu.memory_space<vmem>>, %arg14: memref<16x1024xf32, #tpu.memory_space<vmem>>, %arg15: memref<16x1024xf32, #tpu.memory_space<vmem>>, %arg16: memref<16x16xf32, #tpu.memory_space<vmem>>, %arg17: memref<16x16xf32, #tpu.memory_space<vmem>>, %arg18: memref<16xi32, #tpu.memory_space<vmem>>, %arg19: memref<16xi32, #tpu.memory_space<vmem>>, %arg20: memref<16xi32, #tpu.memory_space<vmem>>, %arg21: memref<16xi32, #tpu.memory_space<vmem>>, %arg22: memref<!tpu.dma_semaphore, #tpu.memory_space<semaphore_mem>>, %arg23: memref<!tpu.dma_semaphore, #tpu.memory_space<semaphore_mem>>) attributes {dimension_semantics = [#tpu.dimension_semantics<core_parallel>, #tpu.dimension_semantics<subcore_parallel>], iteration_bounds = array<i64: 2, 16>, scalar_prefetch = 0 : i64, scratch_operands = 16 : i64, tpu.core_type = #tpu.core_type<sc_vector_subcore>, window_params = [{transform_indices = #map}, {transform_indices = #map}, {transform_indices = #map}, {transform_indices = #map}, {transform_indices = #map}, {transform_indices = #map}]} {
    %mul3A = arith.constant 2 : i32
    %mul3A_0 = arith.muli %arg1, %mul3A : i32
    %add3A = arith.addi %mul3A_0, %arg0 : i32
    %mul3A_1 = arith.constant 64 : i32
    %mul3A_2 = arith.muli %add3A, %mul3A_1 : i32
    %add3A_3 = arith.constant 0 : i32
    %add3A_4 = arith.addi %mul3A_2, %add3A_3 : i32
    %mul3A_5 = arith.constant 4 : i32
    %mul3A_6 = arith.muli %add3A, %mul3A_5 : i32
    %add3A_7 = arith.constant 0 : i32
    %add3A_8 = arith.addi %mul3A_6, %add3A_7 : i32
    %mul3A_9 = arith.constant 2 : i32
    %mul3A_10 = arith.muli %add3A_8, %mul3A_9 : i32
    "tpu.region"() ({
      %run_scoped3A = tpu.sem_alloc : memref<!tpu.dma_semaphore, #tpu.memory_space<semaphore_mem>>
      %dma_start3A_230 = arith.constant 0 : i32
      %dma_start3A_231 = tpu.memref_slice %arg4[%mul3A_10, %dma_start3A_230] : memref<256x16xi32, #tpu.memory_space<hbm>> -> memref<1x16xi32, #tpu.memory_space<hbm>>
      %dma_start3A_232 = tpu.memref_squeeze %dma_start3A_231 : memref<1x16xi32, #tpu.memory_space<hbm>> -> memref<16xi32, #tpu.memory_space<hbm>>
      %dma_start3A_233 = arith.constant 0 : i32
      %dma_start3A_234 = tpu.memref_slice %arg4[%mul3A_10, %dma_start3A_233] : memref<256x16xi32, #tpu.memory_space<hbm>> -> memref<1x16xi32, #tpu.memory_space<hbm>>
      %dma_start3A_235 = tpu.memref_squeeze %dma_start3A_234 : memref<1x16xi32, #tpu.memory_space<hbm>> -> memref<16xi32, #tpu.memory_space<hbm>>
      tpu.enqueue_dma source(%dma_start3A_235 : memref<16xi32, #tpu.memory_space<hbm>>) target(%arg18 : memref<16xi32, #tpu.memory_space<vmem>>) target_semaphore(%run_scoped3A : memref<!tpu.dma_semaphore, #tpu.memory_space<semaphore_mem>>)
      %dma_wait3A_236 = arith.constant 0 : i32
      %dma_wait3A_237 = tpu.memref_slice %arg4[%mul3A_10, %dma_wait3A_236] : memref<256x16xi32, #tpu.memory_space<hbm>> -> memref<1x16xi32, #tpu.memory_space<hbm>>
      %dma_wait3A_238 = tpu.memref_squeeze %dma_wait3A_237 : memref<1x16xi32, #tpu.memory_space<hbm>> -> memref<16xi32, #tpu.memory_space<hbm>>
      %dma_wait3A_239 = arith.constant 0 : i32
      %dma_wait3A_240 = tpu.memref_slice %arg4[%mul3A_10, %dma_wait3A_239] : memref<256x16xi32, #tpu.memory_space<hbm>> -> memref<1x16xi32, #tpu.memory_space<hbm>>
      %dma_wait3A_241 = tpu.memref_squeeze %dma_wait3A_240 : memref<1x16xi32, #tpu.memory_space<hbm>> -> memref<16xi32, #tpu.memory_space<hbm>>
      tpu.wait_dma2 semaphore(%run_scoped3A : memref<!tpu.dma_semaphore, #tpu.memory_space<semaphore_mem>>) src(%dma_wait3A_241 : memref<16xi32, #tpu.memory_space<hbm>>) dst(%arg18 : memref<16xi32, #tpu.memory_space<vmem>>)
      tpu.yield
    }) : () -> ()
    %add3A_11 = arith.constant 1 : i32
    %add3A_12 = arith.addi %mul3A_10, %add3A_11 : i32
    "tpu.region"() ({
      %run_scoped3A = tpu.sem_alloc : memref<!tpu.dma_semaphore, #tpu.memory_space<semaphore_mem>>
      %dma_start3A_230 = arith.constant 0 : i32
      %dma_start3A_231 = tpu.memref_slice %arg4[%add3A_12, %dma_start3A_230] : memref<256x16xi32, #tpu.memory_space<hbm>> -> memref<1x16xi32, #tpu.memory_space<hbm>>
      %dma_start3A_232 = tpu.memref_squeeze %dma_start3A_231 : memref<1x16xi32, #tpu.memory_space<hbm>> -> memref<16xi32, #tpu.memory_space<hbm>>
      %dma_start3A_233 = arith.constant 0 : i32
      %dma_start3A_234 = tpu.memref_slice %arg4[%add3A_12, %dma_start3A_233] : memref<256x16xi32, #tpu.memory_space<hbm>> -> memref<1x16xi32, #tpu.memory_space<hbm>>
      %dma_start3A_235 = tpu.memref_squeeze %dma_start3A_234 : memref<1x16xi32, #tpu.memory_space<hbm>> -> memref<16xi32, #tpu.memory_space<hbm>>
      tpu.enqueue_dma source(%dma_start3A_235 : memref<16xi32, #tpu.memory_space<hbm>>) target(%arg19 : memref<16xi32, #tpu.memory_space<vmem>>) target_semaphore(%run_scoped3A : memref<!tpu.dma_semaphore, #tpu.memory_space<semaphore_mem>>)
      %dma_wait3A_236 = arith.constant 0 : i32
      %dma_wait3A_237 = tpu.memref_slice %arg4[%add3A_12, %dma_wait3A_236] : memref<256x16xi32, #tpu.memory_space<hbm>> -> memref<1x16xi32, #tpu.memory_space<hbm>>
      %dma_wait3A_238 = tpu.memref_squeeze %dma_wait3A_237 : memref<1x16xi32, #tpu.memory_space<hbm>> -> memref<16xi32, #tpu.memory_space<hbm>>
      %dma_wait3A_239 = arith.constant 0 : i32
      %dma_wait3A_240 = tpu.memref_slice %arg4[%add3A_12, %dma_wait3A_239] : memref<256x16xi32, #tpu.memory_space<hbm>> -> memref<1x16xi32, #tpu.memory_space<hbm>>
      %dma_wait3A_241 = tpu.memref_squeeze %dma_wait3A_240 : memref<1x16xi32, #tpu.memory_space<hbm>> -> memref<16xi32, #tpu.memory_space<hbm>>
      tpu.wait_dma2 semaphore(%run_scoped3A : memref<!tpu.dma_semaphore, #tpu.memory_space<semaphore_mem>>) src(%dma_wait3A_241 : memref<16xi32, #tpu.memory_space<hbm>>) dst(%arg19 : memref<16xi32, #tpu.memory_space<vmem>>)
      tpu.yield
    }) : () -> ()
    %dma_start3A = arith.constant 0 : i32
    %dma_start3A_13 = tpu.memref_slice %arg3[%add3A_4, %dma_start3A] : memref<2048x1024xf32, #tpu.memory_space<hbm>> -> memref<16x1024xf32, #tpu.memory_space<hbm>>
    %dma_start3A_14 = arith.constant 0 : i32
    %dma_start3A_15 = tpu.memref_slice %arg3[%add3A_4, %dma_start3A_14] : memref<2048x1024xf32, #tpu.memory_space<hbm>> -> memref<16x1024xf32, #tpu.memory_space<hbm>>
    tpu.enqueue_dma source(%dma_start3A_15 : memref<16x1024xf32, #tpu.memory_space<hbm>>) target(%arg8 : memref<16x1024xf32, #tpu.memory_space<vmem>>) target_semaphore(%arg22 : memref<!tpu.dma_semaphore, #tpu.memory_space<semaphore_mem>>)
    %dma_start3A_16 = arith.constant 0 : i32
    %dma_start3A_17 = arith.constant 0 : i32
    %dma_start3A_18 = tpu.memref_slice %arg2[%dma_start3A_16, %dma_start3A_17] : memref<12288x1024xf32, #tpu.memory_space<hbm>> -> memref<12288x1024xf32, #tpu.memory_space<hbm>>
    tpu.enqueue_indirect_dma source(%dma_start3A_18 : memref<12288x1024xf32, #tpu.memory_space<hbm>>) target(%arg9 : memref<16x1024xf32, #tpu.memory_space<vmem>>) offsets(%arg18 : memref<16xi32, #tpu.memory_space<vmem>>) semaphore(%arg22 : memref<!tpu.dma_semaphore, #tpu.memory_space<semaphore_mem>>)
    %dma_start3A_19 = arith.constant 0 : i32
    %dma_start3A_20 = arith.constant 0 : i32
    %dma_start3A_21 = tpu.memref_slice %arg2[%dma_start3A_19, %dma_start3A_20] : memref<12288x1024xf32, #tpu.memory_space<hbm>> -> memref<12288x1024xf32, #tpu.memory_space<hbm>>
    tpu.enqueue_indirect_dma source(%dma_start3A_21 : memref<12288x1024xf32, #tpu.memory_space<hbm>>) target(%arg10 : memref<16x1024xf32, #tpu.memory_space<vmem>>) offsets(%arg19 : memref<16xi32, #tpu.memory_space<vmem>>) semaphore(%arg22 : memref<!tpu.dma_semaphore, #tpu.memory_space<semaphore_mem>>)
    %dma_start3A_22 = arith.constant 0 : i32
    %dma_start3A_23 = tpu.memref_slice %arg5[%add3A_4, %dma_start3A_22] : memref<2048x16xf32, #tpu.memory_space<hbm>> -> memref<16x16xf32, #tpu.memory_space<hbm>>
    %dma_start3A_24 = arith.constant 0 : i32
    %dma_start3A_25 = tpu.memref_slice %arg5[%add3A_4, %dma_start3A_24] : memref<2048x16xf32, #tpu.memory_space<hbm>> -> memref<16x16xf32, #tpu.memory_space<hbm>>
    tpu.enqueue_dma source(%dma_start3A_25 : memref<16x16xf32, #tpu.memory_space<hbm>>) target(%arg11 : memref<16x16xf32, #tpu.memory_space<vmem>>) target_semaphore(%arg22 : memref<!tpu.dma_semaphore, #tpu.memory_space<semaphore_mem>>)
    %dma_start3A_26 = arith.constant 0 : i32
    %dma_start3A_27 = tpu.memref_slice %arg6[%add3A_4, %dma_start3A_26] : memref<2048x16xf32, #tpu.memory_space<hbm>> -> memref<16x16xf32, #tpu.memory_space<hbm>>
    %dma_start3A_28 = arith.constant 0 : i32
    %dma_start3A_29 = tpu.memref_slice %arg6[%add3A_4, %dma_start3A_28] : memref<2048x16xf32, #tpu.memory_space<hbm>> -> memref<16x16xf32, #tpu.memory_space<hbm>>
    tpu.enqueue_dma source(%dma_start3A_29 : memref<16x16xf32, #tpu.memory_space<hbm>>) target(%arg12 : memref<16x16xf32, #tpu.memory_space<vmem>>) target_semaphore(%arg22 : memref<!tpu.dma_semaphore, #tpu.memory_space<semaphore_mem>>)
    %mul3A_30 = arith.constant 64 : i32
    %mul3A_31 = arith.muli %add3A, %mul3A_30 : i32
    %add3A_32 = arith.constant 16 : i32
    %add3A_33 = arith.addi %mul3A_31, %add3A_32 : i32
    %mul3A_34 = arith.constant 4 : i32
    %mul3A_35 = arith.muli %add3A, %mul3A_34 : i32
    %add3A_36 = arith.constant 1 : i32
    %add3A_37 = arith.addi %mul3A_35, %add3A_36 : i32
    %mul3A_38 = arith.constant 2 : i32
    %mul3A_39 = arith.muli %add3A_37, %mul3A_38 : i32
    "tpu.region"() ({
      %run_scoped3A = tpu.sem_alloc : memref<!tpu.dma_semaphore, #tpu.memory_space<semaphore_mem>>
      %dma_start3A_230 = arith.constant 0 : i32
      %dma_start3A_231 = tpu.memref_slice %arg4[%mul3A_39, %dma_start3A_230] : memref<256x16xi32, #tpu.memory_space<hbm>> -> memref<1x16xi32, #tpu.memory_space<hbm>>
      %dma_start3A_232 = tpu.memref_squeeze %dma_start3A_231 : memref<1x16xi32, #tpu.memory_space<hbm>> -> memref<16xi32, #tpu.memory_space<hbm>>
      %dma_start3A_233 = arith.constant 0 : i32
      %dma_start3A_234 = tpu.memref_slice %arg4[%mul3A_39, %dma_start3A_233] : memref<256x16xi32, #tpu.memory_space<hbm>> -> memref<1x16xi32, #tpu.memory_space<hbm>>
      %dma_start3A_235 = tpu.memref_squeeze %dma_start3A_234 : memref<1x16xi32, #tpu.memory_space<hbm>> -> memref<16xi32, #tpu.memory_space<hbm>>
      tpu.enqueue_dma source(%dma_start3A_235 : memref<16xi32, #tpu.memory_space<hbm>>) target(%arg20 : memref<16xi32, #tpu.memory_space<vmem>>) target_semaphore(%run_scoped3A : memref<!tpu.dma_semaphore, #tpu.memory_space<semaphore_mem>>)
      %dma_wait3A_236 = arith.constant 0 : i32
      %dma_wait3A_237 = tpu.memref_slice %arg4[%mul3A_39, %dma_wait3A_236] : memref<256x16xi32, #tpu.memory_space<hbm>> -> memref<1x16xi32, #tpu.memory_space<hbm>>
      %dma_wait3A_238 = tpu.memref_squeeze %dma_wait3A_237 : memref<1x16xi32, #tpu.memory_space<hbm>> -> memref<16xi32, #tpu.memory_space<hbm>>
      %dma_wait3A_239 = arith.constant 0 : i32
      %dma_wait3A_240 = tpu.memref_slice %arg4[%mul3A_39, %dma_wait3A_239] : memref<256x16xi32, #tpu.memory_space<hbm>> -> memref<1x16xi32, #tpu.memory_space<hbm>>
      %dma_wait3A_241 = tpu.memref_squeeze %dma_wait3A_240 : memref<1x16xi32, #tpu.memory_space<hbm>> -> memref<16xi32, #tpu.memory_space<hbm>>
      tpu.wait_dma2 semaphore(%run_scoped3A : memref<!tpu.dma_semaphore, #tpu.memory_space<semaphore_mem>>) src(%dma_wait3A_241 : memref<16xi32, #tpu.memory_space<hbm>>) dst(%arg20 : memref<16xi32, #tpu.memory_space<vmem>>)
      tpu.yield
    }) : () -> ()
    %add3A_40 = arith.constant 1 : i32
    %add3A_41 = arith.addi %mul3A_39, %add3A_40 : i32
    "tpu.region"() ({
      %run_scoped3A = tpu.sem_alloc : memref<!tpu.dma_semaphore, #tpu.memory_space<semaphore_mem>>
      %dma_start3A_230 = arith.constant 0 : i32
      %dma_start3A_231 = tpu.memref_slice %arg4[%add3A_41, %dma_start3A_230] : memref<256x16xi32, #tpu.memory_space<hbm>> -> memref<1x16xi32, #tpu.memory_space<hbm>>
      %dma_start3A_232 = tpu.memref_squeeze %dma_start3A_231 : memref<1x16xi32, #tpu.memory_space<hbm>> -> memref<16xi32, #tpu.memory_space<hbm>>
      %dma_start3A_233 = arith.constant 0 : i32
      %dma_start3A_234 = tpu.memref_slice %arg4[%add3A_41, %dma_start3A_233] : memref<256x16xi32, #tpu.memory_space<hbm>> -> memref<1x16xi32, #tpu.memory_space<hbm>>
      %dma_start3A_235 = tpu.memref_squeeze %dma_start3A_234 : memref<1x16xi32, #tpu.memory_space<hbm>> -> memref<16xi32, #tpu.memory_space<hbm>>
      tpu.enqueue_dma source(%dma_start3A_235 : memref<16xi32, #tpu.memory_space<hbm>>) target(%arg21 : memref<16xi32, #tpu.memory_space<vmem>>) target_semaphore(%run_scoped3A : memref<!tpu.dma_semaphore, #tpu.memory_space<semaphore_mem>>)
      %dma_wait3A_236 = arith.constant 0 : i32
      %dma_wait3A_237 = tpu.memref_slice %arg4[%add3A_41, %dma_wait3A_236] : memref<256x16xi32, #tpu.memory_space<hbm>> -> memref<1x16xi32, #tpu.memory_space<hbm>>
      %dma_wait3A_238 = tpu.memref_squeeze %dma_wait3A_237 : memref<1x16xi32, #tpu.memory_space<hbm>> -> memref<16xi32, #tpu.memory_space<hbm>>
      %dma_wait3A_239 = arith.constant 0 : i32
      %dma_wait3A_240 = tpu.memref_slice %arg4[%add3A_41, %dma_wait3A_239] : memref<256x16xi32, #tpu.memory_space<hbm>> -> memref<1x16xi32, #tpu.memory_space<hbm>>
      %dma_wait3A_241 = tpu.memref_squeeze %dma_wait3A_240 : memref<1x16xi32, #tpu.memory_space<hbm>> -> memref<16xi32, #tpu.memory_space<hbm>>
      tpu.wait_dma2 semaphore(%run_scoped3A : memref<!tpu.dma_semaphore, #tpu.memory_space<semaphore_mem>>) src(%dma_wait3A_241 : memref<16xi32, #tpu.memory_space<hbm>>) dst(%arg21 : memref<16xi32, #tpu.memory_space<vmem>>)
      tpu.yield
    }) : () -> ()
    %dma_start3A_42 = arith.constant 0 : i32
    %dma_start3A_43 = tpu.memref_slice %arg3[%add3A_33, %dma_start3A_42] : memref<2048x1024xf32, #tpu.memory_space<hbm>> -> memref<16x1024xf32, #tpu.memory_space<hbm>>
    %dma_start3A_44 = arith.constant 0 : i32
    %dma_start3A_45 = tpu.memref_slice %arg3[%add3A_33, %dma_start3A_44] : memref<2048x1024xf32, #tpu.memory_space<hbm>> -> memref<16x1024xf32, #tpu.memory_space<hbm>>
    tpu.enqueue_dma source(%dma_start3A_45 : memref<16x1024xf32, #tpu.memory_space<hbm>>) target(%arg13 : memref<16x1024xf32, #tpu.memory_space<vmem>>) target_semaphore(%arg23 : memref<!tpu.dma_semaphore, #tpu.memory_space<semaphore_mem>>)
    %dma_start3A_46 = arith.constant 0 : i32
    %dma_start3A_47 = arith.constant 0 : i32
    %dma_start3A_48 = tpu.memref_slice %arg2[%dma_start3A_46, %dma_start3A_47] : memref<12288x1024xf32, #tpu.memory_space<hbm>> -> memref<12288x1024xf32, #tpu.memory_space<hbm>>
    tpu.enqueue_indirect_dma source(%dma_start3A_48 : memref<12288x1024xf32, #tpu.memory_space<hbm>>) target(%arg14 : memref<16x1024xf32, #tpu.memory_space<vmem>>) offsets(%arg20 : memref<16xi32, #tpu.memory_space<vmem>>) semaphore(%arg23 : memref<!tpu.dma_semaphore, #tpu.memory_space<semaphore_mem>>)
    %dma_start3A_49 = arith.constant 0 : i32
    %dma_start3A_50 = arith.constant 0 : i32
    %dma_start3A_51 = tpu.memref_slice %arg2[%dma_start3A_49, %dma_start3A_50] : memref<12288x1024xf32, #tpu.memory_space<hbm>> -> memref<12288x1024xf32, #tpu.memory_space<hbm>>
    tpu.enqueue_indirect_dma source(%dma_start3A_51 : memref<12288x1024xf32, #tpu.memory_space<hbm>>) target(%arg15 : memref<16x1024xf32, #tpu.memory_space<vmem>>) offsets(%arg21 : memref<16xi32, #tpu.memory_space<vmem>>) semaphore(%arg23 : memref<!tpu.dma_semaphore, #tpu.memory_space<semaphore_mem>>)
    %dma_start3A_52 = arith.constant 0 : i32
    %dma_start3A_53 = tpu.memref_slice %arg5[%add3A_33, %dma_start3A_52] : memref<2048x16xf32, #tpu.memory_space<hbm>> -> memref<16x16xf32, #tpu.memory_space<hbm>>
    %dma_start3A_54 = arith.constant 0 : i32
    %dma_start3A_55 = tpu.memref_slice %arg5[%add3A_33, %dma_start3A_54] : memref<2048x16xf32, #tpu.memory_space<hbm>> -> memref<16x16xf32, #tpu.memory_space<hbm>>
    tpu.enqueue_dma source(%dma_start3A_55 : memref<16x16xf32, #tpu.memory_space<hbm>>) target(%arg16 : memref<16x16xf32, #tpu.memory_space<vmem>>) target_semaphore(%arg23 : memref<!tpu.dma_semaphore, #tpu.memory_space<semaphore_mem>>)
    %dma_start3A_56 = arith.constant 0 : i32
    %dma_start3A_57 = tpu.memref_slice %arg6[%add3A_33, %dma_start3A_56] : memref<2048x16xf32, #tpu.memory_space<hbm>> -> memref<16x16xf32, #tpu.memory_space<hbm>>
    %dma_start3A_58 = arith.constant 0 : i32
    %dma_start3A_59 = tpu.memref_slice %arg6[%add3A_33, %dma_start3A_58] : memref<2048x16xf32, #tpu.memory_space<hbm>> -> memref<16x16xf32, #tpu.memory_space<hbm>>
    tpu.enqueue_dma source(%dma_start3A_59 : memref<16x16xf32, #tpu.memory_space<hbm>>) target(%arg17 : memref<16x16xf32, #tpu.memory_space<vmem>>) target_semaphore(%arg23 : memref<!tpu.dma_semaphore, #tpu.memory_space<semaphore_mem>>)
    %dma_wait3A = arith.constant 0 : i32
    %dma_wait3A_60 = tpu.memref_slice %arg3[%add3A_4, %dma_wait3A] : memref<2048x1024xf32, #tpu.memory_space<hbm>> -> memref<16x1024xf32, #tpu.memory_space<hbm>>
    %dma_wait3A_61 = arith.constant 0 : i32
    %dma_wait3A_62 = tpu.memref_slice %arg3[%add3A_4, %dma_wait3A_61] : memref<2048x1024xf32, #tpu.memory_space<hbm>> -> memref<16x1024xf32, #tpu.memory_space<hbm>>
    tpu.wait_dma2 semaphore(%arg22 : memref<!tpu.dma_semaphore, #tpu.memory_space<semaphore_mem>>) src(%dma_wait3A_62 : memref<16x1024xf32, #tpu.memory_space<hbm>>) dst(%arg8 : memref<16x1024xf32, #tpu.memory_space<vmem>>)
    %dma_wait3A_63 = arith.constant 0 : i32
    %dma_wait3A_64 = arith.constant 0 : i32
    %dma_wait3A_65 = tpu.memref_slice %arg2[%dma_wait3A_63, %dma_wait3A_64] : memref<12288x1024xf32, #tpu.memory_space<hbm>> -> memref<12288x1024xf32, #tpu.memory_space<hbm>>
    tpu.wait_indirect_dma semaphore(%arg22 : memref<!tpu.dma_semaphore, #tpu.memory_space<semaphore_mem>>) src(%dma_wait3A_65 : memref<12288x1024xf32, #tpu.memory_space<hbm>>) dst(%arg9 : memref<16x1024xf32, #tpu.memory_space<vmem>>)
    %dma_wait3A_66 = arith.constant 0 : i32
    %dma_wait3A_67 = arith.constant 0 : i32
    %dma_wait3A_68 = tpu.memref_slice %arg2[%dma_wait3A_66, %dma_wait3A_67] : memref<12288x1024xf32, #tpu.memory_space<hbm>> -> memref<12288x1024xf32, #tpu.memory_space<hbm>>
    tpu.wait_indirect_dma semaphore(%arg22 : memref<!tpu.dma_semaphore, #tpu.memory_space<semaphore_mem>>) src(%dma_wait3A_68 : memref<12288x1024xf32, #tpu.memory_space<hbm>>) dst(%arg10 : memref<16x1024xf32, #tpu.memory_space<vmem>>)
    %dma_wait3A_69 = arith.constant 0 : i32
    %dma_wait3A_70 = tpu.memref_slice %arg5[%add3A_4, %dma_wait3A_69] : memref<2048x16xf32, #tpu.memory_space<hbm>> -> memref<16x16xf32, #tpu.memory_space<hbm>>
    %dma_wait3A_71 = arith.constant 0 : i32
    %dma_wait3A_72 = tpu.memref_slice %arg5[%add3A_4, %dma_wait3A_71] : memref<2048x16xf32, #tpu.memory_space<hbm>> -> memref<16x16xf32, #tpu.memory_space<hbm>>
    tpu.wait_dma2 semaphore(%arg22 : memref<!tpu.dma_semaphore, #tpu.memory_space<semaphore_mem>>) src(%dma_wait3A_72 : memref<16x16xf32, #tpu.memory_space<hbm>>) dst(%arg11 : memref<16x16xf32, #tpu.memory_space<vmem>>)
    %dma_wait3A_73 = arith.constant 0 : i32
    %dma_wait3A_74 = tpu.memref_slice %arg6[%add3A_4, %dma_wait3A_73] : memref<2048x16xf32, #tpu.memory_space<hbm>> -> memref<16x16xf32, #tpu.memory_space<hbm>>
    %dma_wait3A_75 = arith.constant 0 : i32
    %dma_wait3A_76 = tpu.memref_slice %arg6[%add3A_4, %dma_wait3A_75] : memref<2048x16xf32, #tpu.memory_space<hbm>> -> memref<16x16xf32, #tpu.memory_space<hbm>>
    tpu.wait_dma2 semaphore(%arg22 : memref<!tpu.dma_semaphore, #tpu.memory_space<semaphore_mem>>) src(%dma_wait3A_76 : memref<16x16xf32, #tpu.memory_space<hbm>>) dst(%arg12 : memref<16x16xf32, #tpu.memory_space<vmem>>)
    %scan3A = arith.constant 0 : i32
    %scan3A_77 = arith.constant 0 : i32
    %scan3A_78 = arith.constant 16 : i32
    %scan3A_79 = arith.addi %scan3A_77, %scan3A_78 : i32
    %scan3A_80 = arith.constant 1 : i32
    scf.for %scan3A_230 = %scan3A_77 to %scan3A_79 step %scan3A_80  : i32 {
      %get3A = arith.index_cast %scan3A_230 : i32 to index
      %get3A_231 = arith.constant 0 : index
      %get3A_232 = tpu.vector_load %arg11[%get3A, %get3A_231] {strides = array<i32>} : memref<16x16xf32, #tpu.memory_space<vmem>>, vector<1x16xf32>,
      %get3A_233 = vector.shape_cast %get3A_232 : vector<1x16xf32> to vector<16xf32>
      %get3A_234 = arith.index_cast %scan3A_230 : i32 to index
      %get3A_235 = arith.constant 0 : index
      %get3A_236 = tpu.vector_load %arg12[%get3A_234, %get3A_235] {strides = array<i32>} : memref<16x16xf32, #tpu.memory_space<vmem>>, vector<1x16xf32>,
      %get3A_237 = vector.shape_cast %get3A_236 : vector<1x16xf32> to vector<16xf32>
      %parallel_loop3A = arith.constant 0 : i32
      %parallel_loop3A_238 = arith.constant 1024 : i32
      %parallel_loop3A_239 = arith.constant 16 : i32
      scf.for %parallel_loop3A_240 = %parallel_loop3A to %parallel_loop3A_238 step %parallel_loop3A_239  : i32 {
        %parallel_loop3A_241 = arith.index_cast %scan3A_230 : i32 to index
        %parallel_loop3A_242 = arith.index_cast %parallel_loop3A_240 : i32 to index
        %parallel_loop3A_243 = tpu.vector_load %arg8[%parallel_loop3A_241, %parallel_loop3A_242] {strides = array<i32>} : memref<16x1024xf32, #tpu.memory_space<vmem>>, vector<1x16xf32>,
        %parallel_loop3A_244 = vector.shape_cast %parallel_loop3A_243 : vector<1x16xf32> to vector<16xf32>
        %parallel_loop3A_245 = arith.index_cast %scan3A_230 : i32 to index
        %parallel_loop3A_246 = arith.index_cast %parallel_loop3A_240 : i32 to index
        %parallel_loop3A_247 = tpu.vector_load %arg9[%parallel_loop3A_245, %parallel_loop3A_246] {strides = array<i32>} : memref<16x1024xf32, #tpu.memory_space<vmem>>, vector<1x16xf32>,
        %parallel_loop3A_248 = vector.shape_cast %parallel_loop3A_247 : vector<1x16xf32> to vector<16xf32>
        %parallel_loop3A_249 = arith.mulf %get3A_233, %parallel_loop3A_248 : vector<16xf32>
        %parallel_loop3A_250 = arith.addf %parallel_loop3A_244, %parallel_loop3A_249 : vector<16xf32>
        %parallel_loop3A_251 = arith.index_cast %scan3A_230 : i32 to index
        %parallel_loop3A_252 = arith.index_cast %parallel_loop3A_240 : i32 to index
        %parallel_loop3A_253 = tpu.vector_load %arg10[%parallel_loop3A_251, %parallel_loop3A_252] {strides = array<i32>} : memref<16x1024xf32, #tpu.memory_space<vmem>>, vector<1x16xf32>,
        %parallel_loop3A_254 = vector.shape_cast %parallel_loop3A_253 : vector<1x16xf32> to vector<16xf32>
        %parallel_loop3A_255 = arith.mulf %get3A_237, %parallel_loop3A_254 : vector<16xf32>
        %parallel_loop3A_256 = arith.addf %parallel_loop3A_250, %parallel_loop3A_255 : vector<16xf32>
        %parallel_loop3A_257 = arith.index_cast %scan3A_230 : i32 to index
        %parallel_loop3A_258 = arith.index_cast %parallel_loop3A_240 : i32 to index
        %parallel_loop3A_259 = tpu.vector_load %arg8[%parallel_loop3A_257, %parallel_loop3A_258] {strides = array<i32>} : memref<16x1024xf32, #tpu.memory_space<vmem>>, vector<1x16xf32>,
        %parallel_loop3A_260 = vector.shape_cast %parallel_loop3A_259 : vector<1x16xf32> to vector<16xf32>
        %parallel_loop3A_261 = vector.shape_cast %parallel_loop3A_256 : vector<16xf32> to vector<1x16xf32>
        tpu.vector_store %arg8[%parallel_loop3A_257, %parallel_loop3A_258], %parallel_loop3A_261 {strides = array<i32>} : memref<16x1024xf32, #tpu.memory_space<vmem>>, vector<1x16xf32>,
      } {sc.loop_unroll_factor = 8 : i64, sc.parallel_access}
    }
    %scan3A_81 = arith.constant 16 : i32
    %mul3A_82 = arith.constant 64 : i32
    %mul3A_83 = arith.muli %add3A, %mul3A_82 : i32
    %add3A_84 = arith.constant 0 : i32
    %add3A_85 = arith.addi %mul3A_83, %add3A_84 : i32
    "tpu.region"() ({
      %run_scoped3A = tpu.sem_alloc : memref<!tpu.dma_semaphore, #tpu.memory_space<semaphore_mem>>
      %dma_start3A_230 = arith.constant 0 : i32
      %dma_start3A_231 = tpu.memref_slice %arg7[%add3A_85, %dma_start3A_230] : memref<2048x1024xf32, #tpu.memory_space<hbm>> -> memref<16x1024xf32, #tpu.memory_space<hbm>>
      %dma_start3A_232 = arith.constant 0 : i32
      %dma_start3A_233 = tpu.memref_slice %arg7[%add3A_85, %dma_start3A_232] : memref<2048x1024xf32, #tpu.memory_space<hbm>> -> memref<16x1024xf32, #tpu.memory_space<hbm>>
      tpu.enqueue_dma source(%arg8 : memref<16x1024xf32, #tpu.memory_space<vmem>>) target(%dma_start3A_233 : memref<16x1024xf32, #tpu.memory_space<hbm>>) target_semaphore(%run_scoped3A : memref<!tpu.dma_semaphore, #tpu.memory_space<semaphore_mem>>)
      %dma_wait3A_234 = arith.constant 0 : i32
      %dma_wait3A_235 = tpu.memref_slice %arg7[%add3A_85, %dma_wait3A_234] : memref<2048x1024xf32, #tpu.memory_space<hbm>> -> memref<16x1024xf32, #tpu.memory_space<hbm>>
      %dma_wait3A_236 = arith.constant 0 : i32
      %dma_wait3A_237 = tpu.memref_slice %arg7[%add3A_85, %dma_wait3A_236] : memref<2048x1024xf32, #tpu.memory_space<hbm>> -> memref<16x1024xf32, #tpu.memory_space<hbm>>
      tpu.wait_dma2 semaphore(%run_scoped3A : memref<!tpu.dma_semaphore, #tpu.memory_space<semaphore_mem>>) src(%arg8 : memref<16x1024xf32, #tpu.memory_space<vmem>>) dst(%dma_wait3A_237 : memref<16x1024xf32, #tpu.memory_space<hbm>>)
      tpu.yield
    }) : () -> ()
    %mul3A_86 = arith.constant 64 : i32
    %mul3A_87 = arith.muli %add3A, %mul3A_86 : i32
    %add3A_88 = arith.constant 32 : i32
    %add3A_89 = arith.addi %mul3A_87, %add3A_88 : i32
    %mul3A_90 = arith.constant 4 : i32
    %mul3A_91 = arith.muli %add3A, %mul3A_90 : i32
    %add3A_92 = arith.constant 2 : i32
    %add3A_93 = arith.addi %mul3A_91, %add3A_92 : i32
    %mul3A_94 = arith.constant 2 : i32
    %mul3A_95 = arith.muli %add3A_93, %mul3A_94 : i32
    "tpu.region"() ({
      %run_scoped3A = tpu.sem_alloc : memref<!tpu.dma_semaphore, #tpu.memory_space<semaphore_mem>>
      %dma_start3A_230 = arith.constant 0 : i32
      %dma_start3A_231 = tpu.memref_slice %arg4[%mul3A_95, %dma_start3A_230] : memref<256x16xi32, #tpu.memory_space<hbm>> -> memref<1x16xi32, #tpu.memory_space<hbm>>
      %dma_start3A_232 = tpu.memref_squeeze %dma_start3A_231 : memref<1x16xi32, #tpu.memory_space<hbm>> -> memref<16xi32, #tpu.memory_space<hbm>>
      %dma_start3A_233 = arith.constant 0 : i32
      %dma_start3A_234 = tpu.memref_slice %arg4[%mul3A_95, %dma_start3A_233] : memref<256x16xi32, #tpu.memory_space<hbm>> -> memref<1x16xi32, #tpu.memory_space<hbm>>
      %dma_start3A_235 = tpu.memref_squeeze %dma_start3A_234 : memref<1x16xi32, #tpu.memory_space<hbm>> -> memref<16xi32, #tpu.memory_space<hbm>>
      tpu.enqueue_dma source(%dma_start3A_235 : memref<16xi32, #tpu.memory_space<hbm>>) target(%arg18 : memref<16xi32, #tpu.memory_space<vmem>>) target_semaphore(%run_scoped3A : memref<!tpu.dma_semaphore, #tpu.memory_space<semaphore_mem>>)
      %dma_wait3A_236 = arith.constant 0 : i32
      %dma_wait3A_237 = tpu.memref_slice %arg4[%mul3A_95, %dma_wait3A_236] : memref<256x16xi32, #tpu.memory_space<hbm>> -> memref<1x16xi32, #tpu.memory_space<hbm>>
      %dma_wait3A_238 = tpu.memref_squeeze %dma_wait3A_237 : memref<1x16xi32, #tpu.memory_space<hbm>> -> memref<16xi32, #tpu.memory_space<hbm>>
      %dma_wait3A_239 = arith.constant 0 : i32
      %dma_wait3A_240 = tpu.memref_slice %arg4[%mul3A_95, %dma_wait3A_239] : memref<256x16xi32, #tpu.memory_space<hbm>> -> memref<1x16xi32, #tpu.memory_space<hbm>>
      %dma_wait3A_241 = tpu.memref_squeeze %dma_wait3A_240 : memref<1x16xi32, #tpu.memory_space<hbm>> -> memref<16xi32, #tpu.memory_space<hbm>>
      tpu.wait_dma2 semaphore(%run_scoped3A : memref<!tpu.dma_semaphore, #tpu.memory_space<semaphore_mem>>) src(%dma_wait3A_241 : memref<16xi32, #tpu.memory_space<hbm>>) dst(%arg18 : memref<16xi32, #tpu.memory_space<vmem>>)
      tpu.yield
    }) : () -> ()
    %add3A_96 = arith.constant 1 : i32
    %add3A_97 = arith.addi %mul3A_95, %add3A_96 : i32
    "tpu.region"() ({
      %run_scoped3A = tpu.sem_alloc : memref<!tpu.dma_semaphore, #tpu.memory_space<semaphore_mem>>
      %dma_start3A_230 = arith.constant 0 : i32
      %dma_start3A_231 = tpu.memref_slice %arg4[%add3A_97, %dma_start3A_230] : memref<256x16xi32, #tpu.memory_space<hbm>> -> memref<1x16xi32, #tpu.memory_space<hbm>>
      %dma_start3A_232 = tpu.memref_squeeze %dma_start3A_231 : memref<1x16xi32, #tpu.memory_space<hbm>> -> memref<16xi32, #tpu.memory_space<hbm>>
      %dma_start3A_233 = arith.constant 0 : i32
      %dma_start3A_234 = tpu.memref_slice %arg4[%add3A_97, %dma_start3A_233] : memref<256x16xi32, #tpu.memory_space<hbm>> -> memref<1x16xi32, #tpu.memory_space<hbm>>
      %dma_start3A_235 = tpu.memref_squeeze %dma_start3A_234 : memref<1x16xi32, #tpu.memory_space<hbm>> -> memref<16xi32, #tpu.memory_space<hbm>>
      tpu.enqueue_dma source(%dma_start3A_235 : memref<16xi32, #tpu.memory_space<hbm>>) target(%arg19 : memref<16xi32, #tpu.memory_space<vmem>>) target_semaphore(%run_scoped3A : memref<!tpu.dma_semaphore, #tpu.memory_space<semaphore_mem>>)
      %dma_wait3A_236 = arith.constant 0 : i32
      %dma_wait3A_237 = tpu.memref_slice %arg4[%add3A_97, %dma_wait3A_236] : memref<256x16xi32, #tpu.memory_space<hbm>> -> memref<1x16xi32, #tpu.memory_space<hbm>>
      %dma_wait3A_238 = tpu.memref_squeeze %dma_wait3A_237 : memref<1x16xi32, #tpu.memory_space<hbm>> -> memref<16xi32, #tpu.memory_space<hbm>>
      %dma_wait3A_239 = arith.constant 0 : i32
      %dma_wait3A_240 = tpu.memref_slice %arg4[%add3A_97, %dma_wait3A_239] : memref<256x16xi32, #tpu.memory_space<hbm>> -> memref<1x16xi32, #tpu.memory_space<hbm>>
      %dma_wait3A_241 = tpu.memref_squeeze %dma_wait3A_240 : memref<1x16xi32, #tpu.memory_space<hbm>> -> memref<16xi32, #tpu.memory_space<hbm>>
      tpu.wait_dma2 semaphore(%run_scoped3A : memref<!tpu.dma_semaphore, #tpu.memory_space<semaphore_mem>>) src(%dma_wait3A_241 : memref<16xi32, #tpu.memory_space<hbm>>) dst(%arg19 : memref<16xi32, #tpu.memory_space<vmem>>)
      tpu.yield
    }) : () -> ()
    %dma_start3A_98 = arith.constant 0 : i32
    %dma_start3A_99 = tpu.memref_slice %arg3[%add3A_89, %dma_start3A_98] : memref<2048x1024xf32, #tpu.memory_space<hbm>> -> memref<16x1024xf32, #tpu.memory_space<hbm>>
    %dma_start3A_100 = arith.constant 0 : i32
    %dma_start3A_101 = tpu.memref_slice %arg3[%add3A_89, %dma_start3A_100] : memref<2048x1024xf32, #tpu.memory_space<hbm>> -> memref<16x1024xf32, #tpu.memory_space<hbm>>
    tpu.enqueue_dma source(%dma_start3A_101 : memref<16x1024xf32, #tpu.memory_space<hbm>>) target(%arg8 : memref<16x1024xf32, #tpu.memory_space<vmem>>) target_semaphore(%arg22 : memref<!tpu.dma_semaphore, #tpu.memory_space<semaphore_mem>>)
    %dma_start3A_102 = arith.constant 0 : i32
    %dma_start3A_103 = arith.constant 0 : i32
    %dma_start3A_104 = tpu.memref_slice %arg2[%dma_start3A_102, %dma_start3A_103] : memref<12288x1024xf32, #tpu.memory_space<hbm>> -> memref<12288x1024xf32, #tpu.memory_space<hbm>>
    tpu.enqueue_indirect_dma source(%dma_start3A_104 : memref<12288x1024xf32, #tpu.memory_space<hbm>>) target(%arg9 : memref<16x1024xf32, #tpu.memory_space<vmem>>) offsets(%arg18 : memref<16xi32, #tpu.memory_space<vmem>>) semaphore(%arg22 : memref<!tpu.dma_semaphore, #tpu.memory_space<semaphore_mem>>)
    %dma_start3A_105 = arith.constant 0 : i32
    %dma_start3A_106 = arith.constant 0 : i32
    %dma_start3A_107 = tpu.memref_slice %arg2[%dma_start3A_105, %dma_start3A_106] : memref<12288x1024xf32, #tpu.memory_space<hbm>> -> memref<12288x1024xf32, #tpu.memory_space<hbm>>
    tpu.enqueue_indirect_dma source(%dma_start3A_107 : memref<12288x1024xf32, #tpu.memory_space<hbm>>) target(%arg10 : memref<16x1024xf32, #tpu.memory_space<vmem>>) offsets(%arg19 : memref<16xi32, #tpu.memory_space<vmem>>) semaphore(%arg22 : memref<!tpu.dma_semaphore, #tpu.memory_space<semaphore_mem>>)
    %dma_start3A_108 = arith.constant 0 : i32
    %dma_start3A_109 = tpu.memref_slice %arg5[%add3A_89, %dma_start3A_108] : memref<2048x16xf32, #tpu.memory_space<hbm>> -> memref<16x16xf32, #tpu.memory_space<hbm>>
    %dma_start3A_110 = arith.constant 0 : i32
    %dma_start3A_111 = tpu.memref_slice %arg5[%add3A_89, %dma_start3A_110] : memref<2048x16xf32, #tpu.memory_space<hbm>> -> memref<16x16xf32, #tpu.memory_space<hbm>>
    tpu.enqueue_dma source(%dma_start3A_111 : memref<16x16xf32, #tpu.memory_space<hbm>>) target(%arg11 : memref<16x16xf32, #tpu.memory_space<vmem>>) target_semaphore(%arg22 : memref<!tpu.dma_semaphore, #tpu.memory_space<semaphore_mem>>)
    %dma_start3A_112 = arith.constant 0 : i32
    %dma_start3A_113 = tpu.memref_slice %arg6[%add3A_89, %dma_start3A_112] : memref<2048x16xf32, #tpu.memory_space<hbm>> -> memref<16x16xf32, #tpu.memory_space<hbm>>
    %dma_start3A_114 = arith.constant 0 : i32
    %dma_start3A_115 = tpu.memref_slice %arg6[%add3A_89, %dma_start3A_114] : memref<2048x16xf32, #tpu.memory_space<hbm>> -> memref<16x16xf32, #tpu.memory_space<hbm>>
    tpu.enqueue_dma source(%dma_start3A_115 : memref<16x16xf32, #tpu.memory_space<hbm>>) target(%arg12 : memref<16x16xf32, #tpu.memory_space<vmem>>) target_semaphore(%arg22 : memref<!tpu.dma_semaphore, #tpu.memory_space<semaphore_mem>>)
    %dma_wait3A_116 = arith.constant 0 : i32
    %dma_wait3A_117 = tpu.memref_slice %arg3[%add3A_33, %dma_wait3A_116] : memref<2048x1024xf32, #tpu.memory_space<hbm>> -> memref<16x1024xf32, #tpu.memory_space<hbm>>
    %dma_wait3A_118 = arith.constant 0 : i32
    %dma_wait3A_119 = tpu.memref_slice %arg3[%add3A_33, %dma_wait3A_118] : memref<2048x1024xf32, #tpu.memory_space<hbm>> -> memref<16x1024xf32, #tpu.memory_space<hbm>>
    tpu.wait_dma2 semaphore(%arg23 : memref<!tpu.dma_semaphore, #tpu.memory_space<semaphore_mem>>) src(%dma_wait3A_119 : memref<16x1024xf32, #tpu.memory_space<hbm>>) dst(%arg13 : memref<16x1024xf32, #tpu.memory_space<vmem>>)
    %dma_wait3A_120 = arith.constant 0 : i32
    %dma_wait3A_121 = arith.constant 0 : i32
    %dma_wait3A_122 = tpu.memref_slice %arg2[%dma_wait3A_120, %dma_wait3A_121] : memref<12288x1024xf32, #tpu.memory_space<hbm>> -> memref<12288x1024xf32, #tpu.memory_space<hbm>>
    tpu.wait_indirect_dma semaphore(%arg23 : memref<!tpu.dma_semaphore, #tpu.memory_space<semaphore_mem>>) src(%dma_wait3A_122 : memref<12288x1024xf32, #tpu.memory_space<hbm>>) dst(%arg14 : memref<16x1024xf32, #tpu.memory_space<vmem>>)
    %dma_wait3A_123 = arith.constant 0 : i32
    %dma_wait3A_124 = arith.constant 0 : i32
    %dma_wait3A_125 = tpu.memref_slice %arg2[%dma_wait3A_123, %dma_wait3A_124] : memref<12288x1024xf32, #tpu.memory_space<hbm>> -> memref<12288x1024xf32, #tpu.memory_space<hbm>>
    tpu.wait_indirect_dma semaphore(%arg23 : memref<!tpu.dma_semaphore, #tpu.memory_space<semaphore_mem>>) src(%dma_wait3A_125 : memref<12288x1024xf32, #tpu.memory_space<hbm>>) dst(%arg15 : memref<16x1024xf32, #tpu.memory_space<vmem>>)
    %dma_wait3A_126 = arith.constant 0 : i32
    %dma_wait3A_127 = tpu.memref_slice %arg5[%add3A_33, %dma_wait3A_126] : memref<2048x16xf32, #tpu.memory_space<hbm>> -> memref<16x16xf32, #tpu.memory_space<hbm>>
    %dma_wait3A_128 = arith.constant 0 : i32
    %dma_wait3A_129 = tpu.memref_slice %arg5[%add3A_33, %dma_wait3A_128] : memref<2048x16xf32, #tpu.memory_space<hbm>> -> memref<16x16xf32, #tpu.memory_space<hbm>>
    tpu.wait_dma2 semaphore(%arg23 : memref<!tpu.dma_semaphore, #tpu.memory_space<semaphore_mem>>) src(%dma_wait3A_129 : memref<16x16xf32, #tpu.memory_space<hbm>>) dst(%arg16 : memref<16x16xf32, #tpu.memory_space<vmem>>)
    %dma_wait3A_130 = arith.constant 0 : i32
    %dma_wait3A_131 = tpu.memref_slice %arg6[%add3A_33, %dma_wait3A_130] : memref<2048x16xf32, #tpu.memory_space<hbm>> -> memref<16x16xf32, #tpu.memory_space<hbm>>
    %dma_wait3A_132 = arith.constant 0 : i32
    %dma_wait3A_133 = tpu.memref_slice %arg6[%add3A_33, %dma_wait3A_132] : memref<2048x16xf32, #tpu.memory_space<hbm>> -> memref<16x16xf32, #tpu.memory_space<hbm>>
    tpu.wait_dma2 semaphore(%arg23 : memref<!tpu.dma_semaphore, #tpu.memory_space<semaphore_mem>>) src(%dma_wait3A_133 : memref<16x16xf32, #tpu.memory_space<hbm>>) dst(%arg17 : memref<16x16xf32, #tpu.memory_space<vmem>>)
    %scan3A_134 = arith.constant 0 : i32
    %scan3A_135 = arith.constant 0 : i32
    %scan3A_136 = arith.constant 16 : i32
    %scan3A_137 = arith.addi %scan3A_135, %scan3A_136 : i32
    %scan3A_138 = arith.constant 1 : i32
    scf.for %scan3A_230 = %scan3A_135 to %scan3A_137 step %scan3A_138  : i32 {
      %get3A = arith.index_cast %scan3A_230 : i32 to index
      %get3A_231 = arith.constant 0 : index
      %get3A_232 = tpu.vector_load %arg16[%get3A, %get3A_231] {strides = array<i32>} : memref<16x16xf32, #tpu.memory_space<vmem>>, vector<1x16xf32>,
      %get3A_233 = vector.shape_cast %get3A_232 : vector<1x16xf32> to vector<16xf32>
      %get3A_234 = arith.index_cast %scan3A_230 : i32 to index
      %get3A_235 = arith.constant 0 : index
      %get3A_236 = tpu.vector_load %arg17[%get3A_234, %get3A_235] {strides = array<i32>} : memref<16x16xf32, #tpu.memory_space<vmem>>, vector<1x16xf32>,
      %get3A_237 = vector.shape_cast %get3A_236 : vector<1x16xf32> to vector<16xf32>
      %parallel_loop3A = arith.constant 0 : i32
      %parallel_loop3A_238 = arith.constant 1024 : i32
      %parallel_loop3A_239 = arith.constant 16 : i32
      scf.for %parallel_loop3A_240 = %parallel_loop3A to %parallel_loop3A_238 step %parallel_loop3A_239  : i32 {
        %parallel_loop3A_241 = arith.index_cast %scan3A_230 : i32 to index
        %parallel_loop3A_242 = arith.index_cast %parallel_loop3A_240 : i32 to index
        %parallel_loop3A_243 = tpu.vector_load %arg13[%parallel_loop3A_241, %parallel_loop3A_242] {strides = array<i32>} : memref<16x1024xf32, #tpu.memory_space<vmem>>, vector<1x16xf32>,
        %parallel_loop3A_244 = vector.shape_cast %parallel_loop3A_243 : vector<1x16xf32> to vector<16xf32>
        %parallel_loop3A_245 = arith.index_cast %scan3A_230 : i32 to index
        %parallel_loop3A_246 = arith.index_cast %parallel_loop3A_240 : i32 to index
        %parallel_loop3A_247 = tpu.vector_load %arg14[%parallel_loop3A_245, %parallel_loop3A_246] {strides = array<i32>} : memref<16x1024xf32, #tpu.memory_space<vmem>>, vector<1x16xf32>,
        %parallel_loop3A_248 = vector.shape_cast %parallel_loop3A_247 : vector<1x16xf32> to vector<16xf32>
        %parallel_loop3A_249 = arith.mulf %get3A_233, %parallel_loop3A_248 : vector<16xf32>
        %parallel_loop3A_250 = arith.addf %parallel_loop3A_244, %parallel_loop3A_249 : vector<16xf32>
        %parallel_loop3A_251 = arith.index_cast %scan3A_230 : i32 to index
        %parallel_loop3A_252 = arith.index_cast %parallel_loop3A_240 : i32 to index
        %parallel_loop3A_253 = tpu.vector_load %arg15[%parallel_loop3A_251, %parallel_loop3A_252] {strides = array<i32>} : memref<16x1024xf32, #tpu.memory_space<vmem>>, vector<1x16xf32>,
        %parallel_loop3A_254 = vector.shape_cast %parallel_loop3A_253 : vector<1x16xf32> to vector<16xf32>
        %parallel_loop3A_255 = arith.mulf %get3A_237, %parallel_loop3A_254 : vector<16xf32>
        %parallel_loop3A_256 = arith.addf %parallel_loop3A_250, %parallel_loop3A_255 : vector<16xf32>
        %parallel_loop3A_257 = arith.index_cast %scan3A_230 : i32 to index
        %parallel_loop3A_258 = arith.index_cast %parallel_loop3A_240 : i32 to index
        %parallel_loop3A_259 = tpu.vector_load %arg13[%parallel_loop3A_257, %parallel_loop3A_258] {strides = array<i32>} : memref<16x1024xf32, #tpu.memory_space<vmem>>, vector<1x16xf32>,
        %parallel_loop3A_260 = vector.shape_cast %parallel_loop3A_259 : vector<1x16xf32> to vector<16xf32>
        %parallel_loop3A_261 = vector.shape_cast %parallel_loop3A_256 : vector<16xf32> to vector<1x16xf32>
        tpu.vector_store %arg13[%parallel_loop3A_257, %parallel_loop3A_258], %parallel_loop3A_261 {strides = array<i32>} : memref<16x1024xf32, #tpu.memory_space<vmem>>, vector<1x16xf32>,
      } {sc.loop_unroll_factor = 8 : i64, sc.parallel_access}
    }
    %scan3A_139 = arith.constant 16 : i32
    %mul3A_140 = arith.constant 64 : i32
    %mul3A_141 = arith.muli %add3A, %mul3A_140 : i32
    %add3A_142 = arith.constant 16 : i32
    %add3A_143 = arith.addi %mul3A_141, %add3A_142 : i32
    "tpu.region"() ({
      %run_scoped3A = tpu.sem_alloc : memref<!tpu.dma_semaphore, #tpu.memory_space<semaphore_mem>>
      %dma_start3A_230 = arith.constant 0 : i32
      %dma_start3A_231 = tpu.memref_slice %arg7[%add3A_143, %dma_start3A_230] : memref<2048x1024xf32, #tpu.memory_space<hbm>> -> memref<16x1024xf32, #tpu.memory_space<hbm>>
      %dma_start3A_232 = arith.constant 0 : i32
      %dma_start3A_233 = tpu.memref_slice %arg7[%add3A_143, %dma_start3A_232] : memref<2048x1024xf32, #tpu.memory_space<hbm>> -> memref<16x1024xf32, #tpu.memory_space<hbm>>
      tpu.enqueue_dma source(%arg13 : memref<16x1024xf32, #tpu.memory_space<vmem>>) target(%dma_start3A_233 : memref<16x1024xf32, #tpu.memory_space<hbm>>) target_semaphore(%run_scoped3A : memref<!tpu.dma_semaphore, #tpu.memory_space<semaphore_mem>>)
      %dma_wait3A_234 = arith.constant 0 : i32
      %dma_wait3A_235 = tpu.memref_slice %arg7[%add3A_143, %dma_wait3A_234] : memref<2048x1024xf32, #tpu.memory_space<hbm>> -> memref<16x1024xf32, #tpu.memory_space<hbm>>
      %dma_wait3A_236 = arith.constant 0 : i32
      %dma_wait3A_237 = tpu.memref_slice %arg7[%add3A_143, %dma_wait3A_236] : memref<2048x1024xf32, #tpu.memory_space<hbm>> -> memref<16x1024xf32, #tpu.memory_space<hbm>>
      tpu.wait_dma2 semaphore(%run_scoped3A : memref<!tpu.dma_semaphore, #tpu.memory_space<semaphore_mem>>) src(%arg13 : memref<16x1024xf32, #tpu.memory_space<vmem>>) dst(%dma_wait3A_237 : memref<16x1024xf32, #tpu.memory_space<hbm>>)
      tpu.yield
    }) : () -> ()
    %mul3A_144 = arith.constant 64 : i32
    %mul3A_145 = arith.muli %add3A, %mul3A_144 : i32
    %add3A_146 = arith.constant 48 : i32
    %add3A_147 = arith.addi %mul3A_145, %add3A_146 : i32
    %mul3A_148 = arith.constant 4 : i32
    %mul3A_149 = arith.muli %add3A, %mul3A_148 : i32
    %add3A_150 = arith.constant 3 : i32
    %add3A_151 = arith.addi %mul3A_149, %add3A_150 : i32
    %mul3A_152 = arith.constant 2 : i32
    %mul3A_153 = arith.muli %add3A_151, %mul3A_152 : i32
    "tpu.region"() ({
      %run_scoped3A = tpu.sem_alloc : memref<!tpu.dma_semaphore, #tpu.memory_space<semaphore_mem>>
      %dma_start3A_230 = arith.constant 0 : i32
      %dma_start3A_231 = tpu.memref_slice %arg4[%mul3A_153, %dma_start3A_230] : memref<256x16xi32, #tpu.memory_space<hbm>> -> memref<1x16xi32, #tpu.memory_space<hbm>>
      %dma_start3A_232 = tpu.memref_squeeze %dma_start3A_231 : memref<1x16xi32, #tpu.memory_space<hbm>> -> memref<16xi32, #tpu.memory_space<hbm>>
      %dma_start3A_233 = arith.constant 0 : i32
      %dma_start3A_234 = tpu.memref_slice %arg4[%mul3A_153, %dma_start3A_233] : memref<256x16xi32, #tpu.memory_space<hbm>> -> memref<1x16xi32, #tpu.memory_space<hbm>>
      %dma_start3A_235 = tpu.memref_squeeze %dma_start3A_234 : memref<1x16xi32, #tpu.memory_space<hbm>> -> memref<16xi32, #tpu.memory_space<hbm>>
      tpu.enqueue_dma source(%dma_start3A_235 : memref<16xi32, #tpu.memory_space<hbm>>) target(%arg20 : memref<16xi32, #tpu.memory_space<vmem>>) target_semaphore(%run_scoped3A : memref<!tpu.dma_semaphore, #tpu.memory_space<semaphore_mem>>)
      %dma_wait3A_236 = arith.constant 0 : i32
      %dma_wait3A_237 = tpu.memref_slice %arg4[%mul3A_153, %dma_wait3A_236] : memref<256x16xi32, #tpu.memory_space<hbm>> -> memref<1x16xi32, #tpu.memory_space<hbm>>
      %dma_wait3A_238 = tpu.memref_squeeze %dma_wait3A_237 : memref<1x16xi32, #tpu.memory_space<hbm>> -> memref<16xi32, #tpu.memory_space<hbm>>
      %dma_wait3A_239 = arith.constant 0 : i32
      %dma_wait3A_240 = tpu.memref_slice %arg4[%mul3A_153, %dma_wait3A_239] : memref<256x16xi32, #tpu.memory_space<hbm>> -> memref<1x16xi32, #tpu.memory_space<hbm>>
      %dma_wait3A_241 = tpu.memref_squeeze %dma_wait3A_240 : memref<1x16xi32, #tpu.memory_space<hbm>> -> memref<16xi32, #tpu.memory_space<hbm>>
      tpu.wait_dma2 semaphore(%run_scoped3A : memref<!tpu.dma_semaphore, #tpu.memory_space<semaphore_mem>>) src(%dma_wait3A_241 : memref<16xi32, #tpu.memory_space<hbm>>) dst(%arg20 : memref<16xi32, #tpu.memory_space<vmem>>)
      tpu.yield
    }) : () -> ()
    %add3A_154 = arith.constant 1 : i32
    %add3A_155 = arith.addi %mul3A_153, %add3A_154 : i32
    "tpu.region"() ({
      %run_scoped3A = tpu.sem_alloc : memref<!tpu.dma_semaphore, #tpu.memory_space<semaphore_mem>>
      %dma_start3A_230 = arith.constant 0 : i32
      %dma_start3A_231 = tpu.memref_slice %arg4[%add3A_155, %dma_start3A_230] : memref<256x16xi32, #tpu.memory_space<hbm>> -> memref<1x16xi32, #tpu.memory_space<hbm>>
      %dma_start3A_232 = tpu.memref_squeeze %dma_start3A_231 : memref<1x16xi32, #tpu.memory_space<hbm>> -> memref<16xi32, #tpu.memory_space<hbm>>
      %dma_start3A_233 = arith.constant 0 : i32
      %dma_start3A_234 = tpu.memref_slice %arg4[%add3A_155, %dma_start3A_233] : memref<256x16xi32, #tpu.memory_space<hbm>> -> memref<1x16xi32, #tpu.memory_space<hbm>>
      %dma_start3A_235 = tpu.memref_squeeze %dma_start3A_234 : memref<1x16xi32, #tpu.memory_space<hbm>> -> memref<16xi32, #tpu.memory_space<hbm>>
      tpu.enqueue_dma source(%dma_start3A_235 : memref<16xi32, #tpu.memory_space<hbm>>) target(%arg21 : memref<16xi32, #tpu.memory_space<vmem>>) target_semaphore(%run_scoped3A : memref<!tpu.dma_semaphore, #tpu.memory_space<semaphore_mem>>)
      %dma_wait3A_236 = arith.constant 0 : i32
      %dma_wait3A_237 = tpu.memref_slice %arg4[%add3A_155, %dma_wait3A_236] : memref<256x16xi32, #tpu.memory_space<hbm>> -> memref<1x16xi32, #tpu.memory_space<hbm>>
      %dma_wait3A_238 = tpu.memref_squeeze %dma_wait3A_237 : memref<1x16xi32, #tpu.memory_space<hbm>> -> memref<16xi32, #tpu.memory_space<hbm>>
      %dma_wait3A_239 = arith.constant 0 : i32
      %dma_wait3A_240 = tpu.memref_slice %arg4[%add3A_155, %dma_wait3A_239] : memref<256x16xi32, #tpu.memory_space<hbm>> -> memref<1x16xi32, #tpu.memory_space<hbm>>
      %dma_wait3A_241 = tpu.memref_squeeze %dma_wait3A_240 : memref<1x16xi32, #tpu.memory_space<hbm>> -> memref<16xi32, #tpu.memory_space<hbm>>
      tpu.wait_dma2 semaphore(%run_scoped3A : memref<!tpu.dma_semaphore, #tpu.memory_space<semaphore_mem>>) src(%dma_wait3A_241 : memref<16xi32, #tpu.memory_space<hbm>>) dst(%arg21 : memref<16xi32, #tpu.memory_space<vmem>>)
      tpu.yield
    }) : () -> ()
    %dma_start3A_156 = arith.constant 0 : i32
    %dma_start3A_157 = tpu.memref_slice %arg3[%add3A_147, %dma_start3A_156] : memref<2048x1024xf32, #tpu.memory_space<hbm>> -> memref<16x1024xf32, #tpu.memory_space<hbm>>
    %dma_start3A_158 = arith.constant 0 : i32
    %dma_start3A_159 = tpu.memref_slice %arg3[%add3A_147, %dma_start3A_158] : memref<2048x1024xf32, #tpu.memory_space<hbm>> -> memref<16x1024xf32, #tpu.memory_space<hbm>>
    tpu.enqueue_dma source(%dma_start3A_159 : memref<16x1024xf32, #tpu.memory_space<hbm>>) target(%arg13 : memref<16x1024xf32, #tpu.memory_space<vmem>>) target_semaphore(%arg23 : memref<!tpu.dma_semaphore, #tpu.memory_space<semaphore_mem>>)
    %dma_start3A_160 = arith.constant 0 : i32
    %dma_start3A_161 = arith.constant 0 : i32
    %dma_start3A_162 = tpu.memref_slice %arg2[%dma_start3A_160, %dma_start3A_161] : memref<12288x1024xf32, #tpu.memory_space<hbm>> -> memref<12288x1024xf32, #tpu.memory_space<hbm>>
    tpu.enqueue_indirect_dma source(%dma_start3A_162 : memref<12288x1024xf32, #tpu.memory_space<hbm>>) target(%arg14 : memref<16x1024xf32, #tpu.memory_space<vmem>>) offsets(%arg20 : memref<16xi32, #tpu.memory_space<vmem>>) semaphore(%arg23 : memref<!tpu.dma_semaphore, #tpu.memory_space<semaphore_mem>>)
    %dma_start3A_163 = arith.constant 0 : i32
    %dma_start3A_164 = arith.constant 0 : i32
    %dma_start3A_165 = tpu.memref_slice %arg2[%dma_start3A_163, %dma_start3A_164] : memref<12288x1024xf32, #tpu.memory_space<hbm>> -> memref<12288x1024xf32, #tpu.memory_space<hbm>>
    tpu.enqueue_indirect_dma source(%dma_start3A_165 : memref<12288x1024xf32, #tpu.memory_space<hbm>>) target(%arg15 : memref<16x1024xf32, #tpu.memory_space<vmem>>) offsets(%arg21 : memref<16xi32, #tpu.memory_space<vmem>>) semaphore(%arg23 : memref<!tpu.dma_semaphore, #tpu.memory_space<semaphore_mem>>)
    %dma_start3A_166 = arith.constant 0 : i32
    %dma_start3A_167 = tpu.memref_slice %arg5[%add3A_147, %dma_start3A_166] : memref<2048x16xf32, #tpu.memory_space<hbm>> -> memref<16x16xf32, #tpu.memory_space<hbm>>
    %dma_start3A_168 = arith.constant 0 : i32
    %dma_start3A_169 = tpu.memref_slice %arg5[%add3A_147, %dma_start3A_168] : memref<2048x16xf32, #tpu.memory_space<hbm>> -> memref<16x16xf32, #tpu.memory_space<hbm>>
    tpu.enqueue_dma source(%dma_start3A_169 : memref<16x16xf32, #tpu.memory_space<hbm>>) target(%arg16 : memref<16x16xf32, #tpu.memory_space<vmem>>) target_semaphore(%arg23 : memref<!tpu.dma_semaphore, #tpu.memory_space<semaphore_mem>>)
    %dma_start3A_170 = arith.constant 0 : i32
    %dma_start3A_171 = tpu.memref_slice %arg6[%add3A_147, %dma_start3A_170] : memref<2048x16xf32, #tpu.memory_space<hbm>> -> memref<16x16xf32, #tpu.memory_space<hbm>>
    %dma_start3A_172 = arith.constant 0 : i32
    %dma_start3A_173 = tpu.memref_slice %arg6[%add3A_147, %dma_start3A_172] : memref<2048x16xf32, #tpu.memory_space<hbm>> -> memref<16x16xf32, #tpu.memory_space<hbm>>
    tpu.enqueue_dma source(%dma_start3A_173 : memref<16x16xf32, #tpu.memory_space<hbm>>) target(%arg17 : memref<16x16xf32, #tpu.memory_space<vmem>>) target_semaphore(%arg23 : memref<!tpu.dma_semaphore, #tpu.memory_space<semaphore_mem>>)
    %dma_wait3A_174 = arith.constant 0 : i32
    %dma_wait3A_175 = tpu.memref_slice %arg3[%add3A_89, %dma_wait3A_174] : memref<2048x1024xf32, #tpu.memory_space<hbm>> -> memref<16x1024xf32, #tpu.memory_space<hbm>>
    %dma_wait3A_176 = arith.constant 0 : i32
    %dma_wait3A_177 = tpu.memref_slice %arg3[%add3A_89, %dma_wait3A_176] : memref<2048x1024xf32, #tpu.memory_space<hbm>> -> memref<16x1024xf32, #tpu.memory_space<hbm>>
    tpu.wait_dma2 semaphore(%arg22 : memref<!tpu.dma_semaphore, #tpu.memory_space<semaphore_mem>>) src(%dma_wait3A_177 : memref<16x1024xf32, #tpu.memory_space<hbm>>) dst(%arg8 : memref<16x1024xf32, #tpu.memory_space<vmem>>)
    %dma_wait3A_178 = arith.constant 0 : i32
    %dma_wait3A_179 = arith.constant 0 : i32
    %dma_wait3A_180 = tpu.memref_slice %arg2[%dma_wait3A_178, %dma_wait3A_179] : memref<12288x1024xf32, #tpu.memory_space<hbm>> -> memref<12288x1024xf32, #tpu.memory_space<hbm>>
    tpu.wait_indirect_dma semaphore(%arg22 : memref<!tpu.dma_semaphore, #tpu.memory_space<semaphore_mem>>) src(%dma_wait3A_180 : memref<12288x1024xf32, #tpu.memory_space<hbm>>) dst(%arg9 : memref<16x1024xf32, #tpu.memory_space<vmem>>)
    %dma_wait3A_181 = arith.constant 0 : i32
    %dma_wait3A_182 = arith.constant 0 : i32
    %dma_wait3A_183 = tpu.memref_slice %arg2[%dma_wait3A_181, %dma_wait3A_182] : memref<12288x1024xf32, #tpu.memory_space<hbm>> -> memref<12288x1024xf32, #tpu.memory_space<hbm>>
    tpu.wait_indirect_dma semaphore(%arg22 : memref<!tpu.dma_semaphore, #tpu.memory_space<semaphore_mem>>) src(%dma_wait3A_183 : memref<12288x1024xf32, #tpu.memory_space<hbm>>) dst(%arg10 : memref<16x1024xf32, #tpu.memory_space<vmem>>)
    %dma_wait3A_184 = arith.constant 0 : i32
    %dma_wait3A_185 = tpu.memref_slice %arg5[%add3A_89, %dma_wait3A_184] : memref<2048x16xf32, #tpu.memory_space<hbm>> -> memref<16x16xf32, #tpu.memory_space<hbm>>
    %dma_wait3A_186 = arith.constant 0 : i32
    %dma_wait3A_187 = tpu.memref_slice %arg5[%add3A_89, %dma_wait3A_186] : memref<2048x16xf32, #tpu.memory_space<hbm>> -> memref<16x16xf32, #tpu.memory_space<hbm>>
    tpu.wait_dma2 semaphore(%arg22 : memref<!tpu.dma_semaphore, #tpu.memory_space<semaphore_mem>>) src(%dma_wait3A_187 : memref<16x16xf32, #tpu.memory_space<hbm>>) dst(%arg11 : memref<16x16xf32, #tpu.memory_space<vmem>>)
    %dma_wait3A_188 = arith.constant 0 : i32
    %dma_wait3A_189 = tpu.memref_slice %arg6[%add3A_89, %dma_wait3A_188] : memref<2048x16xf32, #tpu.memory_space<hbm>> -> memref<16x16xf32, #tpu.memory_space<hbm>>
    %dma_wait3A_190 = arith.constant 0 : i32
    %dma_wait3A_191 = tpu.memref_slice %arg6[%add3A_89, %dma_wait3A_190] : memref<2048x16xf32, #tpu.memory_space<hbm>> -> memref<16x16xf32, #tpu.memory_space<hbm>>
    tpu.wait_dma2 semaphore(%arg22 : memref<!tpu.dma_semaphore, #tpu.memory_space<semaphore_mem>>) src(%dma_wait3A_191 : memref<16x16xf32, #tpu.memory_space<hbm>>) dst(%arg12 : memref<16x16xf32, #tpu.memory_space<vmem>>)
    %scan3A_192 = arith.constant 0 : i32
    %scan3A_193 = arith.constant 0 : i32
    %scan3A_194 = arith.constant 16 : i32
    %scan3A_195 = arith.addi %scan3A_193, %scan3A_194 : i32
    %scan3A_196 = arith.constant 1 : i32
    scf.for %scan3A_230 = %scan3A_193 to %scan3A_195 step %scan3A_196  : i32 {
      %get3A = arith.index_cast %scan3A_230 : i32 to index
      %get3A_231 = arith.constant 0 : index
      %get3A_232 = tpu.vector_load %arg11[%get3A, %get3A_231] {strides = array<i32>} : memref<16x16xf32, #tpu.memory_space<vmem>>, vector<1x16xf32>,
      %get3A_233 = vector.shape_cast %get3A_232 : vector<1x16xf32> to vector<16xf32>
      %get3A_234 = arith.index_cast %scan3A_230 : i32 to index
      %get3A_235 = arith.constant 0 : index
      %get3A_236 = tpu.vector_load %arg12[%get3A_234, %get3A_235] {strides = array<i32>} : memref<16x16xf32, #tpu.memory_space<vmem>>, vector<1x16xf32>,
      %get3A_237 = vector.shape_cast %get3A_236 : vector<1x16xf32> to vector<16xf32>
      %parallel_loop3A = arith.constant 0 : i32
      %parallel_loop3A_238 = arith.constant 1024 : i32
      %parallel_loop3A_239 = arith.constant 16 : i32
      scf.for %parallel_loop3A_240 = %parallel_loop3A to %parallel_loop3A_238 step %parallel_loop3A_239  : i32 {
        %parallel_loop3A_241 = arith.index_cast %scan3A_230 : i32 to index
        %parallel_loop3A_242 = arith.index_cast %parallel_loop3A_240 : i32 to index
        %parallel_loop3A_243 = tpu.vector_load %arg8[%parallel_loop3A_241, %parallel_loop3A_242] {strides = array<i32>} : memref<16x1024xf32, #tpu.memory_space<vmem>>, vector<1x16xf32>,
        %parallel_loop3A_244 = vector.shape_cast %parallel_loop3A_243 : vector<1x16xf32> to vector<16xf32>
        %parallel_loop3A_245 = arith.index_cast %scan3A_230 : i32 to index
        %parallel_loop3A_246 = arith.index_cast %parallel_loop3A_240 : i32 to index
        %parallel_loop3A_247 = tpu.vector_load %arg9[%parallel_loop3A_245, %parallel_loop3A_246] {strides = array<i32>} : memref<16x1024xf32, #tpu.memory_space<vmem>>, vector<1x16xf32>,
        %parallel_loop3A_248 = vector.shape_cast %parallel_loop3A_247 : vector<1x16xf32> to vector<16xf32>
        %parallel_loop3A_249 = arith.mulf %get3A_233, %parallel_loop3A_248 : vector<16xf32>
        %parallel_loop3A_250 = arith.addf %parallel_loop3A_244, %parallel_loop3A_249 : vector<16xf32>
        %parallel_loop3A_251 = arith.index_cast %scan3A_230 : i32 to index
        %parallel_loop3A_252 = arith.index_cast %parallel_loop3A_240 : i32 to index
        %parallel_loop3A_253 = tpu.vector_load %arg10[%parallel_loop3A_251, %parallel_loop3A_252] {strides = array<i32>} : memref<16x1024xf32, #tpu.memory_space<vmem>>, vector<1x16xf32>,
        %parallel_loop3A_254 = vector.shape_cast %parallel_loop3A_253 : vector<1x16xf32> to vector<16xf32>
        %parallel_loop3A_255 = arith.mulf %get3A_237, %parallel_loop3A_254 : vector<16xf32>
        %parallel_loop3A_256 = arith.addf %parallel_loop3A_250, %parallel_loop3A_255 : vector<16xf32>
        %parallel_loop3A_257 = arith.index_cast %scan3A_230 : i32 to index
        %parallel_loop3A_258 = arith.index_cast %parallel_loop3A_240 : i32 to index
        %parallel_loop3A_259 = tpu.vector_load %arg8[%parallel_loop3A_257, %parallel_loop3A_258] {strides = array<i32>} : memref<16x1024xf32, #tpu.memory_space<vmem>>, vector<1x16xf32>,
        %parallel_loop3A_260 = vector.shape_cast %parallel_loop3A_259 : vector<1x16xf32> to vector<16xf32>
        %parallel_loop3A_261 = vector.shape_cast %parallel_loop3A_256 : vector<16xf32> to vector<1x16xf32>
        tpu.vector_store %arg8[%parallel_loop3A_257, %parallel_loop3A_258], %parallel_loop3A_261 {strides = array<i32>} : memref<16x1024xf32, #tpu.memory_space<vmem>>, vector<1x16xf32>,
      } {sc.loop_unroll_factor = 8 : i64, sc.parallel_access}
    }
    %scan3A_197 = arith.constant 16 : i32
    %mul3A_198 = arith.constant 64 : i32
    %mul3A_199 = arith.muli %add3A, %mul3A_198 : i32
    %add3A_200 = arith.constant 32 : i32
    %add3A_201 = arith.addi %mul3A_199, %add3A_200 : i32
    "tpu.region"() ({
      %run_scoped3A = tpu.sem_alloc : memref<!tpu.dma_semaphore, #tpu.memory_space<semaphore_mem>>
      %dma_start3A_230 = arith.constant 0 : i32
      %dma_start3A_231 = tpu.memref_slice %arg7[%add3A_201, %dma_start3A_230] : memref<2048x1024xf32, #tpu.memory_space<hbm>> -> memref<16x1024xf32, #tpu.memory_space<hbm>>
      %dma_start3A_232 = arith.constant 0 : i32
      %dma_start3A_233 = tpu.memref_slice %arg7[%add3A_201, %dma_start3A_232] : memref<2048x1024xf32, #tpu.memory_space<hbm>> -> memref<16x1024xf32, #tpu.memory_space<hbm>>
      tpu.enqueue_dma source(%arg8 : memref<16x1024xf32, #tpu.memory_space<vmem>>) target(%dma_start3A_233 : memref<16x1024xf32, #tpu.memory_space<hbm>>) target_semaphore(%run_scoped3A : memref<!tpu.dma_semaphore, #tpu.memory_space<semaphore_mem>>)
      %dma_wait3A_234 = arith.constant 0 : i32
      %dma_wait3A_235 = tpu.memref_slice %arg7[%add3A_201, %dma_wait3A_234] : memref<2048x1024xf32, #tpu.memory_space<hbm>> -> memref<16x1024xf32, #tpu.memory_space<hbm>>
      %dma_wait3A_236 = arith.constant 0 : i32
      %dma_wait3A_237 = tpu.memref_slice %arg7[%add3A_201, %dma_wait3A_236] : memref<2048x1024xf32, #tpu.memory_space<hbm>> -> memref<16x1024xf32, #tpu.memory_space<hbm>>
      tpu.wait_dma2 semaphore(%run_scoped3A : memref<!tpu.dma_semaphore, #tpu.memory_space<semaphore_mem>>) src(%arg8 : memref<16x1024xf32, #tpu.memory_space<vmem>>) dst(%dma_wait3A_237 : memref<16x1024xf32, #tpu.memory_space<hbm>>)
      tpu.yield
    }) : () -> ()
    %dma_wait3A_202 = arith.constant 0 : i32
    %dma_wait3A_203 = tpu.memref_slice %arg3[%add3A_147, %dma_wait3A_202] : memref<2048x1024xf32, #tpu.memory_space<hbm>> -> memref<16x1024xf32, #tpu.memory_space<hbm>>
    %dma_wait3A_204 = arith.constant 0 : i32
    %dma_wait3A_205 = tpu.memref_slice %arg3[%add3A_147, %dma_wait3A_204] : memref<2048x1024xf32, #tpu.memory_space<hbm>> -> memref<16x1024xf32, #tpu.memory_space<hbm>>
    tpu.wait_dma2 semaphore(%arg23 : memref<!tpu.dma_semaphore, #tpu.memory_space<semaphore_mem>>) src(%dma_wait3A_205 : memref<16x1024xf32, #tpu.memory_space<hbm>>) dst(%arg13 : memref<16x1024xf32, #tpu.memory_space<vmem>>)
    %dma_wait3A_206 = arith.constant 0 : i32
    %dma_wait3A_207 = arith.constant 0 : i32
    %dma_wait3A_208 = tpu.memref_slice %arg2[%dma_wait3A_206, %dma_wait3A_207] : memref<12288x1024xf32, #tpu.memory_space<hbm>> -> memref<12288x1024xf32, #tpu.memory_space<hbm>>
    tpu.wait_indirect_dma semaphore(%arg23 : memref<!tpu.dma_semaphore, #tpu.memory_space<semaphore_mem>>) src(%dma_wait3A_208 : memref<12288x1024xf32, #tpu.memory_space<hbm>>) dst(%arg14 : memref<16x1024xf32, #tpu.memory_space<vmem>>)
    %dma_wait3A_209 = arith.constant 0 : i32
    %dma_wait3A_210 = arith.constant 0 : i32
    %dma_wait3A_211 = tpu.memref_slice %arg2[%dma_wait3A_209, %dma_wait3A_210] : memref<12288x1024xf32, #tpu.memory_space<hbm>> -> memref<12288x1024xf32, #tpu.memory_space<hbm>>
    tpu.wait_indirect_dma semaphore(%arg23 : memref<!tpu.dma_semaphore, #tpu.memory_space<semaphore_mem>>) src(%dma_wait3A_211 : memref<12288x1024xf32, #tpu.memory_space<hbm>>) dst(%arg15 : memref<16x1024xf32, #tpu.memory_space<vmem>>)
    %dma_wait3A_212 = arith.constant 0 : i32
    %dma_wait3A_213 = tpu.memref_slice %arg5[%add3A_147, %dma_wait3A_212] : memref<2048x16xf32, #tpu.memory_space<hbm>> -> memref<16x16xf32, #tpu.memory_space<hbm>>
    %dma_wait3A_214 = arith.constant 0 : i32
    %dma_wait3A_215 = tpu.memref_slice %arg5[%add3A_147, %dma_wait3A_214] : memref<2048x16xf32, #tpu.memory_space<hbm>> -> memref<16x16xf32, #tpu.memory_space<hbm>>
    tpu.wait_dma2 semaphore(%arg23 : memref<!tpu.dma_semaphore, #tpu.memory_space<semaphore_mem>>) src(%dma_wait3A_215 : memref<16x16xf32, #tpu.memory_space<hbm>>) dst(%arg16 : memref<16x16xf32, #tpu.memory_space<vmem>>)
    %dma_wait3A_216 = arith.constant 0 : i32
    %dma_wait3A_217 = tpu.memref_slice %arg6[%add3A_147, %dma_wait3A_216] : memref<2048x16xf32, #tpu.memory_space<hbm>> -> memref<16x16xf32, #tpu.memory_space<hbm>>
    %dma_wait3A_218 = arith.constant 0 : i32
    %dma_wait3A_219 = tpu.memref_slice %arg6[%add3A_147, %dma_wait3A_218] : memref<2048x16xf32, #tpu.memory_space<hbm>> -> memref<16x16xf32, #tpu.memory_space<hbm>>
    tpu.wait_dma2 semaphore(%arg23 : memref<!tpu.dma_semaphore, #tpu.memory_space<semaphore_mem>>) src(%dma_wait3A_219 : memref<16x16xf32, #tpu.memory_space<hbm>>) dst(%arg17 : memref<16x16xf32, #tpu.memory_space<vmem>>)
    %scan3A_220 = arith.constant 0 : i32
    %scan3A_221 = arith.constant 0 : i32
    %scan3A_222 = arith.constant 16 : i32
    %scan3A_223 = arith.addi %scan3A_221, %scan3A_222 : i32
    %scan3A_224 = arith.constant 1 : i32
    scf.for %scan3A_230 = %scan3A_221 to %scan3A_223 step %scan3A_224  : i32 {
      %get3A = arith.index_cast %scan3A_230 : i32 to index
      %get3A_231 = arith.constant 0 : index
      %get3A_232 = tpu.vector_load %arg16[%get3A, %get3A_231] {strides = array<i32>} : memref<16x16xf32, #tpu.memory_space<vmem>>, vector<1x16xf32>,
      %get3A_233 = vector.shape_cast %get3A_232 : vector<1x16xf32> to vector<16xf32>
      %get3A_234 = arith.index_cast %scan3A_230 : i32 to index
      %get3A_235 = arith.constant 0 : index
      %get3A_236 = tpu.vector_load %arg17[%get3A_234, %get3A_235] {strides = array<i32>} : memref<16x16xf32, #tpu.memory_space<vmem>>, vector<1x16xf32>,
      %get3A_237 = vector.shape_cast %get3A_236 : vector<1x16xf32> to vector<16xf32>
      %parallel_loop3A = arith.constant 0 : i32
      %parallel_loop3A_238 = arith.constant 1024 : i32
      %parallel_loop3A_239 = arith.constant 16 : i32
      scf.for %parallel_loop3A_240 = %parallel_loop3A to %parallel_loop3A_238 step %parallel_loop3A_239  : i32 {
        %parallel_loop3A_241 = arith.index_cast %scan3A_230 : i32 to index
        %parallel_loop3A_242 = arith.index_cast %parallel_loop3A_240 : i32 to index
        %parallel_loop3A_243 = tpu.vector_load %arg13[%parallel_loop3A_241, %parallel_loop3A_242] {strides = array<i32>} : memref<16x1024xf32, #tpu.memory_space<vmem>>, vector<1x16xf32>,
        %parallel_loop3A_244 = vector.shape_cast %parallel_loop3A_243 : vector<1x16xf32> to vector<16xf32>
        %parallel_loop3A_245 = arith.index_cast %scan3A_230 : i32 to index
        %parallel_loop3A_246 = arith.index_cast %parallel_loop3A_240 : i32 to index
        %parallel_loop3A_247 = tpu.vector_load %arg14[%parallel_loop3A_245, %parallel_loop3A_246] {strides = array<i32>} : memref<16x1024xf32, #tpu.memory_space<vmem>>, vector<1x16xf32>,
        %parallel_loop3A_248 = vector.shape_cast %parallel_loop3A_247 : vector<1x16xf32> to vector<16xf32>
        %parallel_loop3A_249 = arith.mulf %get3A_233, %parallel_loop3A_248 : vector<16xf32>
        %parallel_loop3A_250 = arith.addf %parallel_loop3A_244, %parallel_loop3A_249 : vector<16xf32>
        %parallel_loop3A_251 = arith.index_cast %scan3A_230 : i32 to index
        %parallel_loop3A_252 = arith.index_cast %parallel_loop3A_240 : i32 to index
        %parallel_loop3A_253 = tpu.vector_load %arg15[%parallel_loop3A_251, %parallel_loop3A_252] {strides = array<i32>} : memref<16x1024xf32, #tpu.memory_space<vmem>>, vector<1x16xf32>,
        %parallel_loop3A_254 = vector.shape_cast %parallel_loop3A_253 : vector<1x16xf32> to vector<16xf32>
        %parallel_loop3A_255 = arith.mulf %get3A_237, %parallel_loop3A_254 : vector<16xf32>
        %parallel_loop3A_256 = arith.addf %parallel_loop3A_250, %parallel_loop3A_255 : vector<16xf32>
        %parallel_loop3A_257 = arith.index_cast %scan3A_230 : i32 to index
        %parallel_loop3A_258 = arith.index_cast %parallel_loop3A_240 : i32 to index
        %parallel_loop3A_259 = tpu.vector_load %arg13[%parallel_loop3A_257, %parallel_loop3A_258] {strides = array<i32>} : memref<16x1024xf32, #tpu.memory_space<vmem>>, vector<1x16xf32>,
        %parallel_loop3A_260 = vector.shape_cast %parallel_loop3A_259 : vector<1x16xf32> to vector<16xf32>
        %parallel_loop3A_261 = vector.shape_cast %parallel_loop3A_256 : vector<16xf32> to vector<1x16xf32>
        tpu.vector_store %arg13[%parallel_loop3A_257, %parallel_loop3A_258], %parallel_loop3A_261 {strides = array<i32>} : memref<16x1024xf32, #tpu.memory_space<vmem>>, vector<1x16xf32>,
      } {sc.loop_unroll_factor = 8 : i64, sc.parallel_access}
    }
    %scan3A_225 = arith.constant 16 : i32
    %mul3A_226 = arith.constant 64 : i32
    %mul3A_227 = arith.muli %add3A, %mul3A_226 : i32
    %add3A_228 = arith.constant 48 : i32
    %add3A_229 = arith.addi %mul3A_227, %add3A_228 : i32
    "tpu.region"() ({
      %run_scoped3A = tpu.sem_alloc : memref<!tpu.dma_semaphore, #tpu.memory_space<semaphore_mem>>
      %dma_start3A_230 = arith.constant 0 : i32
      %dma_start3A_231 = tpu.memref_slice %arg7[%add3A_229, %dma_start3A_230] : memref<2048x1024xf32, #tpu.memory_space<hbm>> -> memref<16x1024xf32, #tpu.memory_space<hbm>>
      %dma_start3A_232 = arith.constant 0 : i32
      %dma_start3A_233 = tpu.memref_slice %arg7[%add3A_229, %dma_start3A_232] : memref<2048x1024xf32, #tpu.memory_space<hbm>> -> memref<16x1024xf32, #tpu.memory_space<hbm>>
      tpu.enqueue_dma source(%arg13 : memref<16x1024xf32, #tpu.memory_space<vmem>>) target(%dma_start3A_233 : memref<16x1024xf32, #tpu.memory_space<hbm>>) target_semaphore(%run_scoped3A : memref<!tpu.dma_semaphore, #tpu.memory_space<semaphore_mem>>)
      %dma_wait3A_234 = arith.constant 0 : i32
      %dma_wait3A_235 = tpu.memref_slice %arg7[%add3A_229, %dma_wait3A_234] : memref<2048x1024xf32, #tpu.memory_space<hbm>> -> memref<16x1024xf32, #tpu.memory_space<hbm>>
      %dma_wait3A_236 = arith.constant 0 : i32
      %dma_wait3A_237 = tpu.memref_slice %arg7[%add3A_229, %dma_wait3A_236] : memref<2048x1024xf32, #tpu.memory_space<hbm>> -> memref<16x1024xf32, #tpu.memory_space<hbm>>
      tpu.wait_dma2 semaphore(%run_scoped3A : memref<!tpu.dma_semaphore, #tpu.memory_space<semaphore_mem>>) src(%arg13 : memref<16x1024xf32, #tpu.memory_space<vmem>>) dst(%dma_wait3A_237 : memref<16x1024xf32, #tpu.memory_space<hbm>>)
      tpu.yield
    }) : () -> ()
    return
  }
}

#map = affine_map<(d0, d1) -> (0, 0)>
module attributes {stable_mosaic.version = 14 : i64} {
  func.func @_dispatch_body(%arg0: i32, %arg1: i32, %arg2: memref<2048x1024xf32, #tpu.memory_space<hbm>>, %arg3: memref<256x16xi32, #tpu.memory_space<hbm>>, %arg4: memref<12288x1024xf32, #tpu.memory_space<hbm>>, %arg5: memref<16x1024xf32, #tpu.memory_space<vmem>>, %arg6: memref<16x1024xf32, #tpu.memory_space<vmem>>, %arg7: memref<16xi32, #tpu.memory_space<vmem>>, %arg8: memref<16xi32, #tpu.memory_space<vmem>>, %arg9: memref<!tpu.dma_semaphore, #tpu.memory_space<semaphore_mem>>, %arg10: memref<!tpu.dma_semaphore, #tpu.memory_space<semaphore_mem>>) attributes {dimension_semantics = [#tpu.dimension_semantics<core_parallel>, #tpu.dimension_semantics<subcore_parallel>], iteration_bounds = array<i64: 2, 16>, scalar_prefetch = 0 : i64, scratch_operands = 6 : i64, tpu.core_type = #tpu.core_type<sc_vector_subcore>, window_params = [{transform_indices = #map}, {transform_indices = #map}, {transform_indices = #map}]} {
    %mul3A = arith.constant 2 : i32
    %mul3A_0 = arith.muli %arg1, %mul3A : i32
    %add3A = arith.addi %mul3A_0, %arg0 : i32
    %mul3A_1 = arith.constant 64 : i32
    %mul3A_2 = arith.muli %add3A, %mul3A_1 : i32
    %dma_start3A = arith.constant 0 : i32
    %dma_start3A_3 = tpu.memref_slice %arg2[%mul3A_2, %dma_start3A] : memref<2048x1024xf32, #tpu.memory_space<hbm>> -> memref<16x1024xf32, #tpu.memory_space<hbm>>
    %dma_start3A_4 = arith.constant 0 : i32
    %dma_start3A_5 = tpu.memref_slice %arg2[%mul3A_2, %dma_start3A_4] : memref<2048x1024xf32, #tpu.memory_space<hbm>> -> memref<16x1024xf32, #tpu.memory_space<hbm>>
    tpu.enqueue_dma source(%dma_start3A_5 : memref<16x1024xf32, #tpu.memory_space<hbm>>) target(%arg5 : memref<16x1024xf32, #tpu.memory_space<vmem>>) target_semaphore(%arg9 : memref<!tpu.dma_semaphore, #tpu.memory_space<semaphore_mem>>)
    %add3A_6 = arith.constant 16 : i32
    %add3A_7 = arith.addi %mul3A_2, %add3A_6 : i32
    %dma_start3A_8 = arith.constant 0 : i32
    %dma_start3A_9 = tpu.memref_slice %arg2[%add3A_7, %dma_start3A_8] : memref<2048x1024xf32, #tpu.memory_space<hbm>> -> memref<16x1024xf32, #tpu.memory_space<hbm>>
    %dma_start3A_10 = arith.constant 0 : i32
    %dma_start3A_11 = tpu.memref_slice %arg2[%add3A_7, %dma_start3A_10] : memref<2048x1024xf32, #tpu.memory_space<hbm>> -> memref<16x1024xf32, #tpu.memory_space<hbm>>
    tpu.enqueue_dma source(%dma_start3A_11 : memref<16x1024xf32, #tpu.memory_space<hbm>>) target(%arg6 : memref<16x1024xf32, #tpu.memory_space<vmem>>) target_semaphore(%arg9 : memref<!tpu.dma_semaphore, #tpu.memory_space<semaphore_mem>>)
    %mul3A_12 = arith.constant 4 : i32
    %mul3A_13 = arith.muli %add3A, %mul3A_12 : i32
    %add3A_14 = arith.constant 0 : i32
    %add3A_15 = arith.addi %mul3A_13, %add3A_14 : i32
    %mul3A_16 = arith.constant 2 : i32
    %mul3A_17 = arith.muli %add3A_15, %mul3A_16 : i32
    "tpu.region"() ({
      %run_scoped3A = tpu.sem_alloc : memref<!tpu.dma_semaphore, #tpu.memory_space<semaphore_mem>>
      %dma_start3A_119 = arith.constant 0 : i32
      %dma_start3A_120 = tpu.memref_slice %arg3[%mul3A_17, %dma_start3A_119] : memref<256x16xi32, #tpu.memory_space<hbm>> -> memref<1x16xi32, #tpu.memory_space<hbm>>
      %dma_start3A_121 = tpu.memref_squeeze %dma_start3A_120 : memref<1x16xi32, #tpu.memory_space<hbm>> -> memref<16xi32, #tpu.memory_space<hbm>>
      %dma_start3A_122 = arith.constant 0 : i32
      %dma_start3A_123 = tpu.memref_slice %arg3[%mul3A_17, %dma_start3A_122] : memref<256x16xi32, #tpu.memory_space<hbm>> -> memref<1x16xi32, #tpu.memory_space<hbm>>
      %dma_start3A_124 = tpu.memref_squeeze %dma_start3A_123 : memref<1x16xi32, #tpu.memory_space<hbm>> -> memref<16xi32, #tpu.memory_space<hbm>>
      tpu.enqueue_dma source(%dma_start3A_124 : memref<16xi32, #tpu.memory_space<hbm>>) target(%arg7 : memref<16xi32, #tpu.memory_space<vmem>>) target_semaphore(%run_scoped3A : memref<!tpu.dma_semaphore, #tpu.memory_space<semaphore_mem>>)
      %dma_wait3A_125 = arith.constant 0 : i32
      %dma_wait3A_126 = tpu.memref_slice %arg3[%mul3A_17, %dma_wait3A_125] : memref<256x16xi32, #tpu.memory_space<hbm>> -> memref<1x16xi32, #tpu.memory_space<hbm>>
      %dma_wait3A_127 = tpu.memref_squeeze %dma_wait3A_126 : memref<1x16xi32, #tpu.memory_space<hbm>> -> memref<16xi32, #tpu.memory_space<hbm>>
      %dma_wait3A_128 = arith.constant 0 : i32
      %dma_wait3A_129 = tpu.memref_slice %arg3[%mul3A_17, %dma_wait3A_128] : memref<256x16xi32, #tpu.memory_space<hbm>> -> memref<1x16xi32, #tpu.memory_space<hbm>>
      %dma_wait3A_130 = tpu.memref_squeeze %dma_wait3A_129 : memref<1x16xi32, #tpu.memory_space<hbm>> -> memref<16xi32, #tpu.memory_space<hbm>>
      tpu.wait_dma2 semaphore(%run_scoped3A : memref<!tpu.dma_semaphore, #tpu.memory_space<semaphore_mem>>) src(%dma_wait3A_130 : memref<16xi32, #tpu.memory_space<hbm>>) dst(%arg7 : memref<16xi32, #tpu.memory_space<vmem>>)
      tpu.yield
    }) : () -> ()
    %add3A_18 = arith.constant 1 : i32
    %add3A_19 = arith.addi %mul3A_17, %add3A_18 : i32
    "tpu.region"() ({
      %run_scoped3A = tpu.sem_alloc : memref<!tpu.dma_semaphore, #tpu.memory_space<semaphore_mem>>
      %dma_start3A_119 = arith.constant 0 : i32
      %dma_start3A_120 = tpu.memref_slice %arg3[%add3A_19, %dma_start3A_119] : memref<256x16xi32, #tpu.memory_space<hbm>> -> memref<1x16xi32, #tpu.memory_space<hbm>>
      %dma_start3A_121 = tpu.memref_squeeze %dma_start3A_120 : memref<1x16xi32, #tpu.memory_space<hbm>> -> memref<16xi32, #tpu.memory_space<hbm>>
      %dma_start3A_122 = arith.constant 0 : i32
      %dma_start3A_123 = tpu.memref_slice %arg3[%add3A_19, %dma_start3A_122] : memref<256x16xi32, #tpu.memory_space<hbm>> -> memref<1x16xi32, #tpu.memory_space<hbm>>
      %dma_start3A_124 = tpu.memref_squeeze %dma_start3A_123 : memref<1x16xi32, #tpu.memory_space<hbm>> -> memref<16xi32, #tpu.memory_space<hbm>>
      tpu.enqueue_dma source(%dma_start3A_124 : memref<16xi32, #tpu.memory_space<hbm>>) target(%arg8 : memref<16xi32, #tpu.memory_space<vmem>>) target_semaphore(%run_scoped3A : memref<!tpu.dma_semaphore, #tpu.memory_space<semaphore_mem>>)
      %dma_wait3A_125 = arith.constant 0 : i32
      %dma_wait3A_126 = tpu.memref_slice %arg3[%add3A_19, %dma_wait3A_125] : memref<256x16xi32, #tpu.memory_space<hbm>> -> memref<1x16xi32, #tpu.memory_space<hbm>>
      %dma_wait3A_127 = tpu.memref_squeeze %dma_wait3A_126 : memref<1x16xi32, #tpu.memory_space<hbm>> -> memref<16xi32, #tpu.memory_space<hbm>>
      %dma_wait3A_128 = arith.constant 0 : i32
      %dma_wait3A_129 = tpu.memref_slice %arg3[%add3A_19, %dma_wait3A_128] : memref<256x16xi32, #tpu.memory_space<hbm>> -> memref<1x16xi32, #tpu.memory_space<hbm>>
      %dma_wait3A_130 = tpu.memref_squeeze %dma_wait3A_129 : memref<1x16xi32, #tpu.memory_space<hbm>> -> memref<16xi32, #tpu.memory_space<hbm>>
      tpu.wait_dma2 semaphore(%run_scoped3A : memref<!tpu.dma_semaphore, #tpu.memory_space<semaphore_mem>>) src(%dma_wait3A_130 : memref<16xi32, #tpu.memory_space<hbm>>) dst(%arg8 : memref<16xi32, #tpu.memory_space<vmem>>)
      tpu.yield
    }) : () -> ()
    %dma_wait3A = arith.constant 0 : i32
    %dma_wait3A_20 = tpu.memref_slice %arg2[%mul3A_2, %dma_wait3A] : memref<2048x1024xf32, #tpu.memory_space<hbm>> -> memref<16x1024xf32, #tpu.memory_space<hbm>>
    %dma_wait3A_21 = arith.constant 0 : i32
    %dma_wait3A_22 = tpu.memref_slice %arg2[%mul3A_2, %dma_wait3A_21] : memref<2048x1024xf32, #tpu.memory_space<hbm>> -> memref<16x1024xf32, #tpu.memory_space<hbm>>
    tpu.wait_dma2 semaphore(%arg9 : memref<!tpu.dma_semaphore, #tpu.memory_space<semaphore_mem>>) src(%dma_wait3A_22 : memref<16x1024xf32, #tpu.memory_space<hbm>>) dst(%arg5 : memref<16x1024xf32, #tpu.memory_space<vmem>>)
    %dma_start3A_23 = arith.constant 0 : i32
    %dma_start3A_24 = arith.constant 0 : i32
    %dma_start3A_25 = tpu.memref_slice %arg4[%dma_start3A_23, %dma_start3A_24] : memref<12288x1024xf32, #tpu.memory_space<hbm>> -> memref<12288x1024xf32, #tpu.memory_space<hbm>>
    tpu.enqueue_indirect_dma source(%arg5 : memref<16x1024xf32, #tpu.memory_space<vmem>>) target(%dma_start3A_25 : memref<12288x1024xf32, #tpu.memory_space<hbm>>) offsets(%arg7 : memref<16xi32, #tpu.memory_space<vmem>>) semaphore(%arg10 : memref<!tpu.dma_semaphore, #tpu.memory_space<semaphore_mem>>)
    %dma_start3A_26 = arith.constant 0 : i32
    %dma_start3A_27 = arith.constant 0 : i32
    %dma_start3A_28 = tpu.memref_slice %arg4[%dma_start3A_26, %dma_start3A_27] : memref<12288x1024xf32, #tpu.memory_space<hbm>> -> memref<12288x1024xf32, #tpu.memory_space<hbm>>
    tpu.enqueue_indirect_dma source(%arg5 : memref<16x1024xf32, #tpu.memory_space<vmem>>) target(%dma_start3A_28 : memref<12288x1024xf32, #tpu.memory_space<hbm>>) offsets(%arg8 : memref<16xi32, #tpu.memory_space<vmem>>) semaphore(%arg10 : memref<!tpu.dma_semaphore, #tpu.memory_space<semaphore_mem>>)
    %dma_wait3A_29 = arith.constant 0 : i32
    %dma_wait3A_30 = arith.constant 0 : i32
    %dma_wait3A_31 = tpu.memref_slice %arg4[%dma_wait3A_29, %dma_wait3A_30] : memref<12288x1024xf32, #tpu.memory_space<hbm>> -> memref<12288x1024xf32, #tpu.memory_space<hbm>>
    tpu.wait_indirect_dma semaphore(%arg10 : memref<!tpu.dma_semaphore, #tpu.memory_space<semaphore_mem>>) src(%arg5 : memref<16x1024xf32, #tpu.memory_space<vmem>>) dst(%dma_wait3A_31 : memref<12288x1024xf32, #tpu.memory_space<hbm>>)
    %dma_wait3A_32 = arith.constant 0 : i32
    %dma_wait3A_33 = arith.constant 0 : i32
    %dma_wait3A_34 = tpu.memref_slice %arg4[%dma_wait3A_32, %dma_wait3A_33] : memref<12288x1024xf32, #tpu.memory_space<hbm>> -> memref<12288x1024xf32, #tpu.memory_space<hbm>>
    tpu.wait_indirect_dma semaphore(%arg10 : memref<!tpu.dma_semaphore, #tpu.memory_space<semaphore_mem>>) src(%arg5 : memref<16x1024xf32, #tpu.memory_space<vmem>>) dst(%dma_wait3A_34 : memref<12288x1024xf32, #tpu.memory_space<hbm>>)
    %add3A_35 = arith.constant 32 : i32
    %add3A_36 = arith.addi %mul3A_2, %add3A_35 : i32
    %dma_start3A_37 = arith.constant 0 : i32
    %dma_start3A_38 = tpu.memref_slice %arg2[%add3A_36, %dma_start3A_37] : memref<2048x1024xf32, #tpu.memory_space<hbm>> -> memref<16x1024xf32, #tpu.memory_space<hbm>>
    %dma_start3A_39 = arith.constant 0 : i32
    %dma_start3A_40 = tpu.memref_slice %arg2[%add3A_36, %dma_start3A_39] : memref<2048x1024xf32, #tpu.memory_space<hbm>> -> memref<16x1024xf32, #tpu.memory_space<hbm>>
    tpu.enqueue_dma source(%dma_start3A_40 : memref<16x1024xf32, #tpu.memory_space<hbm>>) target(%arg5 : memref<16x1024xf32, #tpu.memory_space<vmem>>) target_semaphore(%arg9 : memref<!tpu.dma_semaphore, #tpu.memory_space<semaphore_mem>>)
    %mul3A_41 = arith.constant 4 : i32
    %mul3A_42 = arith.muli %add3A, %mul3A_41 : i32
    %add3A_43 = arith.constant 1 : i32
    %add3A_44 = arith.addi %mul3A_42, %add3A_43 : i32
    %mul3A_45 = arith.constant 2 : i32
    %mul3A_46 = arith.muli %add3A_44, %mul3A_45 : i32
    "tpu.region"() ({
      %run_scoped3A = tpu.sem_alloc : memref<!tpu.dma_semaphore, #tpu.memory_space<semaphore_mem>>
      %dma_start3A_119 = arith.constant 0 : i32
      %dma_start3A_120 = tpu.memref_slice %arg3[%mul3A_46, %dma_start3A_119] : memref<256x16xi32, #tpu.memory_space<hbm>> -> memref<1x16xi32, #tpu.memory_space<hbm>>
      %dma_start3A_121 = tpu.memref_squeeze %dma_start3A_120 : memref<1x16xi32, #tpu.memory_space<hbm>> -> memref<16xi32, #tpu.memory_space<hbm>>
      %dma_start3A_122 = arith.constant 0 : i32
      %dma_start3A_123 = tpu.memref_slice %arg3[%mul3A_46, %dma_start3A_122] : memref<256x16xi32, #tpu.memory_space<hbm>> -> memref<1x16xi32, #tpu.memory_space<hbm>>
      %dma_start3A_124 = tpu.memref_squeeze %dma_start3A_123 : memref<1x16xi32, #tpu.memory_space<hbm>> -> memref<16xi32, #tpu.memory_space<hbm>>
      tpu.enqueue_dma source(%dma_start3A_124 : memref<16xi32, #tpu.memory_space<hbm>>) target(%arg7 : memref<16xi32, #tpu.memory_space<vmem>>) target_semaphore(%run_scoped3A : memref<!tpu.dma_semaphore, #tpu.memory_space<semaphore_mem>>)
      %dma_wait3A_125 = arith.constant 0 : i32
      %dma_wait3A_126 = tpu.memref_slice %arg3[%mul3A_46, %dma_wait3A_125] : memref<256x16xi32, #tpu.memory_space<hbm>> -> memref<1x16xi32, #tpu.memory_space<hbm>>
      %dma_wait3A_127 = tpu.memref_squeeze %dma_wait3A_126 : memref<1x16xi32, #tpu.memory_space<hbm>> -> memref<16xi32, #tpu.memory_space<hbm>>
      %dma_wait3A_128 = arith.constant 0 : i32
      %dma_wait3A_129 = tpu.memref_slice %arg3[%mul3A_46, %dma_wait3A_128] : memref<256x16xi32, #tpu.memory_space<hbm>> -> memref<1x16xi32, #tpu.memory_space<hbm>>
      %dma_wait3A_130 = tpu.memref_squeeze %dma_wait3A_129 : memref<1x16xi32, #tpu.memory_space<hbm>> -> memref<16xi32, #tpu.memory_space<hbm>>
      tpu.wait_dma2 semaphore(%run_scoped3A : memref<!tpu.dma_semaphore, #tpu.memory_space<semaphore_mem>>) src(%dma_wait3A_130 : memref<16xi32, #tpu.memory_space<hbm>>) dst(%arg7 : memref<16xi32, #tpu.memory_space<vmem>>)
      tpu.yield
    }) : () -> ()
    %add3A_47 = arith.constant 1 : i32
    %add3A_48 = arith.addi %mul3A_46, %add3A_47 : i32
    "tpu.region"() ({
      %run_scoped3A = tpu.sem_alloc : memref<!tpu.dma_semaphore, #tpu.memory_space<semaphore_mem>>
      %dma_start3A_119 = arith.constant 0 : i32
      %dma_start3A_120 = tpu.memref_slice %arg3[%add3A_48, %dma_start3A_119] : memref<256x16xi32, #tpu.memory_space<hbm>> -> memref<1x16xi32, #tpu.memory_space<hbm>>
      %dma_start3A_121 = tpu.memref_squeeze %dma_start3A_120 : memref<1x16xi32, #tpu.memory_space<hbm>> -> memref<16xi32, #tpu.memory_space<hbm>>
      %dma_start3A_122 = arith.constant 0 : i32
      %dma_start3A_123 = tpu.memref_slice %arg3[%add3A_48, %dma_start3A_122] : memref<256x16xi32, #tpu.memory_space<hbm>> -> memref<1x16xi32, #tpu.memory_space<hbm>>
      %dma_start3A_124 = tpu.memref_squeeze %dma_start3A_123 : memref<1x16xi32, #tpu.memory_space<hbm>> -> memref<16xi32, #tpu.memory_space<hbm>>
      tpu.enqueue_dma source(%dma_start3A_124 : memref<16xi32, #tpu.memory_space<hbm>>) target(%arg8 : memref<16xi32, #tpu.memory_space<vmem>>) target_semaphore(%run_scoped3A : memref<!tpu.dma_semaphore, #tpu.memory_space<semaphore_mem>>)
      %dma_wait3A_125 = arith.constant 0 : i32
      %dma_wait3A_126 = tpu.memref_slice %arg3[%add3A_48, %dma_wait3A_125] : memref<256x16xi32, #tpu.memory_space<hbm>> -> memref<1x16xi32, #tpu.memory_space<hbm>>
      %dma_wait3A_127 = tpu.memref_squeeze %dma_wait3A_126 : memref<1x16xi32, #tpu.memory_space<hbm>> -> memref<16xi32, #tpu.memory_space<hbm>>
      %dma_wait3A_128 = arith.constant 0 : i32
      %dma_wait3A_129 = tpu.memref_slice %arg3[%add3A_48, %dma_wait3A_128] : memref<256x16xi32, #tpu.memory_space<hbm>> -> memref<1x16xi32, #tpu.memory_space<hbm>>
      %dma_wait3A_130 = tpu.memref_squeeze %dma_wait3A_129 : memref<1x16xi32, #tpu.memory_space<hbm>> -> memref<16xi32, #tpu.memory_space<hbm>>
      tpu.wait_dma2 semaphore(%run_scoped3A : memref<!tpu.dma_semaphore, #tpu.memory_space<semaphore_mem>>) src(%dma_wait3A_130 : memref<16xi32, #tpu.memory_space<hbm>>) dst(%arg8 : memref<16xi32, #tpu.memory_space<vmem>>)
      tpu.yield
    }) : () -> ()
    %dma_wait3A_49 = arith.constant 0 : i32
    %dma_wait3A_50 = tpu.memref_slice %arg2[%add3A_7, %dma_wait3A_49] : memref<2048x1024xf32, #tpu.memory_space<hbm>> -> memref<16x1024xf32, #tpu.memory_space<hbm>>
    %dma_wait3A_51 = arith.constant 0 : i32
    %dma_wait3A_52 = tpu.memref_slice %arg2[%add3A_7, %dma_wait3A_51] : memref<2048x1024xf32, #tpu.memory_space<hbm>> -> memref<16x1024xf32, #tpu.memory_space<hbm>>
    tpu.wait_dma2 semaphore(%arg9 : memref<!tpu.dma_semaphore, #tpu.memory_space<semaphore_mem>>) src(%dma_wait3A_52 : memref<16x1024xf32, #tpu.memory_space<hbm>>) dst(%arg6 : memref<16x1024xf32, #tpu.memory_space<vmem>>)
    %dma_start3A_53 = arith.constant 0 : i32
    %dma_start3A_54 = arith.constant 0 : i32
    %dma_start3A_55 = tpu.memref_slice %arg4[%dma_start3A_53, %dma_start3A_54] : memref<12288x1024xf32, #tpu.memory_space<hbm>> -> memref<12288x1024xf32, #tpu.memory_space<hbm>>
    tpu.enqueue_indirect_dma source(%arg6 : memref<16x1024xf32, #tpu.memory_space<vmem>>) target(%dma_start3A_55 : memref<12288x1024xf32, #tpu.memory_space<hbm>>) offsets(%arg7 : memref<16xi32, #tpu.memory_space<vmem>>) semaphore(%arg10 : memref<!tpu.dma_semaphore, #tpu.memory_space<semaphore_mem>>)
    %dma_start3A_56 = arith.constant 0 : i32
    %dma_start3A_57 = arith.constant 0 : i32
    %dma_start3A_58 = tpu.memref_slice %arg4[%dma_start3A_56, %dma_start3A_57] : memref<12288x1024xf32, #tpu.memory_space<hbm>> -> memref<12288x1024xf32, #tpu.memory_space<hbm>>
    tpu.enqueue_indirect_dma source(%arg6 : memref<16x1024xf32, #tpu.memory_space<vmem>>) target(%dma_start3A_58 : memref<12288x1024xf32, #tpu.memory_space<hbm>>) offsets(%arg8 : memref<16xi32, #tpu.memory_space<vmem>>) semaphore(%arg10 : memref<!tpu.dma_semaphore, #tpu.memory_space<semaphore_mem>>)
    %dma_wait3A_59 = arith.constant 0 : i32
    %dma_wait3A_60 = arith.constant 0 : i32
    %dma_wait3A_61 = tpu.memref_slice %arg4[%dma_wait3A_59, %dma_wait3A_60] : memref<12288x1024xf32, #tpu.memory_space<hbm>> -> memref<12288x1024xf32, #tpu.memory_space<hbm>>
    tpu.wait_indirect_dma semaphore(%arg10 : memref<!tpu.dma_semaphore, #tpu.memory_space<semaphore_mem>>) src(%arg6 : memref<16x1024xf32, #tpu.memory_space<vmem>>) dst(%dma_wait3A_61 : memref<12288x1024xf32, #tpu.memory_space<hbm>>)
    %dma_wait3A_62 = arith.constant 0 : i32
    %dma_wait3A_63 = arith.constant 0 : i32
    %dma_wait3A_64 = tpu.memref_slice %arg4[%dma_wait3A_62, %dma_wait3A_63] : memref<12288x1024xf32, #tpu.memory_space<hbm>> -> memref<12288x1024xf32, #tpu.memory_space<hbm>>
    tpu.wait_indirect_dma semaphore(%arg10 : memref<!tpu.dma_semaphore, #tpu.memory_space<semaphore_mem>>) src(%arg6 : memref<16x1024xf32, #tpu.memory_space<vmem>>) dst(%dma_wait3A_64 : memref<12288x1024xf32, #tpu.memory_space<hbm>>)
    %add3A_65 = arith.constant 48 : i32
    %add3A_66 = arith.addi %mul3A_2, %add3A_65 : i32
    %dma_start3A_67 = arith.constant 0 : i32
    %dma_start3A_68 = tpu.memref_slice %arg2[%add3A_66, %dma_start3A_67] : memref<2048x1024xf32, #tpu.memory_space<hbm>> -> memref<16x1024xf32, #tpu.memory_space<hbm>>
    %dma_start3A_69 = arith.constant 0 : i32
    %dma_start3A_70 = tpu.memref_slice %arg2[%add3A_66, %dma_start3A_69] : memref<2048x1024xf32, #tpu.memory_space<hbm>> -> memref<16x1024xf32, #tpu.memory_space<hbm>>
    tpu.enqueue_dma source(%dma_start3A_70 : memref<16x1024xf32, #tpu.memory_space<hbm>>) target(%arg6 : memref<16x1024xf32, #tpu.memory_space<vmem>>) target_semaphore(%arg9 : memref<!tpu.dma_semaphore, #tpu.memory_space<semaphore_mem>>)
    %mul3A_71 = arith.constant 4 : i32
    %mul3A_72 = arith.muli %add3A, %mul3A_71 : i32
    %add3A_73 = arith.constant 2 : i32
    %add3A_74 = arith.addi %mul3A_72, %add3A_73 : i32
    %mul3A_75 = arith.constant 2 : i32
    %mul3A_76 = arith.muli %add3A_74, %mul3A_75 : i32
    "tpu.region"() ({
      %run_scoped3A = tpu.sem_alloc : memref<!tpu.dma_semaphore, #tpu.memory_space<semaphore_mem>>
      %dma_start3A_119 = arith.constant 0 : i32
      %dma_start3A_120 = tpu.memref_slice %arg3[%mul3A_76, %dma_start3A_119] : memref<256x16xi32, #tpu.memory_space<hbm>> -> memref<1x16xi32, #tpu.memory_space<hbm>>
      %dma_start3A_121 = tpu.memref_squeeze %dma_start3A_120 : memref<1x16xi32, #tpu.memory_space<hbm>> -> memref<16xi32, #tpu.memory_space<hbm>>
      %dma_start3A_122 = arith.constant 0 : i32
      %dma_start3A_123 = tpu.memref_slice %arg3[%mul3A_76, %dma_start3A_122] : memref<256x16xi32, #tpu.memory_space<hbm>> -> memref<1x16xi32, #tpu.memory_space<hbm>>
      %dma_start3A_124 = tpu.memref_squeeze %dma_start3A_123 : memref<1x16xi32, #tpu.memory_space<hbm>> -> memref<16xi32, #tpu.memory_space<hbm>>
      tpu.enqueue_dma source(%dma_start3A_124 : memref<16xi32, #tpu.memory_space<hbm>>) target(%arg7 : memref<16xi32, #tpu.memory_space<vmem>>) target_semaphore(%run_scoped3A : memref<!tpu.dma_semaphore, #tpu.memory_space<semaphore_mem>>)
      %dma_wait3A_125 = arith.constant 0 : i32
      %dma_wait3A_126 = tpu.memref_slice %arg3[%mul3A_76, %dma_wait3A_125] : memref<256x16xi32, #tpu.memory_space<hbm>> -> memref<1x16xi32, #tpu.memory_space<hbm>>
      %dma_wait3A_127 = tpu.memref_squeeze %dma_wait3A_126 : memref<1x16xi32, #tpu.memory_space<hbm>> -> memref<16xi32, #tpu.memory_space<hbm>>
      %dma_wait3A_128 = arith.constant 0 : i32
      %dma_wait3A_129 = tpu.memref_slice %arg3[%mul3A_76, %dma_wait3A_128] : memref<256x16xi32, #tpu.memory_space<hbm>> -> memref<1x16xi32, #tpu.memory_space<hbm>>
      %dma_wait3A_130 = tpu.memref_squeeze %dma_wait3A_129 : memref<1x16xi32, #tpu.memory_space<hbm>> -> memref<16xi32, #tpu.memory_space<hbm>>
      tpu.wait_dma2 semaphore(%run_scoped3A : memref<!tpu.dma_semaphore, #tpu.memory_space<semaphore_mem>>) src(%dma_wait3A_130 : memref<16xi32, #tpu.memory_space<hbm>>) dst(%arg7 : memref<16xi32, #tpu.memory_space<vmem>>)
      tpu.yield
    }) : () -> ()
    %add3A_77 = arith.constant 1 : i32
    %add3A_78 = arith.addi %mul3A_76, %add3A_77 : i32
    "tpu.region"() ({
      %run_scoped3A = tpu.sem_alloc : memref<!tpu.dma_semaphore, #tpu.memory_space<semaphore_mem>>
      %dma_start3A_119 = arith.constant 0 : i32
      %dma_start3A_120 = tpu.memref_slice %arg3[%add3A_78, %dma_start3A_119] : memref<256x16xi32, #tpu.memory_space<hbm>> -> memref<1x16xi32, #tpu.memory_space<hbm>>
      %dma_start3A_121 = tpu.memref_squeeze %dma_start3A_120 : memref<1x16xi32, #tpu.memory_space<hbm>> -> memref<16xi32, #tpu.memory_space<hbm>>
      %dma_start3A_122 = arith.constant 0 : i32
      %dma_start3A_123 = tpu.memref_slice %arg3[%add3A_78, %dma_start3A_122] : memref<256x16xi32, #tpu.memory_space<hbm>> -> memref<1x16xi32, #tpu.memory_space<hbm>>
      %dma_start3A_124 = tpu.memref_squeeze %dma_start3A_123 : memref<1x16xi32, #tpu.memory_space<hbm>> -> memref<16xi32, #tpu.memory_space<hbm>>
      tpu.enqueue_dma source(%dma_start3A_124 : memref<16xi32, #tpu.memory_space<hbm>>) target(%arg8 : memref<16xi32, #tpu.memory_space<vmem>>) target_semaphore(%run_scoped3A : memref<!tpu.dma_semaphore, #tpu.memory_space<semaphore_mem>>)
      %dma_wait3A_125 = arith.constant 0 : i32
      %dma_wait3A_126 = tpu.memref_slice %arg3[%add3A_78, %dma_wait3A_125] : memref<256x16xi32, #tpu.memory_space<hbm>> -> memref<1x16xi32, #tpu.memory_space<hbm>>
      %dma_wait3A_127 = tpu.memref_squeeze %dma_wait3A_126 : memref<1x16xi32, #tpu.memory_space<hbm>> -> memref<16xi32, #tpu.memory_space<hbm>>
      %dma_wait3A_128 = arith.constant 0 : i32
      %dma_wait3A_129 = tpu.memref_slice %arg3[%add3A_78, %dma_wait3A_128] : memref<256x16xi32, #tpu.memory_space<hbm>> -> memref<1x16xi32, #tpu.memory_space<hbm>>
      %dma_wait3A_130 = tpu.memref_squeeze %dma_wait3A_129 : memref<1x16xi32, #tpu.memory_space<hbm>> -> memref<16xi32, #tpu.memory_space<hbm>>
      tpu.wait_dma2 semaphore(%run_scoped3A : memref<!tpu.dma_semaphore, #tpu.memory_space<semaphore_mem>>) src(%dma_wait3A_130 : memref<16xi32, #tpu.memory_space<hbm>>) dst(%arg8 : memref<16xi32, #tpu.memory_space<vmem>>)
      tpu.yield
    }) : () -> ()
    %dma_wait3A_79 = arith.constant 0 : i32
    %dma_wait3A_80 = tpu.memref_slice %arg2[%add3A_36, %dma_wait3A_79] : memref<2048x1024xf32, #tpu.memory_space<hbm>> -> memref<16x1024xf32, #tpu.memory_space<hbm>>
    %dma_wait3A_81 = arith.constant 0 : i32
    %dma_wait3A_82 = tpu.memref_slice %arg2[%add3A_36, %dma_wait3A_81] : memref<2048x1024xf32, #tpu.memory_space<hbm>> -> memref<16x1024xf32, #tpu.memory_space<hbm>>
    tpu.wait_dma2 semaphore(%arg9 : memref<!tpu.dma_semaphore, #tpu.memory_space<semaphore_mem>>) src(%dma_wait3A_82 : memref<16x1024xf32, #tpu.memory_space<hbm>>) dst(%arg5 : memref<16x1024xf32, #tpu.memory_space<vmem>>)
    %dma_start3A_83 = arith.constant 0 : i32
    %dma_start3A_84 = arith.constant 0 : i32
    %dma_start3A_85 = tpu.memref_slice %arg4[%dma_start3A_83, %dma_start3A_84] : memref<12288x1024xf32, #tpu.memory_space<hbm>> -> memref<12288x1024xf32, #tpu.memory_space<hbm>>
    tpu.enqueue_indirect_dma source(%arg5 : memref<16x1024xf32, #tpu.memory_space<vmem>>) target(%dma_start3A_85 : memref<12288x1024xf32, #tpu.memory_space<hbm>>) offsets(%arg7 : memref<16xi32, #tpu.memory_space<vmem>>) semaphore(%arg10 : memref<!tpu.dma_semaphore, #tpu.memory_space<semaphore_mem>>)
    %dma_start3A_86 = arith.constant 0 : i32
    %dma_start3A_87 = arith.constant 0 : i32
    %dma_start3A_88 = tpu.memref_slice %arg4[%dma_start3A_86, %dma_start3A_87] : memref<12288x1024xf32, #tpu.memory_space<hbm>> -> memref<12288x1024xf32, #tpu.memory_space<hbm>>
    tpu.enqueue_indirect_dma source(%arg5 : memref<16x1024xf32, #tpu.memory_space<vmem>>) target(%dma_start3A_88 : memref<12288x1024xf32, #tpu.memory_space<hbm>>) offsets(%arg8 : memref<16xi32, #tpu.memory_space<vmem>>) semaphore(%arg10 : memref<!tpu.dma_semaphore, #tpu.memory_space<semaphore_mem>>)
    %dma_wait3A_89 = arith.constant 0 : i32
    %dma_wait3A_90 = arith.constant 0 : i32
    %dma_wait3A_91 = tpu.memref_slice %arg4[%dma_wait3A_89, %dma_wait3A_90] : memref<12288x1024xf32, #tpu.memory_space<hbm>> -> memref<12288x1024xf32, #tpu.memory_space<hbm>>
    tpu.wait_indirect_dma semaphore(%arg10 : memref<!tpu.dma_semaphore, #tpu.memory_space<semaphore_mem>>) src(%arg5 : memref<16x1024xf32, #tpu.memory_space<vmem>>) dst(%dma_wait3A_91 : memref<12288x1024xf32, #tpu.memory_space<hbm>>)
    %dma_wait3A_92 = arith.constant 0 : i32
    %dma_wait3A_93 = arith.constant 0 : i32
    %dma_wait3A_94 = tpu.memref_slice %arg4[%dma_wait3A_92, %dma_wait3A_93] : memref<12288x1024xf32, #tpu.memory_space<hbm>> -> memref<12288x1024xf32, #tpu.memory_space<hbm>>
    tpu.wait_indirect_dma semaphore(%arg10 : memref<!tpu.dma_semaphore, #tpu.memory_space<semaphore_mem>>) src(%arg5 : memref<16x1024xf32, #tpu.memory_space<vmem>>) dst(%dma_wait3A_94 : memref<12288x1024xf32, #tpu.memory_space<hbm>>)
    %mul3A_95 = arith.constant 4 : i32
    %mul3A_96 = arith.muli %add3A, %mul3A_95 : i32
    %add3A_97 = arith.constant 3 : i32
    %add3A_98 = arith.addi %mul3A_96, %add3A_97 : i32
    %mul3A_99 = arith.constant 2 : i32
    %mul3A_100 = arith.muli %add3A_98, %mul3A_99 : i32
    "tpu.region"() ({
      %run_scoped3A = tpu.sem_alloc : memref<!tpu.dma_semaphore, #tpu.memory_space<semaphore_mem>>
      %dma_start3A_119 = arith.constant 0 : i32
      %dma_start3A_120 = tpu.memref_slice %arg3[%mul3A_100, %dma_start3A_119] : memref<256x16xi32, #tpu.memory_space<hbm>> -> memref<1x16xi32, #tpu.memory_space<hbm>>
      %dma_start3A_121 = tpu.memref_squeeze %dma_start3A_120 : memref<1x16xi32, #tpu.memory_space<hbm>> -> memref<16xi32, #tpu.memory_space<hbm>>
      %dma_start3A_122 = arith.constant 0 : i32
      %dma_start3A_123 = tpu.memref_slice %arg3[%mul3A_100, %dma_start3A_122] : memref<256x16xi32, #tpu.memory_space<hbm>> -> memref<1x16xi32, #tpu.memory_space<hbm>>
      %dma_start3A_124 = tpu.memref_squeeze %dma_start3A_123 : memref<1x16xi32, #tpu.memory_space<hbm>> -> memref<16xi32, #tpu.memory_space<hbm>>
      tpu.enqueue_dma source(%dma_start3A_124 : memref<16xi32, #tpu.memory_space<hbm>>) target(%arg7 : memref<16xi32, #tpu.memory_space<vmem>>) target_semaphore(%run_scoped3A : memref<!tpu.dma_semaphore, #tpu.memory_space<semaphore_mem>>)
      %dma_wait3A_125 = arith.constant 0 : i32
      %dma_wait3A_126 = tpu.memref_slice %arg3[%mul3A_100, %dma_wait3A_125] : memref<256x16xi32, #tpu.memory_space<hbm>> -> memref<1x16xi32, #tpu.memory_space<hbm>>
      %dma_wait3A_127 = tpu.memref_squeeze %dma_wait3A_126 : memref<1x16xi32, #tpu.memory_space<hbm>> -> memref<16xi32, #tpu.memory_space<hbm>>
      %dma_wait3A_128 = arith.constant 0 : i32
      %dma_wait3A_129 = tpu.memref_slice %arg3[%mul3A_100, %dma_wait3A_128] : memref<256x16xi32, #tpu.memory_space<hbm>> -> memref<1x16xi32, #tpu.memory_space<hbm>>
      %dma_wait3A_130 = tpu.memref_squeeze %dma_wait3A_129 : memref<1x16xi32, #tpu.memory_space<hbm>> -> memref<16xi32, #tpu.memory_space<hbm>>
      tpu.wait_dma2 semaphore(%run_scoped3A : memref<!tpu.dma_semaphore, #tpu.memory_space<semaphore_mem>>) src(%dma_wait3A_130 : memref<16xi32, #tpu.memory_space<hbm>>) dst(%arg7 : memref<16xi32, #tpu.memory_space<vmem>>)
      tpu.yield
    }) : () -> ()
    %add3A_101 = arith.constant 1 : i32
    %add3A_102 = arith.addi %mul3A_100, %add3A_101 : i32
    "tpu.region"() ({
      %run_scoped3A = tpu.sem_alloc : memref<!tpu.dma_semaphore, #tpu.memory_space<semaphore_mem>>
      %dma_start3A_119 = arith.constant 0 : i32
      %dma_start3A_120 = tpu.memref_slice %arg3[%add3A_102, %dma_start3A_119] : memref<256x16xi32, #tpu.memory_space<hbm>> -> memref<1x16xi32, #tpu.memory_space<hbm>>
      %dma_start3A_121 = tpu.memref_squeeze %dma_start3A_120 : memref<1x16xi32, #tpu.memory_space<hbm>> -> memref<16xi32, #tpu.memory_space<hbm>>
      %dma_start3A_122 = arith.constant 0 : i32
      %dma_start3A_123 = tpu.memref_slice %arg3[%add3A_102, %dma_start3A_122] : memref<256x16xi32, #tpu.memory_space<hbm>> -> memref<1x16xi32, #tpu.memory_space<hbm>>
      %dma_start3A_124 = tpu.memref_squeeze %dma_start3A_123 : memref<1x16xi32, #tpu.memory_space<hbm>> -> memref<16xi32, #tpu.memory_space<hbm>>
      tpu.enqueue_dma source(%dma_start3A_124 : memref<16xi32, #tpu.memory_space<hbm>>) target(%arg8 : memref<16xi32, #tpu.memory_space<vmem>>) target_semaphore(%run_scoped3A : memref<!tpu.dma_semaphore, #tpu.memory_space<semaphore_mem>>)
      %dma_wait3A_125 = arith.constant 0 : i32
      %dma_wait3A_126 = tpu.memref_slice %arg3[%add3A_102, %dma_wait3A_125] : memref<256x16xi32, #tpu.memory_space<hbm>> -> memref<1x16xi32, #tpu.memory_space<hbm>>
      %dma_wait3A_127 = tpu.memref_squeeze %dma_wait3A_126 : memref<1x16xi32, #tpu.memory_space<hbm>> -> memref<16xi32, #tpu.memory_space<hbm>>
      %dma_wait3A_128 = arith.constant 0 : i32
      %dma_wait3A_129 = tpu.memref_slice %arg3[%add3A_102, %dma_wait3A_128] : memref<256x16xi32, #tpu.memory_space<hbm>> -> memref<1x16xi32, #tpu.memory_space<hbm>>
      %dma_wait3A_130 = tpu.memref_squeeze %dma_wait3A_129 : memref<1x16xi32, #tpu.memory_space<hbm>> -> memref<16xi32, #tpu.memory_space<hbm>>
      tpu.wait_dma2 semaphore(%run_scoped3A : memref<!tpu.dma_semaphore, #tpu.memory_space<semaphore_mem>>) src(%dma_wait3A_130 : memref<16xi32, #tpu.memory_space<hbm>>) dst(%arg8 : memref<16xi32, #tpu.memory_space<vmem>>)
      tpu.yield
    }) : () -> ()
    %dma_wait3A_103 = arith.constant 0 : i32
    %dma_wait3A_104 = tpu.memref_slice %arg2[%add3A_66, %dma_wait3A_103] : memref<2048x1024xf32, #tpu.memory_space<hbm>> -> memref<16x1024xf32, #tpu.memory_space<hbm>>
    %dma_wait3A_105 = arith.constant 0 : i32
    %dma_wait3A_106 = tpu.memref_slice %arg2[%add3A_66, %dma_wait3A_105] : memref<2048x1024xf32, #tpu.memory_space<hbm>> -> memref<16x1024xf32, #tpu.memory_space<hbm>>
    tpu.wait_dma2 semaphore(%arg9 : memref<!tpu.dma_semaphore, #tpu.memory_space<semaphore_mem>>) src(%dma_wait3A_106 : memref<16x1024xf32, #tpu.memory_space<hbm>>) dst(%arg6 : memref<16x1024xf32, #tpu.memory_space<vmem>>)
    %dma_start3A_107 = arith.constant 0 : i32
    %dma_start3A_108 = arith.constant 0 : i32
    %dma_start3A_109 = tpu.memref_slice %arg4[%dma_start3A_107, %dma_start3A_108] : memref<12288x1024xf32, #tpu.memory_space<hbm>> -> memref<12288x1024xf32, #tpu.memory_space<hbm>>
    tpu.enqueue_indirect_dma source(%arg6 : memref<16x1024xf32, #tpu.memory_space<vmem>>) target(%dma_start3A_109 : memref<12288x1024xf32, #tpu.memory_space<hbm>>) offsets(%arg7 : memref<16xi32, #tpu.memory_space<vmem>>) semaphore(%arg10 : memref<!tpu.dma_semaphore, #tpu.memory_space<semaphore_mem>>)
    %dma_start3A_110 = arith.constant 0 : i32
    %dma_start3A_111 = arith.constant 0 : i32
    %dma_start3A_112 = tpu.memref_slice %arg4[%dma_start3A_110, %dma_start3A_111] : memref<12288x1024xf32, #tpu.memory_space<hbm>> -> memref<12288x1024xf32, #tpu.memory_space<hbm>>
    tpu.enqueue_indirect_dma source(%arg6 : memref<16x1024xf32, #tpu.memory_space<vmem>>) target(%dma_start3A_112 : memref<12288x1024xf32, #tpu.memory_space<hbm>>) offsets(%arg8 : memref<16xi32, #tpu.memory_space<vmem>>) semaphore(%arg10 : memref<!tpu.dma_semaphore, #tpu.memory_space<semaphore_mem>>)
    %dma_wait3A_113 = arith.constant 0 : i32
    %dma_wait3A_114 = arith.constant 0 : i32
    %dma_wait3A_115 = tpu.memref_slice %arg4[%dma_wait3A_113, %dma_wait3A_114] : memref<12288x1024xf32, #tpu.memory_space<hbm>> -> memref<12288x1024xf32, #tpu.memory_space<hbm>>
    tpu.wait_indirect_dma semaphore(%arg10 : memref<!tpu.dma_semaphore, #tpu.memory_space<semaphore_mem>>) src(%arg6 : memref<16x1024xf32, #tpu.memory_space<vmem>>) dst(%dma_wait3A_115 : memref<12288x1024xf32, #tpu.memory_space<hbm>>)
    %dma_wait3A_116 = arith.constant 0 : i32
    %dma_wait3A_117 = arith.constant 0 : i32
    %dma_wait3A_118 = tpu.memref_slice %arg4[%dma_wait3A_116, %dma_wait3A_117] : memref<12288x1024xf32, #tpu.memory_space<hbm>> -> memref<12288x1024xf32, #tpu.memory_space<hbm>>
    tpu.wait_indirect_dma semaphore(%arg10 : memref<!tpu.dma_semaphore, #tpu.memory_space<semaphore_mem>>) src(%arg6 : memref<16x1024xf32, #tpu.memory_space<vmem>>) dst(%dma_wait3A_118 : memref<12288x1024xf32, #tpu.memory_space<hbm>>)
    return
  }
}

module attributes {stable_mosaic.version = 14 : i64} {
  func.func @_shared_body(%arg0: i32, %arg1: memref<128x1024xf32, #tpu.memory_space<vmem>>, %arg2: memref<1x512x1024xf32, #tpu.memory_space<vmem>>, %arg3: memref<1x1024x512xf32, #tpu.memory_space<vmem>>, %arg4: memref<128x1024xf32, #tpu.memory_space<vmem>>) attributes {dimension_semantics = [#tpu.dimension_semantics<arbitrary>], iteration_bounds = array<i64: 16>, scalar_prefetch = 0 : i64, scratch_operands = 0 : i64, tpu.core_type = #tpu.core_type<tc>, window_params = [{transform_indices = @transform_0, window_bounds = array<i64: 128, 1024>}, {pipeline_mode = #tpu.pipeline_mode<synchronous>, transform_indices = @transform_1, window_bounds = array<i64: 1, 512, 1024>}, {pipeline_mode = #tpu.pipeline_mode<synchronous>, transform_indices = @transform_2, window_bounds = array<i64: 1, 1024, 512>}, {transform_indices = @transform_3, window_bounds = array<i64: 128, 1024>}]} {
    %get3A = arith.constant 0 : index
    %get3A_0 = arith.constant 0 : index
    %get3A_1 = vector.load %arg1[%get3A, %get3A_0] : memref<128x1024xf32, #tpu.memory_space<vmem>>, vector<128x1024xf32>
    %get3A_2 = arith.constant 0 : index
    %get3A_3 = arith.constant 0 : index
    %get3A_4 = arith.constant 0 : index
    %get3A_5 = vector.load %arg2[%get3A_2, %get3A_3, %get3A_4] : memref<1x512x1024xf32, #tpu.memory_space<vmem>>, vector<1x512x1024xf32>
    %get3A_6 = vector.shape_cast %get3A_5 : vector<1x512x1024xf32> to vector<512x1024xf32>
    %get3A_7 = arith.constant 0 : index
    %get3A_8 = arith.constant 0 : index
    %get3A_9 = arith.constant 0 : index
    %get3A_10 = vector.load %arg3[%get3A_7, %get3A_8, %get3A_9] : memref<1x1024x512xf32, #tpu.memory_space<vmem>>, vector<1x1024x512xf32>
    %get3A_11 = vector.shape_cast %get3A_10 : vector<1x1024x512xf32> to vector<1024x512xf32>
    %convert_element_type3A = arith.truncf %get3A_1 : vector<128x1024xf32> to vector<128x1024xbf16>
    %convert_element_type3A_12 = arith.truncf %get3A_6 : vector<512x1024xf32> to vector<512x1024xbf16>
    %dot_general3A = arith.constant dense<0.000000e+00> : vector<128x512xf32>
    %dot_general3A_13 = tpu.matmul %convert_element_type3A, %convert_element_type3A_12, %dot_general3A {dimension_numbers = #tpu.dot_dimension_numbers<[1], [1], [0], [0], [0, 0, 1, 0], [], []>, transpose_lhs_hint = false} : vector<128x1024xbf16>, vector<512x1024xbf16>, vector<128x512xf32> -> vector<128x512xf32>
    %mul3A = arith.constant 5.000000e-01 : f32
    %mul3A_14 = vector.broadcast %mul3A : f32 to vector<128x512xf32>
    %mul3A_15 = arith.mulf %mul3A_14, %dot_general3A_13 : vector<128x512xf32>
    %mul3A_16 = arith.constant 0.707106769 : f32
    %mul3A_17 = vector.broadcast %mul3A_16 : f32 to vector<128x512xf32>
    %mul3A_18 = arith.mulf %dot_general3A_13, %mul3A_17 : vector<128x512xf32>
    %erf3A = math.erf %mul3A_18 : vector<128x512xf32>
    %add3A = arith.constant 1.000000e+00 : f32
    %add3A_19 = vector.broadcast %add3A : f32 to vector<128x512xf32>
    %add3A_20 = arith.addf %add3A_19, %erf3A : vector<128x512xf32>
    %mul3A_21 = arith.mulf %mul3A_15, %add3A_20 : vector<128x512xf32>
    %convert_element_type3A_22 = arith.truncf %mul3A_21 : vector<128x512xf32> to vector<128x512xbf16>
    %convert_element_type3A_23 = arith.truncf %get3A_11 : vector<1024x512xf32> to vector<1024x512xbf16>
    %dot_general3A_24 = arith.constant dense<0.000000e+00> : vector<128x1024xf32>
    %dot_general3A_25 = tpu.matmul %convert_element_type3A_22, %convert_element_type3A_23, %dot_general3A_24 {dimension_numbers = #tpu.dot_dimension_numbers<[1], [1], [0], [0], [0, 0, 1, 0], [], []>, transpose_lhs_hint = false} : vector<128x512xbf16>, vector<1024x512xbf16>, vector<128x1024xf32> -> vector<128x1024xf32>
    %swap3A = arith.constant 0 : index
    %swap3A_26 = arith.constant 0 : index
    %swap3A_27 = vector.load %arg4[%swap3A, %swap3A_26] : memref<128x1024xf32, #tpu.memory_space<vmem>>, vector<128x1024xf32>
    tpu.vector_store %arg4[%swap3A, %swap3A_26], %dot_general3A_25 {strides = array<i32>} : memref<128x1024xf32, #tpu.memory_space<vmem>>, vector<128x1024xf32>,
    return
  }
  func.func @transform_0(%arg0: i32) -> (i32, i32) {
    %c0_i32 = arith.constant 0 : i32
    %c0_i32_0 = arith.constant 0 : i32
    return %arg0, %c0_i32 : i32, i32
  }
  func.func @transform_1(%arg0: i32) -> (i32, i32, i32) {
    %c0_i32 = arith.constant 0 : i32
    %c0_i32_0 = arith.constant 0 : i32
    %c0_i32_1 = arith.constant 0 : i32
    %c0_i32_2 = arith.constant 0 : i32
    return %c0_i32, %c0_i32_0, %c0_i32_1 : i32, i32, i32
  }
  func.func @transform_2(%arg0: i32) -> (i32, i32, i32) {
    %c0_i32 = arith.constant 0 : i32
    %c0_i32_0 = arith.constant 0 : i32
    %c0_i32_1 = arith.constant 0 : i32
    %c0_i32_2 = arith.constant 0 : i32
    return %c0_i32, %c0_i32_0, %c0_i32_1 : i32, i32, i32
  }
  func.func @transform_3(%arg0: i32) -> (i32, i32) {
    %c0_i32 = arith.constant 0 : i32
    %c0_i32_0 = arith.constant 0 : i32
    return %arg0, %c0_i32 : i32, i32
  }
}

module attributes {stable_mosaic.version = 14 : i64} {
  func.func @_route_meta_body(%arg0: i32, %arg1: memref<256x1024xf32, #tpu.memory_space<vmem>>, %arg2: memref<64x1024xf32, #tpu.memory_space<vmem>>, %arg3: memref<2048x1xi32, #tpu.memory_space<vmem>>, %arg4: memref<2048x1xi32, #tpu.memory_space<vmem>>, %arg5: memref<2048x16xf32, #tpu.memory_space<vmem>>, %arg6: memref<2048x16xf32, #tpu.memory_space<vmem>>, %arg7: memref<256x1xi32, #tpu.memory_space<vmem>>, %arg8: memref<1x1xi32, #tpu.memory_space<vmem>>, %arg9: memref<2048x1xi32, #tpu.memory_space<vmem>>, %arg10: memref<2048x1xi32, #tpu.memory_space<vmem>>, %arg11: memref<2048x1xi32, #tpu.memory_space<vmem>>, %arg12: memref<2048x1xi32, #tpu.memory_space<vmem>>, %arg13: memref<8x64xf32, #tpu.memory_space<vmem>>, %arg14: memref<8x64xf32, #tpu.memory_space<vmem>>) attributes {dimension_semantics = [#tpu.dimension_semantics<arbitrary>], iteration_bounds = array<i64: 9>, scalar_prefetch = 0 : i64, scratch_operands = 6 : i64, tpu.core_type = #tpu.core_type<tc>, window_params = [{transform_indices = @transform_0, window_bounds = array<i64: 256, 1024>}, {pipeline_mode = #tpu.pipeline_mode<synchronous>, transform_indices = @transform_1, window_bounds = array<i64: 64, 1024>}, {pipeline_mode = #tpu.pipeline_mode<synchronous>, transform_indices = @transform_2, window_bounds = array<i64: 2048, 1>}, {pipeline_mode = #tpu.pipeline_mode<synchronous>, transform_indices = @transform_3, window_bounds = array<i64: 2048, 1>}, {pipeline_mode = #tpu.pipeline_mode<synchronous>, transform_indices = @transform_4, window_bounds = array<i64: 2048, 16>}, {pipeline_mode = #tpu.pipeline_mode<synchronous>, transform_indices = @transform_5, window_bounds = array<i64: 2048, 16>}, {pipeline_mode = #tpu.pipeline_mode<synchronous>, transform_indices = @transform_6, window_bounds = array<i64: 256, 1>}, {pipeline_mode = #tpu.pipeline_mode<synchronous>, transform_indices = @transform_7, window_bounds = array<i64: 1, 1>}]} {
    %lt3A = arith.constant 8 : i32
    %lt3A_0 = arith.cmpi slt, %arg0, %lt3A : i32
    %convert_element_type3A = arith.extui %lt3A_0 : i1 to i32
    %cond3A = arith.constant 0 : i32
    %cond3A_1 = arith.cmpi ne, %convert_element_type3A, %cond3A : i32
    scf.if %cond3A_1 {
      %get3A = arith.constant 0 : index
      %get3A_6 = arith.constant 0 : index
      %get3A_7 = vector.load %arg1[%get3A, %get3A_6] : memref<256x1024xf32, #tpu.memory_space<vmem>>, vector<256x1024xf32>
      %get3A_8 = arith.constant 0 : index
      %get3A_9 = arith.constant 0 : index
      %get3A_10 = vector.load %arg2[%get3A_8, %get3A_9] : memref<64x1024xf32, #tpu.memory_space<vmem>>, vector<64x1024xf32>
      %dot_general3A = arith.constant dense<0.000000e+00> : vector<256x64xf32>
      %dot_general3A_11 = tpu.matmul %get3A_7, %get3A_10, %dot_general3A {dimension_numbers = #tpu.dot_dimension_numbers<[1], [1], [0], [0], [0, 0, 1, 0], [], []>, transpose_lhs_hint = false} : vector<256x1024xf32>, vector<64x1024xf32>, vector<256x64xf32> -> vector<256x64xf32>
      %reduce_max3A = arith.constant dense<0xFF800000> : vector<256xf32>
      %reduce_max3A_12 = vector.multi_reduction <maximumf>, %dot_general3A_11, %reduce_max3A [1] : vector<256x64xf32> to vector<256xf32>
      %broadcast_in_dim3A = vector.shape_cast %reduce_max3A_12 : vector<256xf32> to vector<256x1xf32>
      %sub3A = vector.broadcast %broadcast_in_dim3A : vector<256x1xf32> to vector<256x64xf32>
      %sub3A_13 = arith.subf %dot_general3A_11, %sub3A : vector<256x64xf32>
      %exp3A = math.exp %sub3A_13 : vector<256x64xf32>
      %reduce_sum3A = arith.constant dense<0.000000e+00> : vector<256xf32>
      %reduce_sum3A_14 = vector.multi_reduction <add>, %exp3A, %reduce_sum3A [1] : vector<256x64xf32> to vector<256xf32>
      %broadcast_in_dim3A_15 = vector.shape_cast %reduce_sum3A_14 : vector<256xf32> to vector<256x1xf32>
      %div3A = vector.broadcast %broadcast_in_dim3A_15 : vector<256x1xf32> to vector<256x64xf32>
      %div3A_16 = arith.divf %exp3A, %div3A : vector<256x64xf32>
      %iota3A = tpu.iota {dimensions = array<i32: 1>} : vector<256x64xi32>
      %reduce_max3A_17 = arith.constant dense<0xFF800000> : vector<256xf32>
      %reduce_max3A_18 = vector.multi_reduction <maximumf>, %div3A_16, %reduce_max3A_17 [1] : vector<256x64xf32> to vector<256xf32>
      %broadcast_in_dim3A_19 = vector.shape_cast %reduce_max3A_18 : vector<256xf32> to vector<256x1xf32>
      %eq3A_20 = vector.broadcast %broadcast_in_dim3A_19 : vector<256x1xf32> to vector<256x64xf32>
      %eq3A_21 = arith.cmpf oeq, %div3A_16, %eq3A_20 : vector<256x64xf32>
      %jit3A = arith.constant 64 : i32
      %broadcast_in_dim3A_22 = vector.broadcast %jit3A : i32 to vector<256x64xi32>
      %select_n3A = arith.select %eq3A_21, %iota3A, %broadcast_in_dim3A_22 : vector<256x64xi1>, vector<256x64xi32>
      %reduce_min3A = arith.constant dense<2147483647> : vector<256xi32>
      %reduce_min3A_23 = vector.multi_reduction <minsi>, %select_n3A, %reduce_min3A [1] : vector<256x64xi32> to vector<256xi32>
      %broadcast_in_dim3A_24 = vector.shape_cast %reduce_min3A_23 : vector<256xi32> to vector<256x1xi32>
      %eq3A_25 = vector.broadcast %broadcast_in_dim3A_24 : vector<256x1xi32> to vector<256x64xi32>
      %eq3A_26 = arith.cmpi eq, %iota3A, %eq3A_25 : vector<256x64xi32>
      %jit3A_27 = arith.constant -1.000000e+00 : f32
      %broadcast_in_dim3A_28 = vector.broadcast %jit3A_27 : f32 to vector<256x64xf32>
      %select_n3A_29 = arith.select %eq3A_26, %broadcast_in_dim3A_28, %div3A_16 : vector<256x64xi1>, vector<256x64xf32>
      %reduce_max3A_30 = arith.constant dense<0xFF800000> : vector<256xf32>
      %reduce_max3A_31 = vector.multi_reduction <maximumf>, %select_n3A_29, %reduce_max3A_30 [1] : vector<256x64xf32> to vector<256xf32>
      %broadcast_in_dim3A_32 = vector.shape_cast %reduce_max3A_31 : vector<256xf32> to vector<256x1xf32>
      %eq3A_33 = vector.broadcast %broadcast_in_dim3A_32 : vector<256x1xf32> to vector<256x64xf32>
      %eq3A_34 = arith.cmpf oeq, %select_n3A_29, %eq3A_33 : vector<256x64xf32>
      %jit3A_35 = arith.constant 64 : i32
      %broadcast_in_dim3A_36 = vector.broadcast %jit3A_35 : i32 to vector<256x64xi32>
      %select_n3A_37 = arith.select %eq3A_34, %iota3A, %broadcast_in_dim3A_36 : vector<256x64xi1>, vector<256x64xi32>
      %reduce_min3A_38 = arith.constant dense<2147483647> : vector<256xi32>
      %reduce_min3A_39 = vector.multi_reduction <minsi>, %select_n3A_37, %reduce_min3A_38 [1] : vector<256x64xi32> to vector<256xi32>
      %broadcast_in_dim3A_40 = vector.shape_cast %reduce_min3A_39 : vector<256xi32> to vector<256x1xi32>
      %mul3A = arith.constant 256 : i32
      %mul3A_41 = arith.muli %arg0, %mul3A : i32
      %broadcast_in_dim3A_42 = vector.shape_cast %broadcast_in_dim3A_19 : vector<256x1xf32> to vector<256x1xf32>
      %broadcast_in_dim3A_43 = vector.broadcast %broadcast_in_dim3A_42 : vector<256x1xf32> to vector<256x16xf32>
      %swap3A = arith.index_cast %mul3A_41 : i32 to index
      %swap3A_44 = arith.constant 0 : index
      %swap3A_45 = vector.load %arg5[%swap3A, %swap3A_44] : memref<2048x16xf32, #tpu.memory_space<vmem>>, vector<256x16xf32>
      tpu.vector_store %arg5[%swap3A, %swap3A_44], %broadcast_in_dim3A_43 {strides = array<i32>} : memref<2048x16xf32, #tpu.memory_space<vmem>>, vector<256x16xf32>,
      %broadcast_in_dim3A_46 = vector.shape_cast %broadcast_in_dim3A_32 : vector<256x1xf32> to vector<256x1xf32>
      %broadcast_in_dim3A_47 = vector.broadcast %broadcast_in_dim3A_46 : vector<256x1xf32> to vector<256x16xf32>
      %swap3A_48 = arith.index_cast %mul3A_41 : i32 to index
      %swap3A_49 = arith.constant 0 : index
      %swap3A_50 = vector.load %arg6[%swap3A_48, %swap3A_49] : memref<2048x16xf32, #tpu.memory_space<vmem>>, vector<256x16xf32>
      tpu.vector_store %arg6[%swap3A_48, %swap3A_49], %broadcast_in_dim3A_47 {strides = array<i32>} : memref<2048x16xf32, #tpu.memory_space<vmem>>, vector<256x16xf32>,
      %swap3A_51 = arith.index_cast %mul3A_41 : i32 to index
      %swap3A_52 = arith.constant 0 : index
      %swap3A_53 = vector.load %arg9[%swap3A_51, %swap3A_52] : memref<2048x1xi32, #tpu.memory_space<vmem>>, vector<256x1xi32>
      tpu.vector_store %arg9[%swap3A_51, %swap3A_52], %broadcast_in_dim3A_24 {strides = array<i32>} : memref<2048x1xi32, #tpu.memory_space<vmem>>, vector<256x1xi32>,
      %swap3A_54 = arith.index_cast %mul3A_41 : i32 to index
      %swap3A_55 = arith.constant 0 : index
      %swap3A_56 = vector.load %arg10[%swap3A_54, %swap3A_55] : memref<2048x1xi32, #tpu.memory_space<vmem>>, vector<256x1xi32>
      tpu.vector_store %arg10[%swap3A_54, %swap3A_55], %broadcast_in_dim3A_40 {strides = array<i32>} : memref<2048x1xi32, #tpu.memory_space<vmem>>, vector<256x1xi32>,
      %eq3A_57 = vector.broadcast %broadcast_in_dim3A_24 : vector<256x1xi32> to vector<256x64xi32>
      %eq3A_58 = arith.cmpi eq, %eq3A_57, %iota3A : vector<256x64xi32>
      %convert_element_type3A_59 = arith.extui %eq3A_58 : vector<256x64xi1> to vector<256x64xi32>
      %convert_element_type3A_60 = arith.sitofp %convert_element_type3A_59 : vector<256x64xi32> to vector<256x64xf32>
      %eq3A_61 = vector.broadcast %broadcast_in_dim3A_40 : vector<256x1xi32> to vector<256x64xi32>
      %eq3A_62 = arith.cmpi eq, %eq3A_61, %iota3A : vector<256x64xi32>
      %convert_element_type3A_63 = arith.extui %eq3A_62 : vector<256x64xi1> to vector<256x64xi32>
      %convert_element_type3A_64 = arith.sitofp %convert_element_type3A_63 : vector<256x64xi32> to vector<256x64xf32>
      %iota3A_65 = tpu.iota {dimensions = array<i32: 0>} : vector<256x256xi32>
      %iota3A_66 = tpu.iota {dimensions = array<i32: 1>} : vector<256x256xi32>
      %gt3A = arith.cmpi sgt, %iota3A_65, %iota3A_66 : vector<256x256xi32>
      %convert_element_type3A_67 = arith.extui %gt3A : vector<256x256xi1> to vector<256x256xi32>
      %convert_element_type3A_68 = arith.sitofp %convert_element_type3A_67 : vector<256x256xi32> to vector<256x256xf32>
      %dot_general3A_69 = arith.constant dense<0.000000e+00> : vector<256x64xf32>
      %dot_general3A_70 = tpu.matmul %convert_element_type3A_68, %convert_element_type3A_60, %dot_general3A_69 {dimension_numbers = #tpu.dot_dimension_numbers<[1], [0], [0], [1], [0, 0, 1, 1], [], []>, transpose_lhs_hint = false} : vector<256x256xf32>, vector<256x64xf32>, vector<256x64xf32> -> vector<256x64xf32>
      %dot_general3A_71 = arith.constant dense<0.000000e+00> : vector<256x64xf32>
      %dot_general3A_72 = tpu.matmul %convert_element_type3A_68, %convert_element_type3A_64, %dot_general3A_71 {dimension_numbers = #tpu.dot_dimension_numbers<[1], [0], [0], [1], [0, 0, 1, 1], [], []>, transpose_lhs_hint = false} : vector<256x256xf32>, vector<256x64xf32>, vector<256x64xf32> -> vector<256x64xf32>
      %mul3A_73 = arith.mulf %dot_general3A_70, %convert_element_type3A_60 : vector<256x64xf32>
      %reduce_sum3A_74 = arith.constant dense<0.000000e+00> : vector<256xf32>
      %reduce_sum3A_75 = vector.multi_reduction <add>, %mul3A_73, %reduce_sum3A_74 [1] : vector<256x64xf32> to vector<256xf32>
      %broadcast_in_dim3A_76 = vector.shape_cast %reduce_sum3A_75 : vector<256xf32> to vector<256x1xf32>
      %convert_element_type3A_77 = arith.fptosi %broadcast_in_dim3A_76 : vector<256x1xf32> to vector<256x1xi32>
      %swap3A_78 = arith.index_cast %mul3A_41 : i32 to index
      %swap3A_79 = arith.constant 0 : index
      %swap3A_80 = vector.load %arg11[%swap3A_78, %swap3A_79] : memref<2048x1xi32, #tpu.memory_space<vmem>>, vector<256x1xi32>
      tpu.vector_store %arg11[%swap3A_78, %swap3A_79], %convert_element_type3A_77 {strides = array<i32>} : memref<2048x1xi32, #tpu.memory_space<vmem>>, vector<256x1xi32>,
      %mul3A_81 = arith.mulf %dot_general3A_72, %convert_element_type3A_64 : vector<256x64xf32>
      %reduce_sum3A_82 = arith.constant dense<0.000000e+00> : vector<256xf32>
      %reduce_sum3A_83 = vector.multi_reduction <add>, %mul3A_81, %reduce_sum3A_82 [1] : vector<256x64xf32> to vector<256xf32>
      %broadcast_in_dim3A_84 = vector.shape_cast %reduce_sum3A_83 : vector<256xf32> to vector<256x1xf32>
      %convert_element_type3A_85 = arith.fptosi %broadcast_in_dim3A_84 : vector<256x1xf32> to vector<256x1xi32>
      %swap3A_86 = arith.index_cast %mul3A_41 : i32 to index
      %swap3A_87 = arith.constant 0 : index
      %swap3A_88 = vector.load %arg12[%swap3A_86, %swap3A_87] : memref<2048x1xi32, #tpu.memory_space<vmem>>, vector<256x1xi32>
      tpu.vector_store %arg12[%swap3A_86, %swap3A_87], %convert_element_type3A_85 {strides = array<i32>} : memref<2048x1xi32, #tpu.memory_space<vmem>>, vector<256x1xi32>,
      %iota3A_89 = tpu.iota {dimensions = array<i32: 0>} : vector<8x64xi32>
      %eq3A_90 = vector.broadcast %arg0 : i32 to vector<8x64xi32>
      %eq3A_91 = arith.cmpi eq, %iota3A_89, %eq3A_90 : vector<8x64xi32>
      %reduce_sum3A_92 = arith.constant dense<0.000000e+00> : vector<64xf32>
      %reduce_sum3A_93 = vector.multi_reduction <add>, %convert_element_type3A_60, %reduce_sum3A_92 [0] : vector<256x64xf32> to vector<64xf32>
      %broadcast_in_dim3A_94 = vector.shape_cast %reduce_sum3A_93 : vector<64xf32> to vector<1x64xf32>
      %get3A_95 = arith.constant 0 : index
      %get3A_96 = arith.constant 0 : index
      %get3A_97 = vector.load %arg13[%get3A_95, %get3A_96] : memref<8x64xf32, #tpu.memory_space<vmem>>, vector<8x64xf32>
      %broadcast_in_dim3A_98 = vector.shape_cast %broadcast_in_dim3A_94 : vector<1x64xf32> to vector<1x64xf32>
      %broadcast_in_dim3A_99 = vector.broadcast %broadcast_in_dim3A_98 : vector<1x64xf32> to vector<8x64xf32>
      %select_n3A_100 = arith.select %eq3A_91, %broadcast_in_dim3A_99, %get3A_97 : vector<8x64xi1>, vector<8x64xf32>
      %swap3A_101 = arith.constant 0 : index
      %swap3A_102 = arith.constant 0 : index
      %swap3A_103 = vector.load %arg13[%swap3A_101, %swap3A_102] : memref<8x64xf32, #tpu.memory_space<vmem>>, vector<8x64xf32>
      tpu.vector_store %arg13[%swap3A_101, %swap3A_102], %select_n3A_100 {strides = array<i32>} : memref<8x64xf32, #tpu.memory_space<vmem>>, vector<8x64xf32>,
      %reduce_sum3A_104 = arith.constant dense<0.000000e+00> : vector<64xf32>
      %reduce_sum3A_105 = vector.multi_reduction <add>, %convert_element_type3A_64, %reduce_sum3A_104 [0] : vector<256x64xf32> to vector<64xf32>
      %broadcast_in_dim3A_106 = vector.shape_cast %reduce_sum3A_105 : vector<64xf32> to vector<1x64xf32>
      %get3A_107 = arith.constant 0 : index
      %get3A_108 = arith.constant 0 : index
      %get3A_109 = vector.load %arg14[%get3A_107, %get3A_108] : memref<8x64xf32, #tpu.memory_space<vmem>>, vector<8x64xf32>
      %broadcast_in_dim3A_110 = vector.shape_cast %broadcast_in_dim3A_106 : vector<1x64xf32> to vector<1x64xf32>
      %broadcast_in_dim3A_111 = vector.broadcast %broadcast_in_dim3A_110 : vector<1x64xf32> to vector<8x64xf32>
      %select_n3A_112 = arith.select %eq3A_91, %broadcast_in_dim3A_111, %get3A_109 : vector<8x64xi1>, vector<8x64xf32>
      %swap3A_113 = arith.constant 0 : index
      %swap3A_114 = arith.constant 0 : index
      %swap3A_115 = vector.load %arg14[%swap3A_113, %swap3A_114] : memref<8x64xf32, #tpu.memory_space<vmem>>, vector<8x64xf32>
      tpu.vector_store %arg14[%swap3A_113, %swap3A_114], %select_n3A_112 {strides = array<i32>} : memref<8x64xf32, #tpu.memory_space<vmem>>, vector<8x64xf32>,
    } else {
    }
    %eq3A = arith.constant 8 : i32
    %eq3A_2 = arith.cmpi eq, %arg0, %eq3A : i32
    %convert_element_type3A_3 = arith.extui %eq3A_2 : i1 to i32
    %cond3A_4 = arith.constant 0 : i32
    %cond3A_5 = arith.cmpi ne, %convert_element_type3A_3, %cond3A_4 : i32
    scf.if %cond3A_5 {
      %get3A = arith.constant 0 : index
      %get3A_6 = arith.constant 0 : index
      %get3A_7 = vector.load %arg13[%get3A, %get3A_6] : memref<8x64xf32, #tpu.memory_space<vmem>>, vector<8x64xf32>
      %get3A_8 = arith.constant 0 : index
      %get3A_9 = arith.constant 0 : index
      %get3A_10 = vector.load %arg14[%get3A_8, %get3A_9] : memref<8x64xf32, #tpu.memory_space<vmem>>, vector<8x64xf32>
      %iota3A = tpu.iota {dimensions = array<i32: 0>} : vector<8x8xi32>
      %iota3A_11 = tpu.iota {dimensions = array<i32: 1>} : vector<8x8xi32>
      %gt3A = arith.cmpi sgt, %iota3A, %iota3A_11 : vector<8x8xi32>
      %convert_element_type3A_12 = arith.extui %gt3A : vector<8x8xi1> to vector<8x8xi32>
      %convert_element_type3A_13 = arith.sitofp %convert_element_type3A_12 : vector<8x8xi32> to vector<8x8xf32>
      %dot_general3A = arith.constant dense<0.000000e+00> : vector<8x64xf32>
      %dot_general3A_14 = tpu.matmul %convert_element_type3A_13, %get3A_7, %dot_general3A {dimension_numbers = #tpu.dot_dimension_numbers<[1], [0], [0], [1], [0, 0, 1, 1], [], []>, transpose_lhs_hint = false} : vector<8x8xf32>, vector<8x64xf32>, vector<8x64xf32> -> vector<8x64xf32>
      %dot_general3A_15 = arith.constant dense<0.000000e+00> : vector<8x64xf32>
      %dot_general3A_16 = tpu.matmul %convert_element_type3A_13, %get3A_10, %dot_general3A_15 {dimension_numbers = #tpu.dot_dimension_numbers<[1], [0], [0], [1], [0, 0, 1, 1], [], []>, transpose_lhs_hint = false} : vector<8x8xf32>, vector<8x64xf32>, vector<8x64xf32> -> vector<8x64xf32>
      %reduce_sum3A = arith.constant dense<0.000000e+00> : vector<64xf32>
      %reduce_sum3A_17 = vector.multi_reduction <add>, %get3A_7, %reduce_sum3A [0] : vector<8x64xf32> to vector<64xf32>
      %broadcast_in_dim3A = vector.shape_cast %reduce_sum3A_17 : vector<64xf32> to vector<1x64xf32>
      %reduce_sum3A_18 = arith.constant dense<0.000000e+00> : vector<64xf32>
      %reduce_sum3A_19 = vector.multi_reduction <add>, %get3A_10, %reduce_sum3A_18 [0] : vector<8x64xf32> to vector<64xf32>
      %broadcast_in_dim3A_20 = vector.shape_cast %reduce_sum3A_19 : vector<64xf32> to vector<1x64xf32>
      %add3A = arith.addf %broadcast_in_dim3A, %broadcast_in_dim3A_20 : vector<1x64xf32>
      %convert_element_type3A_21 = arith.fptosi %add3A : vector<1x64xf32> to vector<1x64xi32>
      %add3A_22 = arith.constant 127 : i32
      %add3A_23 = vector.broadcast %add3A_22 : i32 to vector<1x64xi32>
      %add3A_24 = arith.addi %convert_element_type3A_21, %add3A_23 : vector<1x64xi32>
      %jit3A = arith.constant 128 : i32
      %div3A = vector.broadcast %jit3A : i32 to vector<1x64xi32>
      %div3A_25 = arith.divsi %add3A_24, %div3A : vector<1x64xi32>
      %sign3A = arith.constant 0 : i32
      %sign3A_26 = vector.broadcast %sign3A : i32 to vector<1x64xi32>
      %sign3A_27 = arith.cmpi sgt, %add3A_24, %sign3A_26 : vector<1x64xi32>
      %sign3A_28 = arith.extui %sign3A_27 : vector<1x64xi1> to vector<1x64xi32>
      %sign3A_29 = arith.constant 0 : i32
      %sign3A_30 = vector.broadcast %sign3A_29 : i32 to vector<1x64xi32>
      %sign3A_31 = arith.cmpi slt, %add3A_24, %sign3A_30 : vector<1x64xi32>
      %sign3A_32 = arith.extui %sign3A_31 : vector<1x64xi1> to vector<1x64xi32>
      %sign3A_33 = arith.subi %sign3A_28, %sign3A_32 : vector<1x64xi32>
      %sign3A_34 = arith.constant 0 : i32
      %sign3A_35 = arith.cmpi sgt, %jit3A, %sign3A_34 : i32
      %sign3A_36 = arith.extui %sign3A_35 : i1 to i32
      %sign3A_37 = arith.constant 0 : i32
      %sign3A_38 = arith.cmpi slt, %jit3A, %sign3A_37 : i32
      %sign3A_39 = arith.extui %sign3A_38 : i1 to i32
      %sign3A_40 = arith.subi %sign3A_36, %sign3A_39 : i32
      %ne3A = vector.broadcast %sign3A_40 : i32 to vector<1x64xi32>
      %ne3A_41 = arith.cmpi ne, %sign3A_33, %ne3A : vector<1x64xi32>
      %rem3A = vector.broadcast %jit3A : i32 to vector<1x64xi32>
      %rem3A_42 = arith.remsi %add3A_24, %rem3A : vector<1x64xi32>
      %ne3A_43 = arith.constant 0 : i32
      %ne3A_44 = vector.broadcast %ne3A_43 : i32 to vector<1x64xi32>
      %ne3A_45 = arith.cmpi ne, %rem3A_42, %ne3A_44 : vector<1x64xi32>
      %and3A = arith.andi %ne3A_41, %ne3A_45 : vector<1x64xi1>
      %sub3A = arith.constant 1 : i32
      %sub3A_46 = vector.broadcast %sub3A : i32 to vector<1x64xi32>
      %sub3A_47 = arith.subi %div3A_25, %sub3A_46 : vector<1x64xi32>
      %select_n3A = arith.select %and3A, %sub3A_47, %div3A_25 : vector<1x64xi1>, vector<1x64xi32>
      %convert_element_type3A_48 = arith.sitofp %select_n3A : vector<1x64xi32> to vector<1x64xf32>
      %iota3A_49 = tpu.iota {dimensions = array<i32: 0>} : vector<64x64xi32>
      %iota3A_50 = tpu.iota {dimensions = array<i32: 1>} : vector<64x64xi32>
      %lt3A_51 = arith.cmpi slt, %iota3A_49, %iota3A_50 : vector<64x64xi32>
      %convert_element_type3A_52 = arith.extui %lt3A_51 : vector<64x64xi1> to vector<64x64xi32>
      %convert_element_type3A_53 = arith.sitofp %convert_element_type3A_52 : vector<64x64xi32> to vector<64x64xf32>
      %dot_general3A_54 = arith.constant dense<0.000000e+00> : vector<1x64xf32>
      %dot_general3A_55 = tpu.matmul %convert_element_type3A_48, %convert_element_type3A_53, %dot_general3A_54 {dimension_numbers = #tpu.dot_dimension_numbers<[1], [0], [0], [1], [0, 0, 1, 1], [], []>, transpose_lhs_hint = false} : vector<1x64xf32>, vector<64x64xf32>, vector<1x64xf32> -> vector<1x64xf32>
      %add3A_56 = arith.addf %dot_general3A_55, %convert_element_type3A_48 : vector<1x64xf32>
      %reduce_sum3A_57 = arith.constant dense<0> : vector<1xi32>
      %reduce_sum3A_58 = vector.multi_reduction <add>, %select_n3A, %reduce_sum3A_57 [1] : vector<1x64xi32> to vector<1xi32>
      %broadcast_in_dim3A_59 = vector.shape_cast %reduce_sum3A_58 : vector<1xi32> to vector<1x1xi32>
      %swap3A = arith.constant 0 : index
      %swap3A_60 = arith.constant 0 : index
      %swap3A_61 = vector.load %arg8[%swap3A, %swap3A_60] : memref<1x1xi32, #tpu.memory_space<vmem>>, vector<1x1xi32>
      tpu.vector_store %arg8[%swap3A, %swap3A_60], %broadcast_in_dim3A_59 {strides = array<i32>} : memref<1x1xi32, #tpu.memory_space<vmem>>, vector<1x1xi32>,
      %iota3A_62 = tpu.iota {dimensions = array<i32: 0>} : vector<2048x8xi32>
      %jit3A_63 = arith.constant 256 : i32
      %div3A_64 = vector.broadcast %jit3A_63 : i32 to vector<2048x8xi32>
      %div3A_65 = arith.divsi %iota3A_62, %div3A_64 : vector<2048x8xi32>
      %sign3A_66 = arith.constant 0 : i32
      %sign3A_67 = vector.broadcast %sign3A_66 : i32 to vector<2048x8xi32>
      %sign3A_68 = arith.cmpi sgt, %iota3A_62, %sign3A_67 : vector<2048x8xi32>
      %sign3A_69 = arith.extui %sign3A_68 : vector<2048x8xi1> to vector<2048x8xi32>
      %sign3A_70 = arith.constant 0 : i32
      %sign3A_71 = vector.broadcast %sign3A_70 : i32 to vector<2048x8xi32>
      %sign3A_72 = arith.cmpi slt, %iota3A_62, %sign3A_71 : vector<2048x8xi32>
      %sign3A_73 = arith.extui %sign3A_72 : vector<2048x8xi1> to vector<2048x8xi32>
      %sign3A_74 = arith.subi %sign3A_69, %sign3A_73 : vector<2048x8xi32>
      %sign3A_75 = arith.constant 0 : i32
      %sign3A_76 = arith.cmpi sgt, %jit3A_63, %sign3A_75 : i32
      %sign3A_77 = arith.extui %sign3A_76 : i1 to i32
      %sign3A_78 = arith.constant 0 : i32
      %sign3A_79 = arith.cmpi slt, %jit3A_63, %sign3A_78 : i32
      %sign3A_80 = arith.extui %sign3A_79 : i1 to i32
      %sign3A_81 = arith.subi %sign3A_77, %sign3A_80 : i32
      %ne3A_82 = vector.broadcast %sign3A_81 : i32 to vector<2048x8xi32>
      %ne3A_83 = arith.cmpi ne, %sign3A_74, %ne3A_82 : vector<2048x8xi32>
      %rem3A_84 = vector.broadcast %jit3A_63 : i32 to vector<2048x8xi32>
      %rem3A_85 = arith.remsi %iota3A_62, %rem3A_84 : vector<2048x8xi32>
      %ne3A_86 = arith.constant 0 : i32
      %ne3A_87 = vector.broadcast %ne3A_86 : i32 to vector<2048x8xi32>
      %ne3A_88 = arith.cmpi ne, %rem3A_85, %ne3A_87 : vector<2048x8xi32>
      %and3A_89 = arith.andi %ne3A_83, %ne3A_88 : vector<2048x8xi1>
      %sub3A_90 = arith.constant 1 : i32
      %sub3A_91 = vector.broadcast %sub3A_90 : i32 to vector<2048x8xi32>
      %sub3A_92 = arith.subi %div3A_65, %sub3A_91 : vector<2048x8xi32>
      %select_n3A_93 = arith.select %and3A_89, %sub3A_92, %div3A_65 : vector<2048x8xi1>, vector<2048x8xi32>
      %iota3A_94 = tpu.iota {dimensions = array<i32: 1>} : vector<2048x8xi32>
      %eq3A_95 = arith.cmpi eq, %select_n3A_93, %iota3A_94 : vector<2048x8xi32>
      %convert_element_type3A_96 = arith.extui %eq3A_95 : vector<2048x8xi1> to vector<2048x8xi32>
      %convert_element_type3A_97 = arith.sitofp %convert_element_type3A_96 : vector<2048x8xi32> to vector<2048x8xf32>
      %dot_general3A_98 = arith.constant dense<0.000000e+00> : vector<2048x64xf32>
      %dot_general3A_99 = tpu.matmul %convert_element_type3A_97, %dot_general3A_14, %dot_general3A_98 {dimension_numbers = #tpu.dot_dimension_numbers<[1], [0], [0], [1], [0, 0, 1, 1], [], []>, transpose_lhs_hint = false} : vector<2048x8xf32>, vector<8x64xf32>, vector<2048x64xf32> -> vector<2048x64xf32>
      %dot_general3A_100 = arith.constant dense<0.000000e+00> : vector<2048x64xf32>
      %dot_general3A_101 = tpu.matmul %convert_element_type3A_97, %dot_general3A_16, %dot_general3A_100 {dimension_numbers = #tpu.dot_dimension_numbers<[1], [0], [0], [1], [0, 0, 1, 1], [], []>, transpose_lhs_hint = false} : vector<2048x8xf32>, vector<8x64xf32>, vector<2048x64xf32> -> vector<2048x64xf32>
      %iota3A_102 = tpu.iota {dimensions = array<i32: 1>} : vector<2048x64xi32>
      %get3A_103 = arith.constant 0 : index
      %get3A_104 = arith.constant 0 : index
      %get3A_105 = vector.load %arg9[%get3A_103, %get3A_104] : memref<2048x1xi32, #tpu.memory_space<vmem>>, vector<2048x1xi32>
      %eq3A_106 = vector.broadcast %get3A_105 : vector<2048x1xi32> to vector<2048x64xi32>
      %eq3A_107 = arith.cmpi eq, %eq3A_106, %iota3A_102 : vector<2048x64xi32>
      %convert_element_type3A_108 = arith.extui %eq3A_107 : vector<2048x64xi1> to vector<2048x64xi32>
      %convert_element_type3A_109 = arith.sitofp %convert_element_type3A_108 : vector<2048x64xi32> to vector<2048x64xf32>
      %get3A_110 = arith.constant 0 : index
      %get3A_111 = arith.constant 0 : index
      %get3A_112 = vector.load %arg10[%get3A_110, %get3A_111] : memref<2048x1xi32, #tpu.memory_space<vmem>>, vector<2048x1xi32>
      %eq3A_113 = vector.broadcast %get3A_112 : vector<2048x1xi32> to vector<2048x64xi32>
      %eq3A_114 = arith.cmpi eq, %eq3A_113, %iota3A_102 : vector<2048x64xi32>
      %convert_element_type3A_115 = arith.extui %eq3A_114 : vector<2048x64xi1> to vector<2048x64xi32>
      %convert_element_type3A_116 = arith.sitofp %convert_element_type3A_115 : vector<2048x64xi32> to vector<2048x64xf32>
      %mul3A = arith.constant 1.280000e+02 : f32
      %mul3A_117 = vector.broadcast %mul3A : f32 to vector<1x64xf32>
      %mul3A_118 = arith.mulf %mul3A_117, %dot_general3A_55 : vector<1x64xf32>
      %add3A_119 = vector.broadcast %mul3A_118 : vector<1x64xf32> to vector<2048x64xf32>
      %add3A_120 = arith.addf %add3A_119, %dot_general3A_99 : vector<2048x64xf32>
      %mul3A_121 = arith.mulf %convert_element_type3A_109, %add3A_120 : vector<2048x64xf32>
      %reduce_sum3A_122 = arith.constant dense<0.000000e+00> : vector<2048xf32>
      %reduce_sum3A_123 = vector.multi_reduction <add>, %mul3A_121, %reduce_sum3A_122 [1] : vector<2048x64xf32> to vector<2048xf32>
      %broadcast_in_dim3A_124 = vector.shape_cast %reduce_sum3A_123 : vector<2048xf32> to vector<2048x1xf32>
      %mul3A_125 = arith.constant 1.280000e+02 : f32
      %mul3A_126 = vector.broadcast %mul3A_125 : f32 to vector<1x64xf32>
      %mul3A_127 = arith.mulf %mul3A_126, %dot_general3A_55 : vector<1x64xf32>
      %add3A_128 = arith.addf %mul3A_127, %broadcast_in_dim3A : vector<1x64xf32>
      %add3A_129 = vector.broadcast %add3A_128 : vector<1x64xf32> to vector<2048x64xf32>
      %add3A_130 = arith.addf %add3A_129, %dot_general3A_101 : vector<2048x64xf32>
      %mul3A_131 = arith.mulf %convert_element_type3A_116, %add3A_130 : vector<2048x64xf32>
      %reduce_sum3A_132 = arith.constant dense<0.000000e+00> : vector<2048xf32>
      %reduce_sum3A_133 = vector.multi_reduction <add>, %mul3A_131, %reduce_sum3A_132 [1] : vector<2048x64xf32> to vector<2048xf32>
      %broadcast_in_dim3A_134 = vector.shape_cast %reduce_sum3A_133 : vector<2048xf32> to vector<2048x1xf32>
      %convert_element_type3A_135 = arith.fptosi %broadcast_in_dim3A_124 : vector<2048x1xf32> to vector<2048x1xi32>
      %get3A_136 = arith.constant 0 : index
      %get3A_137 = arith.constant 0 : index
      %get3A_138 = vector.load %arg11[%get3A_136, %get3A_137] : memref<2048x1xi32, #tpu.memory_space<vmem>>, vector<2048x1xi32>
      %add3A_139 = arith.addi %convert_element_type3A_135, %get3A_138 : vector<2048x1xi32>
      %swap3A_140 = arith.constant 0 : index
      %swap3A_141 = arith.constant 0 : index
      %swap3A_142 = vector.load %arg3[%swap3A_140, %swap3A_141] : memref<2048x1xi32, #tpu.memory_space<vmem>>, vector<2048x1xi32>
      tpu.vector_store %arg3[%swap3A_140, %swap3A_141], %add3A_139 {strides = array<i32>} : memref<2048x1xi32, #tpu.memory_space<vmem>>, vector<2048x1xi32>,
      %convert_element_type3A_143 = arith.fptosi %broadcast_in_dim3A_134 : vector<2048x1xf32> to vector<2048x1xi32>
      %get3A_144 = arith.constant 0 : index
      %get3A_145 = arith.constant 0 : index
      %get3A_146 = vector.load %arg12[%get3A_144, %get3A_145] : memref<2048x1xi32, #tpu.memory_space<vmem>>, vector<2048x1xi32>
      %add3A_147 = arith.addi %convert_element_type3A_143, %get3A_146 : vector<2048x1xi32>
      %swap3A_148 = arith.constant 0 : index
      %swap3A_149 = arith.constant 0 : index
      %swap3A_150 = vector.load %arg4[%swap3A_148, %swap3A_149] : memref<2048x1xi32, #tpu.memory_space<vmem>>, vector<2048x1xi32>
      tpu.vector_store %arg4[%swap3A_148, %swap3A_149], %add3A_147 {strides = array<i32>} : memref<2048x1xi32, #tpu.memory_space<vmem>>, vector<2048x1xi32>,
      %iota3A_151 = tpu.iota {dimensions = array<i32: 0>} : vector<256x64xi32>
      %convert_element_type3A_152 = arith.sitofp %iota3A_151 : vector<256x64xi32> to vector<256x64xf32>
      %ge3A = vector.broadcast %add3A_56 : vector<1x64xf32> to vector<256x64xf32>
      %ge3A_153 = arith.cmpf oge, %convert_element_type3A_152, %ge3A : vector<256x64xf32>
      %convert_element_type3A_154 = arith.extui %ge3A_153 : vector<256x64xi1> to vector<256x64xi32>
      %convert_element_type3A_155 = arith.sitofp %convert_element_type3A_154 : vector<256x64xi32> to vector<256x64xf32>
      %reduce_sum3A_156 = arith.constant dense<0.000000e+00> : vector<256xf32>
      %reduce_sum3A_157 = vector.multi_reduction <add>, %convert_element_type3A_155, %reduce_sum3A_156 [1] : vector<256x64xf32> to vector<256xf32>
      %broadcast_in_dim3A_158 = vector.shape_cast %reduce_sum3A_157 : vector<256xf32> to vector<256x1xf32>
      %convert_element_type3A_159 = arith.fptosi %broadcast_in_dim3A_158 : vector<256x1xf32> to vector<256x1xi32>
      %swap3A_160 = arith.constant 0 : index
      %swap3A_161 = arith.constant 0 : index
      %swap3A_162 = vector.load %arg7[%swap3A_160, %swap3A_161] : memref<256x1xi32, #tpu.memory_space<vmem>>, vector<256x1xi32>
      tpu.vector_store %arg7[%swap3A_160, %swap3A_161], %convert_element_type3A_159 {strides = array<i32>} : memref<256x1xi32, #tpu.memory_space<vmem>>, vector<256x1xi32>,
    } else {
    }
    return
  }
  func.func @transform_0(%arg0: i32) -> (i32, i32) {
    %min3A = arith.constant 7 : i32
    %min3A_0 = arith.minsi %arg0, %min3A : i32
    %c0_i32 = arith.constant 0 : i32
    %c0_i32_1 = arith.constant 0 : i32
    return %min3A_0, %c0_i32 : i32, i32
  }
  func.func @transform_1(%arg0: i32) -> (i32, i32) {
    %c0_i32 = arith.constant 0 : i32
    %c0_i32_0 = arith.constant 0 : i32
    %c0_i32_1 = arith.constant 0 : i32
    return %c0_i32, %c0_i32_0 : i32, i32
  }
  func.func @transform_2(%arg0: i32) -> (i32, i32) {
    %c0_i32 = arith.constant 0 : i32
    %c0_i32_0 = arith.constant 0 : i32
    %c0_i32_1 = arith.constant 0 : i32
    return %c0_i32, %c0_i32_0 : i32, i32
  }
  func.func @transform_3(%arg0: i32) -> (i32, i32) {
    %c0_i32 = arith.constant 0 : i32
    %c0_i32_0 = arith.constant 0 : i32
    %c0_i32_1 = arith.constant 0 : i32
    return %c0_i32, %c0_i32_0 : i32, i32
  }
  func.func @transform_4(%arg0: i32) -> (i32, i32) {
    %c0_i32 = arith.constant 0 : i32
    %c0_i32_0 = arith.constant 0 : i32
    %c0_i32_1 = arith.constant 0 : i32
    return %c0_i32, %c0_i32_0 : i32, i32
  }
  func.func @transform_5(%arg0: i32) -> (i32, i32) {
    %c0_i32 = arith.constant 0 : i32
    %c0_i32_0 = arith.constant 0 : i32
    %c0_i32_1 = arith.constant 0 : i32
    return %c0_i32, %c0_i32_0 : i32, i32
  }
  func.func @transform_6(%arg0: i32) -> (i32, i32) {
    %c0_i32 = arith.constant 0 : i32
    %c0_i32_0 = arith.constant 0 : i32
    %c0_i32_1 = arith.constant 0 : i32
    return %c0_i32, %c0_i32_0 : i32, i32
  }
  func.func @transform_7(%arg0: i32) -> (i32, i32) {
    %c0_i32 = arith.constant 0 : i32
    %c0_i32_0 = arith.constant 0 : i32
    %c0_i32_1 = arith.constant 0 : i32
    return %c0_i32, %c0_i32_0 : i32, i32
  }
}

module attributes {stable_mosaic.version = 14 : i64} {
  func.func @_gmm_body(%arg0: i32, %arg1: memref<97xi32, #tpu.memory_space<smem>>, %arg2: memref<128x1024xf32, #tpu.memory_space<vmem>>, %arg3: memref<1x512x1024xf32, #tpu.memory_space<vmem>>, %arg4: memref<1x1024x512xf32, #tpu.memory_space<vmem>>, %arg5: memref<128x1024xf32, #tpu.memory_space<vmem>>) attributes {dimension_semantics = [#tpu.dimension_semantics<arbitrary>], iteration_bounds = array<i64: 96>, scalar_prefetch = 1 : i64, scratch_operands = 0 : i64, tpu.core_type = #tpu.core_type<tc>, window_params = [{transform_indices = @transform_0, window_bounds = array<i64: 128, 1024>}, {transform_indices = @transform_1, window_bounds = array<i64: 1, 512, 1024>}, {transform_indices = @transform_2, window_bounds = array<i64: 1, 1024, 512>}, {transform_indices = @transform_3, window_bounds = array<i64: 128, 1024>}]} {
    %get3A = arith.constant 0 : index
    %get3A_0 = memref.load %arg1[%get3A] : memref<97xi32, #tpu.memory_space<smem>>
    %lt3A = arith.cmpi slt, %arg0, %get3A_0 : i32
    %convert_element_type3A = arith.extui %lt3A : i1 to i32
    %cond3A = arith.constant 0 : i32
    %cond3A_1 = arith.cmpi ne, %convert_element_type3A, %cond3A : i32
    scf.if %cond3A_1 {
      %get3A_2 = arith.constant 0 : index
      %get3A_3 = arith.constant 0 : index
      %get3A_4 = vector.load %arg2[%get3A_2, %get3A_3] : memref<128x1024xf32, #tpu.memory_space<vmem>>, vector<128x1024xf32>
      %get3A_5 = arith.constant 0 : index
      %get3A_6 = arith.constant 0 : index
      %get3A_7 = arith.constant 0 : index
      %get3A_8 = vector.load %arg3[%get3A_5, %get3A_6, %get3A_7] : memref<1x512x1024xf32, #tpu.memory_space<vmem>>, vector<1x512x1024xf32>
      %get3A_9 = vector.shape_cast %get3A_8 : vector<1x512x1024xf32> to vector<512x1024xf32>
      %get3A_10 = arith.constant 0 : index
      %get3A_11 = arith.constant 0 : index
      %get3A_12 = arith.constant 0 : index
      %get3A_13 = vector.load %arg4[%get3A_10, %get3A_11, %get3A_12] : memref<1x1024x512xf32, #tpu.memory_space<vmem>>, vector<1x1024x512xf32>
      %get3A_14 = vector.shape_cast %get3A_13 : vector<1x1024x512xf32> to vector<1024x512xf32>
      %convert_element_type3A_15 = arith.truncf %get3A_4 : vector<128x1024xf32> to vector<128x1024xbf16>
      %convert_element_type3A_16 = arith.truncf %get3A_9 : vector<512x1024xf32> to vector<512x1024xbf16>
      %dot_general3A = arith.constant dense<0.000000e+00> : vector<128x512xf32>
      %dot_general3A_17 = tpu.matmul %convert_element_type3A_15, %convert_element_type3A_16, %dot_general3A {dimension_numbers = #tpu.dot_dimension_numbers<[1], [1], [0], [0], [0, 0, 1, 0], [], []>, transpose_lhs_hint = false} : vector<128x1024xbf16>, vector<512x1024xbf16>, vector<128x512xf32> -> vector<128x512xf32>
      %mul3A = arith.constant 5.000000e-01 : f32
      %mul3A_18 = vector.broadcast %mul3A : f32 to vector<128x512xf32>
      %mul3A_19 = arith.mulf %mul3A_18, %dot_general3A_17 : vector<128x512xf32>
      %mul3A_20 = arith.constant 0.707106769 : f32
      %mul3A_21 = vector.broadcast %mul3A_20 : f32 to vector<128x512xf32>
      %mul3A_22 = arith.mulf %dot_general3A_17, %mul3A_21 : vector<128x512xf32>
      %erf3A = math.erf %mul3A_22 : vector<128x512xf32>
      %add3A = arith.constant 1.000000e+00 : f32
      %add3A_23 = vector.broadcast %add3A : f32 to vector<128x512xf32>
      %add3A_24 = arith.addf %add3A_23, %erf3A : vector<128x512xf32>
      %mul3A_25 = arith.mulf %mul3A_19, %add3A_24 : vector<128x512xf32>
      %convert_element_type3A_26 = arith.truncf %mul3A_25 : vector<128x512xf32> to vector<128x512xbf16>
      %convert_element_type3A_27 = arith.truncf %get3A_14 : vector<1024x512xf32> to vector<1024x512xbf16>
      %dot_general3A_28 = arith.constant dense<0.000000e+00> : vector<128x1024xf32>
      %dot_general3A_29 = tpu.matmul %convert_element_type3A_26, %convert_element_type3A_27, %dot_general3A_28 {dimension_numbers = #tpu.dot_dimension_numbers<[1], [1], [0], [0], [0, 0, 1, 0], [], []>, transpose_lhs_hint = false} : vector<128x512xbf16>, vector<1024x512xbf16>, vector<128x1024xf32> -> vector<128x1024xf32>
      %swap3A = arith.constant 0 : index
      %swap3A_30 = arith.constant 0 : index
      %swap3A_31 = vector.load %arg5[%swap3A, %swap3A_30] : memref<128x1024xf32, #tpu.memory_space<vmem>>, vector<128x1024xf32>
      tpu.vector_store %arg5[%swap3A, %swap3A_30], %dot_general3A_29 {strides = array<i32>} : memref<128x1024xf32, #tpu.memory_space<vmem>>, vector<128x1024xf32>,
    } else {
    }
    return
  }
  func.func @transform_0(%arg0: i32, %arg1: memref<97xi32, #tpu.memory_space<smem>>) -> (i32, i32) {
    %get3A = arith.constant 0 : index
    %get3A_0 = memref.load %arg1[%get3A] : memref<97xi32, #tpu.memory_space<smem>>
    %sub3A = arith.constant 1 : i32
    %sub3A_1 = arith.subi %get3A_0, %sub3A : i32
    %min3A = arith.minsi %arg0, %sub3A_1 : i32
    %c0_i32 = arith.constant 0 : i32
    %c0_i32_2 = arith.constant 0 : i32
    return %min3A, %c0_i32 : i32, i32
  }
  func.func @transform_1(%arg0: i32, %arg1: memref<97xi32, #tpu.memory_space<smem>>) -> (i32, i32, i32) {
    %add3A = arith.constant 1 : i32
    %add3A_0 = arith.addi %add3A, %arg0 : i32
    %get3A = arith.index_cast %add3A_0 : i32 to index
    %get3A_1 = memref.load %arg1[%get3A] : memref<97xi32, #tpu.memory_space<smem>>
    %min3A = arith.constant 63 : i32
    %min3A_2 = arith.minsi %get3A_1, %min3A : i32
    %c0_i32 = arith.constant 0 : i32
    %c0_i32_3 = arith.constant 0 : i32
    %c0_i32_4 = arith.constant 0 : i32
    return %min3A_2, %c0_i32, %c0_i32_3 : i32, i32, i32
  }
  func.func @transform_2(%arg0: i32, %arg1: memref<97xi32, #tpu.memory_space<smem>>) -> (i32, i32, i32) {
    %add3A = arith.constant 1 : i32
    %add3A_0 = arith.addi %add3A, %arg0 : i32
    %get3A = arith.index_cast %add3A_0 : i32 to index
    %get3A_1 = memref.load %arg1[%get3A] : memref<97xi32, #tpu.memory_space<smem>>
    %min3A = arith.constant 63 : i32
    %min3A_2 = arith.minsi %get3A_1, %min3A : i32
    %c0_i32 = arith.constant 0 : i32
    %c0_i32_3 = arith.constant 0 : i32
    %c0_i32_4 = arith.constant 0 : i32
    return %min3A_2, %c0_i32, %c0_i32_3 : i32, i32, i32
  }
  func.func @transform_3(%arg0: i32, %arg1: memref<97xi32, #tpu.memory_space<smem>>) -> (i32, i32) {
    %get3A = arith.constant 0 : index
    %get3A_0 = memref.load %arg1[%get3A] : memref<97xi32, #tpu.memory_space<smem>>
    %sub3A = arith.constant 1 : i32
    %sub3A_1 = arith.subi %get3A_0, %sub3A : i32
    %min3A = arith.minsi %arg0, %sub3A_1 : i32
    %c0_i32 = arith.constant 0 : i32
    %c0_i32_2 = arith.constant 0 : i32
    return %min3A, %c0_i32 : i32, i32
  }
}

</mosaic_0001>

<sc_bundles>
// kernel: kernel.10.cloned.1.call-start
scs
__scs_entry_jumppad:
0x0: {  	(pc) =	sbr.rel $0x88, $3  }
0x1: {  	(tag) =	ssettag $0x0;
	lr =	simm.s32 $0x1  }
0x2: {  	[smem:$0x3F9B] =	sst lr;
	_ =	strace $0xD0000000  }
0x3: {  	_ = 	snop  }
0x4: {  	_ = 	snop  }
0x5: {  	_ = 	snop  }
0x6: {  	_ = 	snop  }
0x7: {  	_ = 	snop  }
__scs_overlays_trampoline_lowered:
0x8: {  	[smem:$0x3FAA] =	sst s0  }
0x9: {  	[smem:$0x3FAB] =	sst s1  }
0xa: {  	[smem:$0x3FAC] =	sst s2  }
0xb: {  	[smem:$0x3FAD] =	sst s3  }
0xc: {  	[smem:$0x3FAE] =	sst s4  }
0xd: {  	[smem:$0x3FAF] =	sst s5  }
0xe: {  	[smem:$0x3FB0] =	sst s6  }
0xf: {  	[smem:$0x3FB1] =	sst s7  }
0x10: {  	[smem:$0x3FB2] =	sst s8  }
0x11: {  	[smem:$0x3FB3] =	sst s9;
	s0 =	simm.s32 @!p0 $0x0  }
0x12: {  	s1 =	sld [smem:$0x3F99];
	s0 =	simm.s32 @p0 $0x1  }
0x13: {  	[smem:$0x3FB4] =	sst s0;
	s0 =	simm.s32 @!p1 $0x0  }
0x14: {  	s2 =	sld [smem:$0x3F98];
	s0 =	simm.s32 @p1 $0x1  }
0x15: {  	[smem:$0x3FB5] =	sst s0;
	s0 =	simm.s32 @!p2 $0x0  }
0x16: {  	s3 =	sld [smem:$0x3FDB];
	s0 =	simm.s32 @p2 $0x1  }
0x17: {  	s4 =	simm.s32 $0x1BF5;
	[smem:$0x3FB7] =	sst s0  }
0x18: {  	s0 =	sld [smem:$0x3F9A];
	_ =	swait.ge [sflag:s4], $0x0  }
0x19: {  	s7 =	sld [smem:$0x3F9B]  }
0x1a: {  	s8 =	sadd.s32 $0xFFFFE003, lr  }
0x1b: {  	s9 =	sadd.s32 $0xFFFFFEF7, lr;
	s5 =	simm.s32 $0xFFFFFFFF;
	p2 =	slt.u32 s8, $0xFFFFF086  }
0x1c: {  	p1 =	slt.u32 s9, $0xF7A;
	s5 =	simm.s32 @!p2 $0x0  }
0x1d: {  	s5 =	simm.s32 @p1 $0x1;
	p0 =	seq.s32 s7, s2  }
0x1e: {  	s7 =	smul.u32 @!p0 $0xF7A, s2;
	p2 =	seq.s32 @!p0 s5, $0x0  }
0x1f: {  	s9 =	smul.u32 $0xF7A, s1;
	s8 =	simm.s32 @!p0 $0x1BF5;
	p2 =	por !p2, p0  }
0x20: {  	[sflag:s8] =	ssyncset.s32 @!p0 $0xFFFFF086;
	s6 =	sadd.s32 @!p0 s3, s7;
	s7 =	simm.s32 @!p0 $0x108  }
0x21: {  	s3 =	sadd.s32 s3, s9;
	s6 =	sadd.s32 @!p0 $0x88, s6;
	s7 =	simm.s32 @p2 $0x1082  }
0x22: {  	[simem:s7], [sflag:s8] =	dma.local @!p0 [hbm:s6], $0xF7A  }
0x23: {  	s9 =	sor.u32 $0xD0000000, s2;
	s6 =	simm.s32 $0x108;
	_ =	swait.ge @!p0 [sflag:s8], $0x0  }
0x24: {  	s3 =	sadd.s32 $0x88, s3;
	s6 =	simm.s32 @!p1 $0x1082;
	[sflag:s4] =	ssyncset.s32 $0xFFFFF086  }
0x25: {  	[simem:s6], [sflag:s4] =	dma.local [hbm:s3], $0xF7A  }
0x26: {  	[smem:$0x3F9B] =	sst s1;
	(tag) =	ssettag s2;
	_ =	strace s9  }
0x27: {  	s1 =	sld [smem:$0x3FAB]  }
0x28: {  	s2 =	sld [smem:$0x3FAC]  }
0x29: {  	s4 =	sld [smem:$0x3FAE]  }
0x2a: {  	p0 =	seq.s32 s5, $0x0;
	s5 =	sld [smem:$0x3FAF]  }
0x2b: {  	s6 =	sld [smem:$0x3FB0]  }
0x2c: {  	s7 =	sld [smem:$0x3FB1]  }
0x2d: {  	s3 =	simm.s32 $0x108;
	s8 =	sld [smem:$0x3FB2]  }
0x2e: {  	s3 =	simm.s32 @!p0 $0x1082;
	s9 =	sld [smem:$0x3FB3]  }
0x2f: {  	lr =	sadd.s32 s0, s3;
	s0 =	sld [smem:$0x3FAA]  }
0x30: {  	s3 =	sld [smem:$0x3FAD]  }
0x31: {  	[smem:$0x3FB6] =	sst s10  }
0x32: {  	s10 =	sld [smem:$0x3FB4];
	_ =	sdelay $0x3  }
0x33: {  	p0 =	seq.s32 s10, $0x1;
	s10 =	sld [smem:$0x3FB6];
	_ =	sdelay $0x3  }
0x34: {  	[smem:$0x3FB6] =	sst s10  }
0x35: {  	s10 =	sld [smem:$0x3FB5];
	_ =	sdelay $0x3  }
0x36: {  	p1 =	seq.s32 s10, $0x1;
	s10 =	sld [smem:$0x3FB6];
	_ =	sdelay $0x3  }
0x37: {  	[smem:$0x3FB6] =	sst s10  }
0x38: {  	s10 =	sld [smem:$0x3FB7]  }
0x39: {  	_ = 	snop;
	(pc) =	sbr.ind lr, $3  }
0x3a: {  	_ = 	snop  }
0x3b: {  	_ = 	snop  }
0x3c: {  	p2 =	seq.s32 s10, $0x1;
	s10 =	sld [smem:$0x3FB6]  }
0x3d: {  	_ =	shalt  }
0x3e: {  	_ =	shalt  }
0x3f: {  	_ =	shalt  }
0x40: {  	_ =	shalt  }
0x41: {  	_ =	shalt  }
0x42: {  	_ =	shalt  }
0x43: {  	_ =	shalt  }
0x44: {  	_ =	shalt  }
0x45: {  	_ =	shalt  }
0x46: {  	_ =	shalt  }
0x47: {  	_ =	shalt  }
0x48: {  	_ =	shalt  }
0x49: {  	_ =	shalt  }
0x4a: {  	_ =	shalt  }
0x4b: {  	_ =	shalt  }
0x4c: {  	_ =	shalt  }
0x4d: {  	_ =	shalt  }
0x4e: {  	_ =	shalt  }
0x4f: {  	_ =	shalt  }
0x50: {  	_ =	shalt  }
0x51: {  	_ =	shalt  }
0x52: {  	_ =	shalt  }
0x53: {  	_ =	shalt  }
0x54: {  	_ =	shalt  }
0x55: {  	_ =	shalt  }
0x56: {  	_ =	shalt  }
0x57: {  	_ =	shalt  }
0x58: {  	_ =	shalt  }
0x59: {  	_ =	shalt  }
0x5a: {  	_ =	shalt  }
0x5b: {  	_ =	shalt  }
0x5c: {  	_ =	shalt  }
0x5d: {  	_ =	shalt  }
0x5e: {  	_ =	shalt  }
0x5f: {  	_ =	shalt  }
0x60: {  	_ =	shalt  }
0x61: {  	_ =	shalt  }
0x62: {  	_ =	shalt  }
0x63: {  	_ =	shalt  }
0x64: {  	_ =	shalt  }
0x65: {  	_ =	shalt  }
0x66: {  	_ =	shalt  }
0x67: {  	_ =	shalt  }
0x68: {  	_ =	shalt  }
0x69: {  	_ =	shalt  }
0x6a: {  	_ =	shalt  }
0x6b: {  	_ =	shalt  }
0x6c: {  	_ =	shalt  }
0x6d: {  	_ =	shalt  }
0x6e: {  	_ =	shalt  }
0x6f: {  	_ =	shalt  }
0x70: {  	_ =	shalt  }
0x71: {  	_ =	shalt  }
0x72: {  	_ =	shalt  }
0x73: {  	_ =	shalt  }
0x74: {  	_ =	shalt  }
0x75: {  	_ =	shalt  }
0x76: {  	_ =	shalt  }
0x77: {  	_ =	shalt  }
0x78: {  	_ =	shalt  }
0x79: {  	_ =	shalt  }
0x7a: {  	_ =	shalt  }
0x7b: {  	_ =	shalt  }
0x7c: {  	_ =	shalt  }
0x7d: {  	_ =	shalt  }
0x7e: {  	_ =	shalt  }
0x7f: {  	_ =	shalt  }
0x80: {  	_ =	shalt  }
0x81: {  	_ =	shalt  }
0x82: {  	_ =	shalt  }
0x83: {  	_ =	shalt  }
0x84: {  	_ =	shalt  }
0x85: {  	_ =	shalt  }
0x86: {  	_ =	shalt  }
0x87: {  	_ =	shalt  }
.Lfunc_end0:
.L_simem_size_0:
called_computation.1_lowered:
.L_overlay_start_0:
0x88: {  	s2 =	sld [smem:$0x3FD9]  }
0x89: {  	s3 =	sld [smem:$0x3FFE];
	_ =	sdelay $0x1  }
0x8a: {  	s1 =	srdreg.scid  }
0x8b: {  	s0 =	sand.u32 $0x1, s1  }
0x8c: {  	s17 =	sshll.u32 s0, $0xA;
	s2 =	sadd.s32 s3, s2  }
0x8d: {  	s2 =	sadd.s32 s2, s17  }
0x8e: {  	[smem:$0x3FC2] =	sst s2  }
0x8f: {  	_ = 	snop  }
0x90: {  	s2 =	sld [smem:$0x3FD0];
	(tm) =	ssettm $0x1  }
0x91: {  	s18 =	sld [smem:$0x3FFB];
	_ =	sdelay $0x3  }
0x92: {  	_ =	strace s18  }
0x93: {  	s3 =	sld [smem:$0x3FFC];
	_ =	sdelay $0x3  }
0x94: {  	_ =	strace s3  }
0x95: {  	s3 =	sld [smem:$0x3FFD];
	_ =	sdelay $0x3  }
0x96: {  	_ =	strace s3  }
0x97: {  	_ =	strace $0x8FFFFFFF  }
0x98: {  	s19 =	sld [smem:$0x3FDB];
	_ =	sdelay $0x1  }
0x99: {  	s4 =	simm.s32 $_scs_section_size  }
0x9a: {  	s5 =	simm.s32 $_size__tile_overlayer_lowered;
	s6 =	simm.s32 $_tile_overlayer_lowered  }
0x9b: {  	s22 =	simm.s32 $0x1BFF;
	s21 =	sshll.u32 s6, $0x1;
	s3 =	sadd.s32 s4, s19  }
0x9c: {  	s7 =	simm.s32 $0x0;
	s20 =	sshll.u32 s5, $0x1;
	s5 =	sadd.s32 s21, s3  }
0x9d: {  	[timem:s7], [sflag:s22] =	dma.local [hbm:s5], s20  }
0x9e: {  	_ =	swait.ge [sflag:s22], s20  }
0x9f: {  	s4 =	ssub.s32 $0x0, s20;
	[sflag:s22] =	ssyncset.done $0x0  }
0xa0: {  	[sflag:s22] =	ssyncadd.s32 s4;
	_ =	sdelay $0x1  }
0xa1: {  	s23 =	simm.s32 $0x1B8B  }
0xa2: {  	_ =	swait.ge [sflag:s23], $0x1  }
0xa3: {  	[sflag:s23] =	ssyncset.done $0x0  }
0xa4: {  	s25 =	simm.s32 $0x1B8E;
	s24 =	sld [smem:$0x3FFE];
	[sflag:s23] =	ssyncadd.s32 $0xFFFFFFFF  }
0xa5: {  	s26 =	simm.s32 $execute0_lowered;
	[smem:$0x3FD2] =	sst s25  }
0xa6: {  	s5 =	sshll.u32 s26, $0x1;
	_ =	strace $0x80000049;
	[dreg:$0x1] =	wrdreg $0xFFFFFFFF  }
0xa7: {  	s28 =	simm.s32 $_size_execute0_lowered;
	s3 =	sadd.s32 s3, s5;
	[dreg:$0x0] =	wrdreg $0x0  }
0xa8: {  	s5 =	sshll.u32 s28, $0x1;
	[dreg:$0x2] =	wrdreg s3  }
0xa9: {  	[dreg:$0x3] =	wrdreg s5  }
0xaa: {  	[dreg:$0x4] =	wrdreg $0xC0  }
0xab: {  	_ =	task [dreg:s7], $0x5FFFF  }
0xac: {  	[dreg:$0x1] =	wrdreg $0xFFFFFFFF  }
0xad: {  	[dreg:$0x0] =	wrdreg $0x60  }
0xae: {  	[dreg:$0x2] =	wrdreg s24  }
0xaf: {  	[dreg:$0x3] =	wrdreg s2  }
0xb0: {  	[dreg:$0x4] =	wrdreg $0x9  }
0xb1: {  	_ =	task.clear_ibuf [dreg:s7], $0x5FFFF;
	_ =	strace $0x90000049  }
0xb2: {  	s29 =	simm.s32 $0x9;
	_ =	strace $0x8000004B  }
0xb3: {  	_ =	swait.ge [sflag:s29], $0x1  }
0xb4: {  	[sflag:s29] =	ssyncadd.s32 $0xFFFFFFFF  }
0xb5: {  	_ =	strace $0x9000004B  }
0xb6: {  	_ =	sfence  }
0xb7: {  	s30 =	sld [smem:$0x0];
	_ =	sdelay $0x2  }
0xb8: {  	s31 =	sshll.u32 s1, $0xD;
	s1 =	sshrl.u32 s1, $0x2  }
0xb9: {  	s3 =	sand.u32 $0x4000, s31;
	s1 =	sadd.s32 s1, s30  }
0xba: {  	s0 =	sor.u32 s3, s0;
	s1 =	sshll.u32 s1, $0x11  }
0xbb: {  	s0 =	sor.u32 s1, s0  }
0xbc: {  	s0 =	sadd.s32 $0x8F2B, s0  }
0xbd: {  	[sflag:s0] =	ssyncadd.remote.s32 $0x1  }
0xbe: {  	_ =	sfence.sel $0xFFFF  }
0xbf: {  	[dreg:$0x0] =	wrdreg $0xFFFFFFFF;
	(pc) =	sbr.abs _section_cstart, $3  }
0xc0: {  	[dreg:$0x1] =	wrdreg $0xFFFFFFFF  }
0xc1: {  	_ =	task.clear_ibuf [dreg:s7], $0x2FFFF;
	_ =	strace $0x9FFFFFFF  }
0xc2: {  	(tm) =	ssettm $0x7FFFFFFF  }
0xc3: {  	_ =	shalt  }
tec
execute0_lowered:
.L_overlay_start_1:
0x0: {  	(tag) =	ssettag $0x1  }
0x1: {  	s0 =	rddreg [dreg:$0x0]  }
0x2: {  	s1 =	rddreg [dreg:$0x1];
	s2 =	simm.s32 $0x0  }
0x3: {  	s3 =	srdreg.scid;
	s5 =	stileid.u32;
	s28 =	simm.s32 $0x15000  }
0x4: {  	s29 =	simm.s32 $0x16000;
	s30 =	simm.s32 $0x17000;
	s31 =	simm.s32 $0x18000  }
0x5: {  	[smem:$0x7FF] =	sst s2;
	s4 =	sand.u32 $0x1, s3;
	s5 =	sshll.u32 s5, $0x1  }
0x6: {  	s3 =	sadd.s32 $0x1D2000, s0;
	s7 =	sadd.s32 $0x192000, s0;
	s9 =	sadd.s32 $0x1000, s0  }
0x7: {  	s10 =	sadd.s32 $0x9000, s0;
	_ =	strace $0x8000004A;
	s5 =	sor.u32 s4, s5  }
0x8: {  	s4 =	ssub.s32 $0x2, s4;
	s6 =	sshll.u32 s5, $0x7;
	s11 =	sshll.u32 s5, $0xD  }
0x9: {  	s12 =	sshll.u32 s5, $0x3;
	s5 =	sshll.u32 s5, $0xA;
	s17 =	sadd.s32 s7, s11  }
0xa: {  	s15 =	sshrl.u32 s4, $0x1;
	s14 =	sadd.s32 s9, s5;
	[dreg:$0x4] =	wrdreg s17  }
0xb: {  	s8 =	sadd.s32 s6, s0;
	s5 =	sadd.s32 s10, s5;
	[dreg:$0x5] =	wrdreg s14  }
0xc: {  	s4 =	ssub.s32 s4, s15;
	s22 =	sadd.s32 s1, s11;
	[dreg:$0x6] =	wrdreg s5  }
0xd: {  	s13 =	sor.u32 $0x2, s12;
	s16 =	sadd.s32 $0x11000, s8;
	[dreg:$0xa] =	wrdreg s22  }
0xe: {  	s18 =	sshll.u32 s13, $0xA;
	s17 =	sadd.s32 $0x11010, s8;
	[dreg:$0x3] =	wrdreg s16  }
0xf: {  	s13 =	sshll.u32 s13, $0x7;
	s19 =	sadd.s32 s7, s18;
	[dreg:$0x14] =	wrdreg s17  }
0x10: {  	s23 =	sor.u32 $0x4, s12;
	s20 =	sadd.s32 s9, s13;
	[dreg:$0x7] =	wrdreg s19  }
0x11: {  	s5 =	sshll.u32 s23, $0x7;
	s21 =	sadd.s32 s10, s13;
	[dreg:$0x8] =	wrdreg s20  }
0x12: {  	s12 =	sor.u32 $0x6, s12;
	s25 =	sadd.s32 s9, s5;
	[dreg:$0x9] =	wrdreg s21  }
0x13: {  	s26 =	sshll.u32 s12, $0x7;
	s5 =	sadd.s32 s10, s5;
	[dreg:$0xb] =	wrdreg s25  }
0x14: {  	s24 =	sshll.u32 s23, $0xA;
	s9 =	sadd.s32 s9, s26;
	[dreg:$0xc] =	wrdreg s5  }
0x15: {  	s6 =	sadd.s32 $0x1D2100, s0;
	s13 =	sadd.s32 s7, s24;
	[dreg:$0xd] =	wrdreg s9  }
0x16: {  	s12 =	sshll.u32 s12, $0xA;
	s14 =	sadd.s32 s1, s18;
	[dreg:$0xf] =	wrdreg s13  }
0x17: {  	s22 =	sadd.s32 $0x1D2200, s0;
	s15 =	sadd.s32 s7, s12;
	[dreg:$0x10] =	wrdreg s14  }
0x18: {  	s23 =	sadd.s32 $0x1D2300, s0;
	s16 =	sadd.s32 s1, s24;
	[dreg:$0x11] =	wrdreg s15  }
0x19: {  	s0 =	simm.s32 $0x19000;
	s1 =	sadd.s32 s1, s12;
	[dreg:$0x12] =	wrdreg s16  }
0x1a: {  	s18 =	sadd.s32 $0x11020, s8;
	s24 =	sadd.s32 $0x11060, s8;
	[dreg:$0x13] =	wrdreg s1  }
0x1b: {  	s17 =	simm.s32 $0x17800;
	s7 =	simm.s32 $0x1;
	[dreg:$0x15] =	wrdreg s18  }
0x1c: {  	s5 =	sadd.s32 s10, s26;
	s19 =	sadd.s32 $0x11030, s8;
	[dreg:$0x19] =	wrdreg s24  }
0x1d: {  	s20 =	sadd.s32 $0x11040, s8;
	s21 =	sadd.s32 $0x11050, s8;
	[dreg:$0xe] =	wrdreg s5  }
0x1e: {  	s25 =	sadd.s32 $0x11070, s8;
	s26 =	smax.u32 s4, $0x1;
	[dreg:$0x16] =	wrdreg s19  }
0x1f: {  	s4 =	simm.s32 $0x3;
	s10 =	simm.s32 $0xD000;
	[dreg:$0x17] =	wrdreg s20  }
0x20: {  	s14 =	simm.s32 $0x13800;
	s15 =	simm.s32 $0x14800;
	[dreg:$0x18] =	wrdreg s21  }
0x21: {  	v2 =	vlaneseq.u32;
	s1 =	simm.s32 $0x15800;
	s16 =	simm.s32 $0x16800;
	[dreg:$0x1a] =	wrdreg s25  }
0x22: {  	vm0 =	vmmov $0xffff;
	v1 =	vshrl.u32 v2, $0x3;
	s18 =	simm.s32 $0x19800;
	s8 =	simm.s32 $0x0;
	[dreg:$0x1b] =	wrdreg s26  }
0x23: {  	v0 =	vand.u32 $0x7, v2;
	v2 =	vor.u32 $0x8, v2;
	v1 =	vmul.u32 $0x8, v1;
	s26 =	simm.s32 $0x14000;
	s5 =	simm.s32 $0x18800;
	s19 =	simm.s32 $0x2  }
.LBB2_1:
0x24: {  	s9 =	rddreg [dreg:$0x3];
	s11 =	simm.s32 $0x1A000  }
0x25: {  	[tilespmem:s11], [sflag:$0x3] =	stream.linear.gather [hbm4b:s9+s2], $0x80, $0x38;
	[tilespmem:$0x1A200] =	vst v63  }
0x26: {  	_ =	swait.ge [sflag:s4], $0x80  }
0x27: {  	[sflag:s4] =	ssyncset.done $0x0  }
0x28: {  	s12 =	simm.s32 $0x1A080;
	s11 =	rddreg [dreg:$0x14];
	[sflag:s4] =	ssyncadd.s32 $0xFFFFFF80  }
0x29: {  	[tilespmem:s12], [sflag:$0x3] =	stream.linear.gather [hbm4b:s11+s2], $0x80, $0x38;
	[tilespmem:$0x1A200] =	vst v63  }
0x2a: {  	_ =	swait.ge [sflag:s4], $0x80  }
0x2b: {  	[sflag:s4] =	ssyncset.done $0x0  }
0x2c: {  	s13 =	rddreg [dreg:$0x4];
	[sflag:s4] =	ssyncadd.s32 $0xFFFFFF80  }
0x2d: {  	[tilespmem:s2], [sflag:$0x1] =	stream.linear.gather [hbm4b:s13+s2], $0x4000, $0x38;
	[tilespmem:$0x1A200] =	vst v63  }
0x2e: {  	v3 =	vld [tilespmem:$0x1A000];
	_ =	sdelay $0x4  }
0x2f: {  	v4 =	vshll.u32 v3, $0x3  }
0x30: {  	v3 =	vand.u32 $0x7, v3;
	v4 =	vand.u32 $0xFFFFFFC0, v4  }
0x31: {  	v3 =	vor.u32 v3, v4  }
0x32: {  	v4 =	vperm.xlane v3, v0;
	_ =	sdelay $0x1  }
0x33: {  	v4 =	vadd.s32 v1, v4;
	_ =	sdelay $0x3  }
0x34: {  	s20 =	simm.s32 $0x4000  }
0x35: {  	[tilespmem:s20], [sflag:$0x1] =	stream.indirect_vreg.gather [hbm4b:s3+s2], $0x80, v4, vm0, $0xb8;
	[tilespmem:$0x1A200] =	vst v63  }
0x36: {  	s21 =	simm.s32 $0x4800;
	v3 =	vperm.xlane v3, v2  }
0x37: {  	[tilespmem:s21], [sflag:$0x1] =	stream.indirect_vreg.gather [hbm4b:s6+s2], $0x80, v4, vm0, $0xb8;
	[tilespmem:$0x1A200] =	vst v63  }
0x38: {  	s24 =	simm.s32 $0x5000;
	v3 =	vadd.s32 v1, v3  }
0x39: {  	[tilespmem:s24], [sflag:$0x1] =	stream.indirect_vreg.gather [hbm4b:s22+s2], $0x80, v4, vm0, $0xb8;
	[tilespmem:$0x1A200] =	vst v63  }
0x3a: {  	s25 =	simm.s32 $0x5800  }
0x3b: {  	[tilespmem:s25], [sflag:$0x1] =	stream.indirect_vreg.gather [hbm4b:s23+s2], $0x80, v4, vm0, $0xb8;
	[tilespmem:$0x1A200] =	vst v63  }
0x3c: {  	s11 =	simm.s32 $0x6000  }
0x3d: {  	[tilespmem:s11], [sflag:$0x1] =	stream.indirect_vreg.gather [hbm4b:s3+s2], $0x80, v3, vm0, $0xb8;
	[tilespmem:$0x1A200] =	vst v63  }
0x3e: {  	s12 =	simm.s32 $0x6800  }
0x3f: {  	[tilespmem:s12], [sflag:$0x1] =	stream.indirect_vreg.gather [hbm4b:s6+s2], $0x80, v3, vm0, $0xb8;
	[tilespmem:$0x1A200] =	vst v63  }
0x40: {  	s13 =	simm.s32 $0x7000  }
0x41: {  	[tilespmem:s13], [sflag:$0x1] =	stream.indirect_vreg.gather [hbm4b:s22+s2], $0x80, v3, vm0, $0xb8;
	[tilespmem:$0x1A200] =	vst v63  }
0x42: {  	s20 =	simm.s32 $0x7800  }
0x43: {  	[tilespmem:s20], [sflag:$0x1] =	stream.indirect_vreg.gather [hbm4b:s23+s2], $0x80, v3, vm0, $0xb8;
	[tilespmem:$0x1A200] =	vst v63  }
0x44: {  	v3 =	vld [tilespmem:$0x1A080];
	_ =	sdelay $0x4  }
0x45: {  	v61 =	vshll.u32 v3, $0x3  }
0x46: {  	v3 =	vand.u32 $0x7, v3;
	v4 =	vand.u32 $0xFFFFFFC0, v61  }
0x47: {  	v3 =	vor.u32 v3, v4  }
0x48: {  	v4 =	vperm.xlane v3, v0;
	_ =	sdelay $0x1  }
0x49: {  	v4 =	vadd.s32 v1, v4;
	_ =	sdelay $0x3  }
0x4a: {  	s21 =	simm.s32 $0x8000  }
0x4b: {  	[tilespmem:s21], [sflag:$0x1] =	stream.indirect_vreg.gather [hbm4b:s3+s2], $0x80, v4, vm0, $0xb8;
	[tilespmem:$0x1A200] =	vst v63  }
0x4c: {  	s24 =	simm.s32 $0x8800;
	v3 =	vperm.xlane v3, v2  }
0x4d: {  	[tilespmem:s24], [sflag:$0x1] =	stream.indirect_vreg.gather [hbm4b:s6+s2], $0x80, v4, vm0, $0xb8;
	[tilespmem:$0x1A200] =	vst v63  }
0x4e: {  	s25 =	simm.s32 $0x9000;
	v3 =	vadd.s32 v1, v3  }
0x4f: {  	[tilespmem:s25], [sflag:$0x1] =	stream.indirect_vreg.gather [hbm4b:s22+s2], $0x80, v4, vm0, $0xb8;
	[tilespmem:$0x1A200] =	vst v63  }
0x50: {  	s11 =	simm.s32 $0x9800  }
0x51: {  	[tilespmem:s11], [sflag:$0x1] =	stream.indirect_vreg.gather [hbm4b:s23+s2], $0x80, v4, vm0, $0xb8;
	[tilespmem:$0x1A200] =	vst v63  }
0x52: {  	s12 =	simm.s32 $0xA000  }
0x53: {  	[tilespmem:s12], [sflag:$0x1] =	stream.indirect_vreg.gather [hbm4b:s3+s2], $0x80, v3, vm0, $0xb8;
	[tilespmem:$0x1A200] =	vst v63  }
0x54: {  	s13 =	simm.s32 $0xA800  }
0x55: {  	[tilespmem:s13], [sflag:$0x1] =	stream.indirect_vreg.gather [hbm4b:s6+s2], $0x80, v3, vm0, $0xb8;
	[tilespmem:$0x1A200] =	vst v63  }
0x56: {  	s20 =	simm.s32 $0xB000  }
0x57: {  	[tilespmem:s20], [sflag:$0x1] =	stream.indirect_vreg.gather [hbm4b:s22+s2], $0x80, v3, vm0, $0xb8;
	[tilespmem:$0x1A200] =	vst v63  }
0x58: {  	s21 =	simm.s32 $0xB800  }
0x59: {  	[tilespmem:s21], [sflag:$0x1] =	stream.indirect_vreg.gather [hbm4b:s23+s2], $0x80, v3, vm0, $0xb8;
	[tilespmem:$0x1A200] =	vst v63  }
0x5a: {  	s24 =	rddreg [dreg:$0x5];
	s25 =	simm.s32 $0xC000  }
0x5b: {  	[tilespmem:s25], [sflag:$0x1] =	stream.linear.gather [hbm4b:s24+s2], $0x800, $0x38;
	[tilespmem:$0x1A200] =	vst v63  }
0x5c: {  	s11 =	rddreg [dreg:$0x6];
	s12 =	simm.s32 $0xC800  }
0x5d: {  	[tilespmem:s12], [sflag:$0x1] =	stream.linear.gather [hbm4b:s11+s2], $0x800, $0x38;
	[tilespmem:$0x1A200] =	vst v63  }
0x5e: {  	s13 =	rddreg [dreg:$0x15];
	s20 =	simm.s32 $0x1A100  }
0x5f: {  	[tilespmem:s20], [sflag:$0x3] =	stream.linear.gather [hbm4b:s13+s2], $0x80, $0x38;
	[tilespmem:$0x1A200] =	vst v63  }
0x60: {  	_ =	swait.ge [sflag:s4], $0x80  }
0x61: {  	[sflag:s4] =	ssyncset.done $0x0  }
0x62: {  	s24 =	simm.s32 $0x1A180;
	s21 =	rddreg [dreg:$0x16];
	[sflag:s4] =	ssyncadd.s32 $0xFFFFFF80  }
0x63: {  	[tilespmem:s24], [sflag:$0x3] =	stream.linear.gather [hbm4b:s21+s2], $0x80, $0x38;
	[tilespmem:$0x1A200] =	vst v63  }
0x64: {  	_ =	swait.ge [sflag:s4], $0x80  }
0x65: {  	[sflag:s4] =	ssyncset.done $0x0  }
0x66: {  	s25 =	rddreg [dreg:$0x7];
	[sflag:s4] =	ssyncadd.s32 $0xFFFFFF80  }
0x67: {  	[tilespmem:s10], [sflag:$0x2] =	stream.linear.gather [hbm4b:s25+s2], $0x4000, $0x38;
	[tilespmem:$0x1A200] =	vst v63  }
0x68: {  	v3 =	vld [tilespmem:$0x1A100];
	_ =	sdelay $0x4  }
0x69: {  	v62 =	vshll.u32 v3, $0x3  }
0x6a: {  	v3 =	vand.u32 $0x7, v3;
	v4 =	vand.u32 $0xFFFFFFC0, v62  }
0x6b: {  	v3 =	vor.u32 v3, v4  }
0x6c: {  	v4 =	vperm.xlane v3, v0;
	_ =	sdelay $0x1  }
0x6d: {  	v4 =	vadd.s32 v1, v4;
	_ =	sdelay $0x3  }
0x6e: {  	s11 =	simm.s32 $0x11000  }
0x6f: {  	[tilespmem:s11], [sflag:$0x2] =	stream.indirect_vreg.gather [hbm4b:s3+s2], $0x80, v4, vm0, $0xb8;
	[tilespmem:$0x1A200] =	vst v63  }
0x70: {  	s12 =	simm.s32 $0x11800;
	v3 =	vperm.xlane v3, v2  }
0x71: {  	[tilespmem:s12], [sflag:$0x2] =	stream.indirect_vreg.gather [hbm4b:s6+s2], $0x80, v4, vm0, $0xb8;
	[tilespmem:$0x1A200] =	vst v63  }
0x72: {  	s13 =	simm.s32 $0x12000;
	v3 =	vadd.s32 v1, v3  }
0x73: {  	[tilespmem:s13], [sflag:$0x2] =	stream.indirect_vreg.gather [hbm4b:s22+s2], $0x80, v4, vm0, $0xb8;
	[tilespmem:$0x1A200] =	vst v63  }
0x74: {  	s20 =	simm.s32 $0x12800  }
0x75: {  	[tilespmem:s20], [sflag:$0x2] =	stream.indirect_vreg.gather [hbm4b:s23+s2], $0x80, v4, vm0, $0xb8;
	[tilespmem:$0x1A200] =	vst v63  }
0x76: {  	s21 =	simm.s32 $0x13000  }
0x77: {  	[tilespmem:s21], [sflag:$0x2] =	stream.indirect_vreg.gather [hbm4b:s3+s2], $0x80, v3, vm0, $0xb8;
	[tilespmem:$0x1A200] =	vst v63  }
0x78: {  	_ = 	snop  }
0x79: {  	[tilespmem:s14], [sflag:$0x2] =	stream.indirect_vreg.gather [hbm4b:s6+s2], $0x80, v3, vm0, $0xb8;
	[tilespmem:$0x1A200] =	vst v63  }
0x7a: {  	_ = 	snop  }
0x7b: {  	[tilespmem:s26], [sflag:$0x2] =	stream.indirect_vreg.gather [hbm4b:s22+s2], $0x80, v3, vm0, $0xb8;
	[tilespmem:$0x1A200] =	vst v63  }
0x7c: {  	_ = 	snop  }
0x7d: {  	[tilespmem:s15], [sflag:$0x2] =	stream.indirect_vreg.gather [hbm4b:s23+s2], $0x80, v3, vm0, $0xb8;
	[tilespmem:$0x1A200] =	vst v63  }
0x7e: {  	v3 =	vld [tilespmem:$0x1A180];
	_ =	sdelay $0x4  }
0x7f: {  	v63 =	vshll.u32 v3, $0x3  }
0x80: {  	v3 =	vand.u32 $0x7, v3;
	v4 =	vand.u32 $0xFFFFFFC0, v63  }
0x81: {  	v3 =	vor.u32 v3, v4  }
0x82: {  	v4 =	vperm.xlane v3, v0;
	_ =	sdelay $0x1  }
0x83: {  	v4 =	vadd.s32 v1, v4;
	_ =	sdelay $0x4  }
0x84: {  	[tilespmem:s28], [sflag:$0x2] =	stream.indirect_vreg.gather [hbm4b:s3+s2], $0x80, v4, vm0, $0xb8;
	[tilespmem:$0x1A200] =	vst v63  }
0x85: {  	v3 =	vperm.xlane v3, v2  }
0x86: {  	[tilespmem:s1], [sflag:$0x2] =	stream.indirect_vreg.gather [hbm4b:s6+s2], $0x80, v4, vm0, $0xb8;
	[tilespmem:$0x1A200] =	vst v63  }
0x87: {  	v3 =	vadd.s32 v1, v3  }
0x88: {  	[tilespmem:s29], [sflag:$0x2] =	stream.indirect_vreg.gather [hbm4b:s22+s2], $0x80, v4, vm0, $0xb8;
	[tilespmem:$0x1A200] =	vst v63  }
0x89: {  	_ = 	snop  }
0x8a: {  	[tilespmem:s16], [sflag:$0x2] =	stream.indirect_vreg.gather [hbm4b:s23+s2], $0x80, v4, vm0, $0xb8;
	[tilespmem:$0x1A200] =	vst v63  }
0x8b: {  	_ = 	snop  }
0x8c: {  	[tilespmem:s30], [sflag:$0x2] =	stream.indirect_vreg.gather [hbm4b:s3+s2], $0x80, v3, vm0, $0xb8;
	[tilespmem:$0x1A200] =	vst v63  }
0x8d: {  	_ = 	snop  }
0x8e: {  	[tilespmem:s17], [sflag:$0x2] =	stream.indirect_vreg.gather [hbm4b:s6+s2], $0x80, v3, vm0, $0xb8;
	[tilespmem:$0x1A200] =	vst v63  }
0x8f: {  	_ = 	snop  }
0x90: {  	[tilespmem:s31], [sflag:$0x2] =	stream.indirect_vreg.gather [hbm4b:s22+s2], $0x80, v3, vm0, $0xb8;
	[tilespmem:$0x1A200] =	vst v63  }
0x91: {  	_ = 	snop  }
0x92: {  	[tilespmem:s5], [sflag:$0x2] =	stream.indirect_vreg.gather [hbm4b:s23+s2], $0x80, v3, vm0, $0xb8;
	[tilespmem:$0x1A200] =	vst v63  }
0x93: {  	s24 =	rddreg [dreg:$0x8]  }
0x94: {  	[tilespmem:s0], [sflag:$0x2] =	stream.linear.gather [hbm4b:s24+s2], $0x800, $0x38;
	[tilespmem:$0x1A200] =	vst v63  }
0x95: {  	s25 =	rddreg [dreg:$0x9]  }
0x96: {  	[tilespmem:s18], [sflag:$0x2] =	stream.linear.gather [hbm4b:s25+s2], $0x800, $0x38;
	[tilespmem:$0x1A200] =	vst v63  }
0x97: {  	_ =	swait.ge [sflag:s7], $0x4000  }
0x98: {  	[sflag:s7] =	ssyncset.done $0x0  }
0x99: {  	[sflag:s7] =	ssyncadd.s32 $0xFFFFC000  }
0x9a: {  	_ =	swait.ge [sflag:s7], $0x4000  }
0x9b: {  	[sflag:s7] =	ssyncset.done $0x0  }
0x9c: {  	[sflag:s7] =	ssyncadd.s32 $0xFFFFC000  }
0x9d: {  	_ =	swait.ge [sflag:s7], $0x4000  }
0x9e: {  	[sflag:s7] =	ssyncset.done $0x0  }
0x9f: {  	[sflag:s7] =	ssyncadd.s32 $0xFFFFC000  }
0xa0: {  	_ =	swait.ge [sflag:s7], $0x800  }
0xa1: {  	[sflag:s7] =	ssyncset.done $0x0  }
0xa2: {  	[sflag:s7] =	ssyncadd.s32 $0xFFFFF800  }
0xa3: {  	_ =	swait.ge [sflag:s7], $0x800  }
0xa4: {  	s9 =	simm.s32 $0x0;
	[sflag:s7] =	ssyncset.done $0x0  }
0xa5: {  	s20 =	simm.s32 $0x0;
	s21 =	simm.s32 $0x0;
	[sflag:s7] =	ssyncadd.s32 $0xFFFFF800  }
.LBB2_2:
0xa6: {  	s11 =	sshll.u32 s9, $0x2;
	s12 =	sand.u32 $0x7, s20  }
0xa7: {  	s11 =	sand.u32 $0xFFFF8000, s11;
	s12 =	sshll.u32 s12, $0x9  }
0xa8: {  	s25 =	sshll.u32 s21, $0x7;
	s11 =	sor.u32 s12, s11  }
0xa9: {  	v4 =	vld [tilespmem:s25+$0xC000];
	s13 =	sshrl.u32 s11, $0x2  }
0xaa: {  	v3 =	vld [tilespmem:s25+$0xC800];
	s24 =	sadd.s32 $0x4040, s13  }
0xab: {  	s11 =	sor.u32 $0x40, s13;
	v5 =	vld [tilespmem:s24+$0x30]  }
0xac: {  	s12 =	sadd.s32 $0x8040, s13;
	v6 =	vld [tilespmem:s11+$0x30]  }
0xad: {  	v7 =	vld [tilespmem:s12+$0x30]  }
0xae: {  	v8 =	vld [tilespmem:s24+$0xFFFFFFC0]  }
0xaf: {  	v9 =	vld [tilespmem:s24+$0xFFFFFFD0]  }
0xb0: {  	v10 =	vld [tilespmem:s24+$0xFFFFFFE0]  }
0xb1: {  	v11 =	vld [tilespmem:s24+$0xFFFFFFF0]  }
0xb2: {  	v12 =	vld [tilespmem:s24+$0x0]  }
0xb3: {  	v13 =	vld [tilespmem:s24+$0x10]  }
0xb4: {  	v14 =	vld [tilespmem:s24+$0x20]  }
0xb5: {  	v15 =	vld [tilespmem:s12+$0xFFFFFFC0]  }
0xb6: {  	v16 =	vld [tilespmem:s11+$0xFFFFFFD0]  }
0xb7: {  	v17 =	vld [tilespmem:s12+$0xFFFFFFD0]  }
0xb8: {  	v19 =	vld [tilespmem:s12+$0xFFFFFFE0]  }
0xb9: {  	v18 =	vld [tilespmem:s11+$0xFFFFFFE0];
	v5 =	vmul.f32 v5, v4  }
0xba: {  	v20 =	vld [tilespmem:s11+$0xFFFFFFF0]  }
0xbb: {  	v9 =	vmul.f32 v9, v4;
	v5 =	vadd.f32 v5, v6;
	v6 =	vmul.f32 v7, v3;
	v7 =	vld [tilespmem:s12+$0xFFFFFFF0]  }
0xbc: {  	v21 =	vld [tilespmem:s12+$0x0];
	v10 =	vmul.f32 v10, v4;
	v11 =	vmul.f32 v11, v4  }
0xbd: {  	v19 =	vmul.f32 v19, v3;
	v9 =	vadd.f32 v9, v16;
	v16 =	vmul.f32 v17, v3;
	v17 =	vld [tilespmem:s11+$0x0]  }
0xbe: {  	v12 =	vmul.f32 v12, v4;
	v18 =	vadd.f32 v10, v18;
	v10 =	vld [tilespmem:s11+$0x10];
	v6 =	vadd.f32 v6, v5  }
0xbf: {  	v20 =	vadd.f32 v11, v20;
	v16 =	vadd.f32 v16, v9;
	v5 =	vmul.f32 v8, v4;
	v9 =	vld [tilespmem:s12+$0x10]  }
0xc0: {  	v11 =	vld [tilespmem:s11+$0x20];
	v8 =	vmul.f32 v13, v4;
	v18 =	vadd.f32 v19, v18;
	[tilespmem:s11+$0x30] =	vst v6;
	v19 =	vmul.f32 v7, v3  }
0xc1: {  	v13 =	vld [tilespmem:s12+$0x20];
	v6 =	vmul.f32 v15, v3;
	[tilespmem:s11+$0xFFFFFFD0] =	vst v16;
	v16 =	vmul.f32 v21, v3  }
0xc2: {  	s13 =	simm.s32 $0x0;
	s25 =	sadd.s32 $0x400, s24;
	s24 =	smov.u32 s11;
	[tilespmem:s11+$0xFFFFFFE0] =	vst v18;
	v7 =	vmul.f32 v14, v4;
	v14 =	vadd.f32 v12, v17;
	v12 =	vld [tilespmem:s11+$0xFFFFFFC0];
	v15 =	vadd.f32 v19, v20  }
.LBB2_3:
0xc3: {  	v17 =	vld [tilespmem:s25+$0x30];
	s13 =	sadd.s32 $0x80, s13;
	v8 =	vadd.f32 v8, v10;
	s11 =	sadd.s32 $0x400, s11  }
0xc4: {  	s12 =	sadd.s32 $0x400, s12;
	v10 =	vld [tilespmem:s11+$0x30];
	p0 =	slt.u32 s13, $0x380;
	[tilespmem:s24+$0xFFFFFFF0] =	vst v15;
	v14 =	vadd.f32 v16, v14;
	v9 =	vmul.f32 v9, v3  }
0xc5: {  	v15 =	vld [tilespmem:s12+$0x30];
	v7 =	vadd.f32 v7, v11  }
0xc6: {  	v11 =	vld [tilespmem:s25+$0xFFFFFFC0];
	[tilespmem:s24+$0x0] =	vst v14;
	v8 =	vadd.f32 v9, v8;
	v9 =	vmul.f32 v13, v3  }
0xc7: {  	v13 =	vld [tilespmem:s25+$0xFFFFFFD0];
	v5 =	vadd.f32 v5, v12  }
0xc8: {  	v12 =	vld [tilespmem:s25+$0xFFFFFFE0];
	v14 =	vmul.f32 v17, v4;
	[tilespmem:s24+$0x10] =	vst v8;
	v7 =	vadd.f32 v9, v7  }
0xc9: {  	v8 =	vld [tilespmem:s25+$0xFFFFFFF0];
	v6 =	vadd.f32 v6, v5  }
0xca: {  	v9 =	vld [tilespmem:s25+$0x0];
	v10 =	vadd.f32 v14, v10;
	v14 =	vmul.f32 v15, v3;
	[tilespmem:s24+$0x20] =	vst v7  }
0xcb: {  	v5 =	vmul.f32 v11, v4;
	v7 =	vld [tilespmem:s25+$0x10];
	[tilespmem:s24+$0xFFFFFFC0] =	vst v6;
	s24 =	smov.u32 s11  }
0xcc: {  	v11 =	vmul.f32 v13, v4;
	v6 =	vld [tilespmem:s25+$0x20];
	v10 =	vadd.f32 v14, v10  }
0xcd: {  	v13 =	vld [tilespmem:s12+$0xFFFFFFC0];
	v12 =	vmul.f32 v12, v4  }
0xce: {  	v14 =	vld [tilespmem:s11+$0xFFFFFFD0];
	v15 =	vmul.f32 v8, v4;
	[tilespmem:s11+$0x30] =	vst v10  }
0xcf: {  	v10 =	vld [tilespmem:s12+$0xFFFFFFD0];
	v16 =	vmul.f32 v9, v4  }
0xd0: {  	v9 =	vld [tilespmem:s11+$0xFFFFFFE0];
	v8 =	vmul.f32 v7, v4  }
0xd1: {  	v17 =	vld [tilespmem:s12+$0xFFFFFFE0];
	v7 =	vmul.f32 v6, v4  }
0xd2: {  	v6 =	vmul.f32 v13, v3;
	v13 =	vld [tilespmem:s11+$0xFFFFFFF0]  }
0xd3: {  	v11 =	vadd.f32 v11, v14;
	v14 =	vld [tilespmem:s12+$0xFFFFFFF0]  }
0xd4: {  	v10 =	vmul.f32 v10, v3;
	v18 =	vld [tilespmem:s11+$0x0]  }
0xd5: {  	v12 =	vadd.f32 v12, v9;
	v19 =	vld [tilespmem:s12+$0x0]  }
.Ltmp0:
0xd6: {  	v11 =	vadd.f32 v10, v11;
	v17 =	vmul.f32 v17, v3;
	v10 =	vld [tilespmem:s11+$0x10];
	(pc) =	sbr.rel @p0 .LBB2_3-.Ltmp0, $4  }
0xd7: {  	v15 =	vadd.f32 v15, v13;
	v9 =	vld [tilespmem:s12+$0x10]  }
0xd8: {  	[tilespmem:s11+$0xFFFFFFD0] =	vst v11;
	v17 =	vadd.f32 v17, v12;
	v20 =	vmul.f32 v14, v3;
	v11 =	vld [tilespmem:s11+$0x20]  }
0xd9: {  	v14 =	vadd.f32 v16, v18;
	v13 =	vld [tilespmem:s12+$0x20]  }
0xda: {  	s25 =	sadd.s32 $0x400, s25;
	v12 =	vld [tilespmem:s11+$0xFFFFFFC0];
	[tilespmem:s11+$0xFFFFFFE0] =	vst v17;
	v15 =	vadd.f32 v20, v15;
	v16 =	vmul.f32 v19, v3  }
0xdb: {  	_ =	sdelay $0x1  }
0xdc: {  	v4 =	vadd.f32 v8, v10;
	s21 =	sadd.s32 $0x1, s21;
	v61 =	vmul.f32 v9, v3  }
0xdd: {  	v62 =	vadd.f32 v16, v14;
	p0 =	sne.s32 s21, $0x10;
	v7 =	vadd.f32 v7, v11;
	v3 =	vmul.f32 v13, v3  }
.Ltmp1:
0xde: {  	[tilespmem:s24+$0xFFFFFFF0] =	vst v15;
	v4 =	vadd.f32 v61, v4;
	v5 =	vadd.f32 v5, v12;
	(pc) =	sbr.rel @p0 .LBB2_2-.Ltmp1, $4  }
0xdf: {  	[tilespmem:s24+$0x0] =	vst v62;
	v3 =	vadd.f32 v3, v7  }
0xe0: {  	[tilespmem:s24+$0x10] =	vst v4;
	v63 =	vadd.f32 v6, v5  }
0xe1: {  	[tilespmem:s24+$0x20] =	vst v3  }
0xe2: {  	s9 =	sadd.s32 $0x400, s9;
	s20 =	sadd.s32 $0x1, s20;
	[tilespmem:s24+$0xFFFFFFC0] =	vst v63  }
0xe3: {  	s20 =	simm.s32 $0x0;
	s9 =	rddreg [dreg:$0xa]  }
0xe4: {  	[hbm4b:s9+s20] =	stream.linear.scatter [tilespmem:s20], [sflag:$0x3], $0x4000, $0x38;
	[tilespmem:$0x1A200] =	vst v63  }
0xe5: {  	_ =	swait.ge [sflag:s4], $0x4000  }
0xe6: {  	[sflag:s4] =	ssyncset.done $0x0  }
0xe7: {  	s11 =	simm.s32 $0x1A000;
	s25 =	rddreg [dreg:$0x17];
	[sflag:s4] =	ssyncadd.s32 $0xFFFFC000  }
0xe8: {  	[tilespmem:s11], [sflag:$0x3] =	stream.linear.gather [hbm4b:s25+s20], $0x80, $0x38;
	[tilespmem:$0x1A200] =	vst v63  }
0xe9: {  	_ =	swait.ge [sflag:s4], $0x80  }
0xea: {  	[sflag:s4] =	ssyncset.done $0x0  }
0xeb: {  	s13 =	simm.s32 $0x1A080;
	s12 =	rddreg [dreg:$0x18];
	[sflag:s4] =	ssyncadd.s32 $0xFFFFFF80  }
0xec: {  	[tilespmem:s13], [sflag:$0x3] =	stream.linear.gather [hbm4b:s12+s20], $0x80, $0x38;
	[tilespmem:$0x1A200] =	vst v63  }
0xed: {  	_ =	swait.ge [sflag:s4], $0x80  }
0xee: {  	[sflag:s4] =	ssyncset.done $0x0  }
0xef: {  	s21 =	rddreg [dreg:$0xf];
	[sflag:s4] =	ssyncadd.s32 $0xFFFFFF80  }
0xf0: {  	[tilespmem:s20], [sflag:$0x1] =	stream.linear.gather [hbm4b:s21+s20], $0x4000, $0x38;
	[tilespmem:$0x1A200] =	vst v63  }
0xf1: {  	v3 =	vld [tilespmem:$0x1A000];
	_ =	sdelay $0x4  }
0xf2: {  	v4 =	vshll.u32 v3, $0x3  }
0xf3: {  	v3 =	vand.u32 $0x7, v3;
	v4 =	vand.u32 $0xFFFFFFC0, v4  }
0xf4: {  	v3 =	vor.u32 v3, v4  }
0xf5: {  	v4 =	vperm.xlane v3, v0;
	_ =	sdelay $0x1  }
0xf6: {  	v4 =	vadd.s32 v1, v4;
	_ =	sdelay $0x3  }
0xf7: {  	s24 =	simm.s32 $0x4000  }
0xf8: {  	[tilespmem:s24], [sflag:$0x1] =	stream.indirect_vreg.gather [hbm4b:s3+s20], $0x80, v4, vm0, $0xb8;
	[tilespmem:$0x1A200] =	vst v63  }
0xf9: {  	s25 =	simm.s32 $0x4800;
	v3 =	vperm.xlane v3, v2  }
0xfa: {  	[tilespmem:s25], [sflag:$0x1] =	stream.indirect_vreg.gather [hbm4b:s6+s20], $0x80, v4, vm0, $0xb8;
	[tilespmem:$0x1A200] =	vst v63  }
0xfb: {  	s11 =	simm.s32 $0x5000;
	v3 =	vadd.s32 v1, v3  }
0xfc: {  	[tilespmem:s11], [sflag:$0x1] =	stream.indirect_vreg.gather [hbm4b:s22+s20], $0x80, v4, vm0, $0xb8;
	[tilespmem:$0x1A200] =	vst v63  }
0xfd: {  	s12 =	simm.s32 $0x5800  }
0xfe: {  	[tilespmem:s12], [sflag:$0x1] =	stream.indirect_vreg.gather [hbm4b:s23+s20], $0x80, v4, vm0, $0xb8;
	[tilespmem:$0x1A200] =	vst v63  }
0xff: {  	s13 =	simm.s32 $0x6000  }
0x100: {  	[tilespmem:s13], [sflag:$0x1] =	stream.indirect_vreg.gather [hbm4b:s3+s20], $0x80, v3, vm0, $0xb8;
	[tilespmem:$0x1A200] =	vst v63  }
0x101: {  	s21 =	simm.s32 $0x6800  }
0x102: {  	[tilespmem:s21], [sflag:$0x1] =	stream.indirect_vreg.gather [hbm4b:s6+s20], $0x80, v3, vm0, $0xb8;
	[tilespmem:$0x1A200] =	vst v63  }
0x103: {  	s24 =	simm.s32 $0x7000  }
0x104: {  	[tilespmem:s24], [sflag:$0x1] =	stream.indirect_vreg.gather [hbm4b:s22+s20], $0x80, v3, vm0, $0xb8;
	[tilespmem:$0x1A200] =	vst v63  }
0x105: {  	s25 =	simm.s32 $0x7800  }
0x106: {  	[tilespmem:s25], [sflag:$0x1] =	stream.indirect_vreg.gather [hbm4b:s23+s20], $0x80, v3, vm0, $0xb8;
	[tilespmem:$0x1A200] =	vst v63  }
0x107: {  	v3 =	vld [tilespmem:$0x1A080];
	_ =	sdelay $0x4  }
0x108: {  	v63 =	vshll.u32 v3, $0x3  }
0x109: {  	v3 =	vand.u32 $0x7, v3;
	v4 =	vand.u32 $0xFFFFFFC0, v63  }
0x10a: {  	v3 =	vor.u32 v3, v4  }
0x10b: {  	v4 =	vperm.xlane v3, v0;
	_ =	sdelay $0x1  }
0x10c: {  	v4 =	vadd.s32 v1, v4;
	_ =	sdelay $0x3  }
0x10d: {  	s11 =	simm.s32 $0x8000  }
0x10e: {  	[tilespmem:s11], [sflag:$0x1] =	stream.indirect_vreg.gather [hbm4b:s3+s20], $0x80, v4, vm0, $0xb8;
	[tilespmem:$0x1A200] =	vst v63  }
0x10f: {  	s12 =	simm.s32 $0x8800;
	v3 =	vperm.xlane v3, v2  }
0x110: {  	[tilespmem:s12], [sflag:$0x1] =	stream.indirect_vreg.gather [hbm4b:s6+s20], $0x80, v4, vm0, $0xb8;
	[tilespmem:$0x1A200] =	vst v63  }
0x111: {  	s13 =	simm.s32 $0x9000;
	v3 =	vadd.s32 v1, v3  }
0x112: {  	[tilespmem:s13], [sflag:$0x1] =	stream.indirect_vreg.gather [hbm4b:s22+s20], $0x80, v4, vm0, $0xb8;
	[tilespmem:$0x1A200] =	vst v63  }
0x113: {  	s21 =	simm.s32 $0x9800  }
0x114: {  	[tilespmem:s21], [sflag:$0x1] =	stream.indirect_vreg.gather [hbm4b:s23+s20], $0x80, v4, vm0, $0xb8;
	[tilespmem:$0x1A200] =	vst v63  }
0x115: {  	s24 =	simm.s32 $0xA000  }
0x116: {  	[tilespmem:s24], [sflag:$0x1] =	stream.indirect_vreg.gather [hbm4b:s3+s20], $0x80, v3, vm0, $0xb8;
	[tilespmem:$0x1A200] =	vst v63  }
0x117: {  	s25 =	simm.s32 $0xA800  }
0x118: {  	[tilespmem:s25], [sflag:$0x1] =	stream.indirect_vreg.gather [hbm4b:s6+s20], $0x80, v3, vm0, $0xb8;
	[tilespmem:$0x1A200] =	vst v63  }
0x119: {  	s11 =	simm.s32 $0xB000  }
0x11a: {  	[tilespmem:s11], [sflag:$0x1] =	stream.indirect_vreg.gather [hbm4b:s22+s20], $0x80, v3, vm0, $0xb8;
	[tilespmem:$0x1A200] =	vst v63  }
0x11b: {  	s12 =	simm.s32 $0xB800  }
0x11c: {  	[tilespmem:s12], [sflag:$0x1] =	stream.indirect_vreg.gather [hbm4b:s23+s20], $0x80, v3, vm0, $0xb8;
	[tilespmem:$0x1A200] =	vst v63  }
0x11d: {  	s13 =	rddreg [dreg:$0xb];
	s21 =	simm.s32 $0xC000  }
0x11e: {  	[tilespmem:s21], [sflag:$0x1] =	stream.linear.gather [hbm4b:s13+s20], $0x800, $0x38;
	[tilespmem:$0x1A200] =	vst v63  }
0x11f: {  	s24 =	rddreg [dreg:$0xc];
	s25 =	simm.s32 $0xC800  }
0x120: {  	[tilespmem:s25], [sflag:$0x1] =	stream.linear.gather [hbm4b:s24+s20], $0x800, $0x38;
	[tilespmem:$0x1A200] =	vst v63  }
0x121: {  	_ =	swait.ge [sflag:s19], $0x4000  }
0x122: {  	[sflag:s19] =	ssyncset.done $0x0  }
0x123: {  	[sflag:s19] =	ssyncadd.s32 $0xFFFFC000  }
0x124: {  	_ =	swait.ge [sflag:s19], $0x4000  }
0x125: {  	[sflag:s19] =	ssyncset.done $0x0  }
0x126: {  	[sflag:s19] =	ssyncadd.s32 $0xFFFFC000  }
0x127: {  	_ =	swait.ge [sflag:s19], $0x4000  }
0x128: {  	[sflag:s19] =	ssyncset.done $0x0  }
0x129: {  	[sflag:s19] =	ssyncadd.s32 $0xFFFFC000  }
0x12a: {  	_ =	swait.ge [sflag:s19], $0x800  }
0x12b: {  	[sflag:s19] =	ssyncset.done $0x0  }
0x12c: {  	[sflag:s19] =	ssyncadd.s32 $0xFFFFF800  }
0x12d: {  	_ =	swait.ge [sflag:s19], $0x800  }
0x12e: {  	[sflag:s19] =	ssyncset.done $0x0  }
0x12f: {  	s9 =	simm.s32 $0x0;
	s21 =	simm.s32 $0x0;
	[sflag:s19] =	ssyncadd.s32 $0xFFFFF800  }
.LBB2_6:
0x130: {  	s11 =	sshll.u32 s9, $0x2;
	s12 =	sand.u32 $0x7, s20  }
0x131: {  	s11 =	sand.u32 $0xFFFF8000, s11;
	s12 =	sshll.u32 s12, $0x9  }
0x132: {  	s25 =	sshll.u32 s21, $0x7;
	s11 =	sor.u32 s12, s11  }
0x133: {  	v4 =	vld [tilespmem:s25+$0x19000];
	s13 =	sshrl.u32 s11, $0x2  }
0x134: {  	v3 =	vld [tilespmem:s25+$0x19800];
	s24 =	sadd.s32 $0x11040, s13  }
0x135: {  	s11 =	sadd.s32 $0xD040, s13;
	v5 =	vld [tilespmem:s24+$0x30]  }
0x136: {  	s12 =	sadd.s32 $0x15040, s13;
	v6 =	vld [tilespmem:s11+$0x30]  }
0x137: {  	v7 =	vld [tilespmem:s12+$0x30]  }
0x138: {  	v8 =	vld [tilespmem:s24+$0xFFFFFFC0]  }
0x139: {  	v9 =	vld [tilespmem:s24+$0xFFFFFFD0]  }
0x13a: {  	v10 =	vld [tilespmem:s24+$0xFFFFFFE0]  }
0x13b: {  	v11 =	vld [tilespmem:s24+$0xFFFFFFF0]  }
0x13c: {  	v12 =	vld [tilespmem:s24+$0x0]  }
0x13d: {  	v13 =	vld [tilespmem:s24+$0x10]  }
0x13e: {  	v14 =	vld [tilespmem:s24+$0x20]  }
0x13f: {  	v15 =	vld [tilespmem:s12+$0xFFFFFFC0]  }
0x140: {  	v16 =	vld [tilespmem:s11+$0xFFFFFFD0]  }
0x141: {  	v17 =	vld [tilespmem:s12+$0xFFFFFFD0]  }
0x142: {  	v19 =	vld [tilespmem:s12+$0xFFFFFFE0]  }
0x143: {  	v18 =	vld [tilespmem:s11+$0xFFFFFFE0];
	v5 =	vmul.f32 v5, v4  }
0x144: {  	v20 =	vld [tilespmem:s11+$0xFFFFFFF0]  }
0x145: {  	v9 =	vmul.f32 v9, v4;
	v5 =	vadd.f32 v5, v6;
	v6 =	vmul.f32 v7, v3;
	v7 =	vld [tilespmem:s12+$0xFFFFFFF0]  }
0x146: {  	v21 =	vld [tilespmem:s12+$0x0];
	v10 =	vmul.f32 v10, v4;
	v11 =	vmul.f32 v11, v4  }
0x147: {  	v19 =	vmul.f32 v19, v3;
	v9 =	vadd.f32 v9, v16;
	v16 =	vmul.f32 v17, v3;
	v17 =	vld [tilespmem:s11+$0x0]  }
0x148: {  	v12 =	vmul.f32 v12, v4;
	v18 =	vadd.f32 v10, v18;
	v10 =	vld [tilespmem:s11+$0x10];
	v6 =	vadd.f32 v6, v5  }
0x149: {  	v20 =	vadd.f32 v11, v20;
	v16 =	vadd.f32 v16, v9;
	v5 =	vmul.f32 v8, v4;
	v9 =	vld [tilespmem:s12+$0x10]  }
0x14a: {  	v11 =	vld [tilespmem:s11+$0x20];
	v8 =	vmul.f32 v13, v4;
	v18 =	vadd.f32 v19, v18;
	[tilespmem:s11+$0x30] =	vst v6;
	v19 =	vmul.f32 v7, v3  }
0x14b: {  	v13 =	vld [tilespmem:s12+$0x20];
	v6 =	vmul.f32 v15, v3;
	[tilespmem:s11+$0xFFFFFFD0] =	vst v16;
	v16 =	vmul.f32 v21, v3  }
0x14c: {  	s13 =	simm.s32 $0x0;
	s25 =	sadd.s32 $0x400, s24;
	s24 =	smov.u32 s11;
	[tilespmem:s11+$0xFFFFFFE0] =	vst v18;
	v7 =	vmul.f32 v14, v4;
	v14 =	vadd.f32 v12, v17;
	v12 =	vld [tilespmem:s11+$0xFFFFFFC0];
	v15 =	vadd.f32 v19, v20  }
.LBB2_7:
0x14d: {  	v17 =	vld [tilespmem:s25+$0x30];
	s13 =	sadd.s32 $0x80, s13;
	v8 =	vadd.f32 v8, v10;
	s11 =	sadd.s32 $0x400, s11  }
0x14e: {  	s12 =	sadd.s32 $0x400, s12;
	v10 =	vld [tilespmem:s11+$0x30];
	p0 =	slt.u32 s13, $0x380;
	[tilespmem:s24+$0xFFFFFFF0] =	vst v15;
	v14 =	vadd.f32 v16, v14;
	v9 =	vmul.f32 v9, v3  }
0x14f: {  	v15 =	vld [tilespmem:s12+$0x30];
	v7 =	vadd.f32 v7, v11  }
0x150: {  	v11 =	vld [tilespmem:s25+$0xFFFFFFC0];
	[tilespmem:s24+$0x0] =	vst v14;
	v8 =	vadd.f32 v9, v8;
	v9 =	vmul.f32 v13, v3  }
0x151: {  	v13 =	vld [tilespmem:s25+$0xFFFFFFD0];
	v5 =	vadd.f32 v5, v12  }
0x152: {  	v12 =	vld [tilespmem:s25+$0xFFFFFFE0];
	v14 =	vmul.f32 v17, v4;
	[tilespmem:s24+$0x10] =	vst v8;
	v7 =	vadd.f32 v9, v7  }
0x153: {  	v8 =	vld [tilespmem:s25+$0xFFFFFFF0];
	v6 =	vadd.f32 v6, v5  }
0x154: {  	v9 =	vld [tilespmem:s25+$0x0];
	v10 =	vadd.f32 v14, v10;
	v14 =	vmul.f32 v15, v3;
	[tilespmem:s24+$0x20] =	vst v7  }
0x155: {  	v5 =	vmul.f32 v11, v4;
	v7 =	vld [tilespmem:s25+$0x10];
	[tilespmem:s24+$0xFFFFFFC0] =	vst v6;
	s24 =	smov.u32 s11  }
0x156: {  	v11 =	vmul.f32 v13, v4;
	v6 =	vld [tilespmem:s25+$0x20];
	v10 =	vadd.f32 v14, v10  }
0x157: {  	v13 =	vld [tilespmem:s12+$0xFFFFFFC0];
	v12 =	vmul.f32 v12, v4  }
0x158: {  	v14 =	vld [tilespmem:s11+$0xFFFFFFD0];
	v15 =	vmul.f32 v8, v4;
	[tilespmem:s11+$0x30] =	vst v10  }
0x159: {  	v10 =	vld [tilespmem:s12+$0xFFFFFFD0];
	v16 =	vmul.f32 v9, v4  }
0x15a: {  	v9 =	vld [tilespmem:s11+$0xFFFFFFE0];
	v8 =	vmul.f32 v7, v4  }
0x15b: {  	v17 =	vld [tilespmem:s12+$0xFFFFFFE0];
	v7 =	vmul.f32 v6, v4  }
0x15c: {  	v6 =	vmul.f32 v13, v3;
	v13 =	vld [tilespmem:s11+$0xFFFFFFF0]  }
0x15d: {  	v11 =	vadd.f32 v11, v14;
	v14 =	vld [tilespmem:s12+$0xFFFFFFF0]  }
0x15e: {  	v10 =	vmul.f32 v10, v3;
	v18 =	vld [tilespmem:s11+$0x0]  }
0x15f: {  	v12 =	vadd.f32 v12, v9;
	v19 =	vld [tilespmem:s12+$0x0]  }
.Ltmp2:
0x160: {  	v11 =	vadd.f32 v10, v11;
	v17 =	vmul.f32 v17, v3;
	v10 =	vld [tilespmem:s11+$0x10];
	(pc) =	sbr.rel @p0 .LBB2_7-.Ltmp2, $4  }
0x161: {  	v15 =	vadd.f32 v15, v13;
	v9 =	vld [tilespmem:s12+$0x10]  }
0x162: {  	[tilespmem:s11+$0xFFFFFFD0] =	vst v11;
	v17 =	vadd.f32 v17, v12;
	v20 =	vmul.f32 v14, v3;
	v11 =	vld [tilespmem:s11+$0x20]  }
0x163: {  	v14 =	vadd.f32 v16, v18;
	v13 =	vld [tilespmem:s12+$0x20]  }
0x164: {  	s25 =	sadd.s32 $0x400, s25;
	v12 =	vld [tilespmem:s11+$0xFFFFFFC0];
	[tilespmem:s11+$0xFFFFFFE0] =	vst v17;
	v15 =	vadd.f32 v20, v15;
	v16 =	vmul.f32 v19, v3  }
0x165: {  	_ =	sdelay $0x1  }
0x166: {  	v4 =	vadd.f32 v8, v10;
	s21 =	sadd.s32 $0x1, s21;
	v61 =	vmul.f32 v9, v3  }
0x167: {  	v62 =	vadd.f32 v16, v14;
	p0 =	sne.s32 s21, $0x10;
	v7 =	vadd.f32 v7, v11;
	v3 =	vmul.f32 v13, v3  }
.Ltmp3:
0x168: {  	[tilespmem:s24+$0xFFFFFFF0] =	vst v15;
	v4 =	vadd.f32 v61, v4;
	v5 =	vadd.f32 v5, v12;
	(pc) =	sbr.rel @p0 .LBB2_6-.Ltmp3, $4  }
0x169: {  	[tilespmem:s24+$0x0] =	vst v62;
	v3 =	vadd.f32 v3, v7  }
0x16a: {  	[tilespmem:s24+$0x10] =	vst v4;
	v63 =	vadd.f32 v6, v5  }
0x16b: {  	[tilespmem:s24+$0x20] =	vst v3  }
0x16c: {  	s9 =	sadd.s32 $0x400, s9;
	s20 =	sadd.s32 $0x1, s20;
	[tilespmem:s24+$0xFFFFFFC0] =	vst v63  }
0x16d: {  	s20 =	simm.s32 $0x0;
	s9 =	rddreg [dreg:$0x10]  }
0x16e: {  	[hbm4b:s9+s20] =	stream.linear.scatter [tilespmem:s10], [sflag:$0x3], $0x4000, $0x38;
	[tilespmem:$0x1A200] =	vst v63  }
0x16f: {  	_ =	swait.ge [sflag:s4], $0x4000  }
0x170: {  	[sflag:s4] =	ssyncset.done $0x0  }
0x171: {  	s11 =	simm.s32 $0x1A100;
	s12 =	rddreg [dreg:$0x19];
	[sflag:s4] =	ssyncadd.s32 $0xFFFFC000  }
0x172: {  	[tilespmem:s11], [sflag:$0x3] =	stream.linear.gather [hbm4b:s12+s20], $0x80, $0x38;
	[tilespmem:$0x1A200] =	vst v63  }
0x173: {  	_ =	swait.ge [sflag:s4], $0x80  }
0x174: {  	[sflag:s4] =	ssyncset.done $0x0  }
0x175: {  	s21 =	simm.s32 $0x1A180;
	s13 =	rddreg [dreg:$0x1a];
	[sflag:s4] =	ssyncadd.s32 $0xFFFFFF80  }
0x176: {  	[tilespmem:s21], [sflag:$0x3] =	stream.linear.gather [hbm4b:s13+s20], $0x80, $0x38;
	[tilespmem:$0x1A200] =	vst v63  }
0x177: {  	_ =	swait.ge [sflag:s4], $0x80  }
0x178: {  	[sflag:s4] =	ssyncset.done $0x0  }
0x179: {  	s24 =	rddreg [dreg:$0x11];
	[sflag:s4] =	ssyncadd.s32 $0xFFFFFF80  }
0x17a: {  	[tilespmem:s10], [sflag:$0x2] =	stream.linear.gather [hbm4b:s24+s20], $0x4000, $0x38;
	[tilespmem:$0x1A200] =	vst v63  }
0x17b: {  	v3 =	vld [tilespmem:$0x1A100];
	_ =	sdelay $0x4  }
0x17c: {  	v4 =	vshll.u32 v3, $0x3  }
0x17d: {  	v3 =	vand.u32 $0x7, v3;
	v4 =	vand.u32 $0xFFFFFFC0, v4  }
0x17e: {  	v3 =	vor.u32 v3, v4  }
0x17f: {  	v4 =	vperm.xlane v3, v0;
	_ =	sdelay $0x1  }
0x180: {  	v4 =	vadd.s32 v1, v4;
	_ =	sdelay $0x3  }
0x181: {  	s25 =	simm.s32 $0x11000  }
0x182: {  	[tilespmem:s25], [sflag:$0x2] =	stream.indirect_vreg.gather [hbm4b:s3+s20], $0x80, v4, vm0, $0xb8;
	[tilespmem:$0x1A200] =	vst v63  }
0x183: {  	s11 =	simm.s32 $0x11800;
	v3 =	vperm.xlane v3, v2  }
0x184: {  	[tilespmem:s11], [sflag:$0x2] =	stream.indirect_vreg.gather [hbm4b:s6+s20], $0x80, v4, vm0, $0xb8;
	[tilespmem:$0x1A200] =	vst v63  }
0x185: {  	s12 =	simm.s32 $0x12000;
	v3 =	vadd.s32 v1, v3  }
0x186: {  	[tilespmem:s12], [sflag:$0x2] =	stream.indirect_vreg.gather [hbm4b:s22+s20], $0x80, v4, vm0, $0xb8;
	[tilespmem:$0x1A200] =	vst v63  }
0x187: {  	s13 =	simm.s32 $0x12800  }
0x188: {  	[tilespmem:s13], [sflag:$0x2] =	stream.indirect_vreg.gather [hbm4b:s23+s20], $0x80, v4, vm0, $0xb8;
	[tilespmem:$0x1A200] =	vst v63  }
0x189: {  	s21 =	simm.s32 $0x13000  }
0x18a: {  	[tilespmem:s21], [sflag:$0x2] =	stream.indirect_vreg.gather [hbm4b:s3+s20], $0x80, v3, vm0, $0xb8;
	[tilespmem:$0x1A200] =	vst v63  }
0x18b: {  	_ = 	snop  }
0x18c: {  	[tilespmem:s14], [sflag:$0x2] =	stream.indirect_vreg.gather [hbm4b:s6+s20], $0x80, v3, vm0, $0xb8;
	[tilespmem:$0x1A200] =	vst v63  }
0x18d: {  	_ = 	snop  }
0x18e: {  	[tilespmem:s26], [sflag:$0x2] =	stream.indirect_vreg.gather [hbm4b:s22+s20], $0x80, v3, vm0, $0xb8;
	[tilespmem:$0x1A200] =	vst v63  }
0x18f: {  	_ = 	snop  }
0x190: {  	[tilespmem:s15], [sflag:$0x2] =	stream.indirect_vreg.gather [hbm4b:s23+s20], $0x80, v3, vm0, $0xb8;
	[tilespmem:$0x1A200] =	vst v63  }
0x191: {  	v3 =	vld [tilespmem:$0x1A180];
	_ =	sdelay $0x4  }
0x192: {  	v63 =	vshll.u32 v3, $0x3  }
0x193: {  	v3 =	vand.u32 $0x7, v3;
	v4 =	vand.u32 $0xFFFFFFC0, v63  }
0x194: {  	v3 =	vor.u32 v3, v4  }
0x195: {  	v4 =	vperm.xlane v3, v0;
	_ =	sdelay $0x1  }
0x196: {  	v4 =	vadd.s32 v1, v4;
	_ =	sdelay $0x4  }
0x197: {  	[tilespmem:s28], [sflag:$0x2] =	stream.indirect_vreg.gather [hbm4b:s3+s20], $0x80, v4, vm0, $0xb8;
	[tilespmem:$0x1A200] =	vst v63  }
0x198: {  	v3 =	vperm.xlane v3, v2  }
0x199: {  	[tilespmem:s1], [sflag:$0x2] =	stream.indirect_vreg.gather [hbm4b:s6+s20], $0x80, v4, vm0, $0xb8;
	[tilespmem:$0x1A200] =	vst v63  }
0x19a: {  	v3 =	vadd.s32 v1, v3  }
0x19b: {  	[tilespmem:s29], [sflag:$0x2] =	stream.indirect_vreg.gather [hbm4b:s22+s20], $0x80, v4, vm0, $0xb8;
	[tilespmem:$0x1A200] =	vst v63  }
0x19c: {  	_ = 	snop  }
0x19d: {  	[tilespmem:s16], [sflag:$0x2] =	stream.indirect_vreg.gather [hbm4b:s23+s20], $0x80, v4, vm0, $0xb8;
	[tilespmem:$0x1A200] =	vst v63  }
0x19e: {  	_ = 	snop  }
0x19f: {  	[tilespmem:s30], [sflag:$0x2] =	stream.indirect_vreg.gather [hbm4b:s3+s20], $0x80, v3, vm0, $0xb8;
	[tilespmem:$0x1A200] =	vst v63  }
0x1a0: {  	_ = 	snop  }
0x1a1: {  	[tilespmem:s17], [sflag:$0x2] =	stream.indirect_vreg.gather [hbm4b:s6+s20], $0x80, v3, vm0, $0xb8;
	[tilespmem:$0x1A200] =	vst v63  }
0x1a2: {  	_ = 	snop  }
0x1a3: {  	[tilespmem:s31], [sflag:$0x2] =	stream.indirect_vreg.gather [hbm4b:s22+s20], $0x80, v3, vm0, $0xb8;
	[tilespmem:$0x1A200] =	vst v63  }
0x1a4: {  	_ = 	snop  }
0x1a5: {  	[tilespmem:s5], [sflag:$0x2] =	stream.indirect_vreg.gather [hbm4b:s23+s20], $0x80, v3, vm0, $0xb8;
	[tilespmem:$0x1A200] =	vst v63  }
0x1a6: {  	s24 =	rddreg [dreg:$0xd]  }
0x1a7: {  	[tilespmem:s0], [sflag:$0x2] =	stream.linear.gather [hbm4b:s24+s20], $0x800, $0x38;
	[tilespmem:$0x1A200] =	vst v63  }
0x1a8: {  	s25 =	rddreg [dreg:$0xe]  }
0x1a9: {  	[tilespmem:s18], [sflag:$0x2] =	stream.linear.gather [hbm4b:s25+s20], $0x800, $0x38;
	[tilespmem:$0x1A200] =	vst v63  }
0x1aa: {  	_ =	swait.ge [sflag:s7], $0x4000  }
0x1ab: {  	[sflag:s7] =	ssyncset.done $0x0  }
0x1ac: {  	[sflag:s7] =	ssyncadd.s32 $0xFFFFC000  }
0x1ad: {  	_ =	swait.ge [sflag:s7], $0x4000  }
0x1ae: {  	[sflag:s7] =	ssyncset.done $0x0  }
0x1af: {  	[sflag:s7] =	ssyncadd.s32 $0xFFFFC000  }
0x1b0: {  	_ =	swait.ge [sflag:s7], $0x4000  }
0x1b1: {  	[sflag:s7] =	ssyncset.done $0x0  }
0x1b2: {  	[sflag:s7] =	ssyncadd.s32 $0xFFFFC000  }
0x1b3: {  	_ =	swait.ge [sflag:s7], $0x800  }
0x1b4: {  	[sflag:s7] =	ssyncset.done $0x0  }
0x1b5: {  	[sflag:s7] =	ssyncadd.s32 $0xFFFFF800  }
0x1b6: {  	_ =	swait.ge [sflag:s7], $0x800  }
0x1b7: {  	[sflag:s7] =	ssyncset.done $0x0  }
0x1b8: {  	s9 =	simm.s32 $0x0;
	s21 =	simm.s32 $0x0;
	[sflag:s7] =	ssyncadd.s32 $0xFFFFF800  }
.LBB2_10:
0x1b9: {  	s11 =	sshll.u32 s9, $0x2;
	s12 =	sand.u32 $0x7, s20  }
0x1ba: {  	s11 =	sand.u32 $0xFFFF8000, s11;
	s12 =	sshll.u32 s12, $0x9  }
0x1bb: {  	s25 =	sshll.u32 s21, $0x7;
	s11 =	sor.u32 s12, s11  }
0x1bc: {  	v4 =	vld [tilespmem:s25+$0xC000];
	s13 =	sshrl.u32 s11, $0x2  }
0x1bd: {  	v3 =	vld [tilespmem:s25+$0xC800];
	s24 =	sadd.s32 $0x4040, s13  }
0x1be: {  	s11 =	sor.u32 $0x40, s13;
	v5 =	vld [tilespmem:s24+$0x30]  }
0x1bf: {  	s12 =	sadd.s32 $0x8040, s13;
	v6 =	vld [tilespmem:s11+$0x30]  }
0x1c0: {  	v7 =	vld [tilespmem:s12+$0x30]  }
0x1c1: {  	v8 =	vld [tilespmem:s24+$0xFFFFFFC0]  }
0x1c2: {  	v9 =	vld [tilespmem:s24+$0xFFFFFFD0]  }
0x1c3: {  	v10 =	vld [tilespmem:s24+$0xFFFFFFE0]  }
0x1c4: {  	v11 =	vld [tilespmem:s24+$0xFFFFFFF0]  }
0x1c5: {  	v12 =	vld [tilespmem:s24+$0x0]  }
0x1c6: {  	v13 =	vld [tilespmem:s24+$0x10]  }
0x1c7: {  	v14 =	vld [tilespmem:s24+$0x20]  }
0x1c8: {  	v15 =	vld [tilespmem:s12+$0xFFFFFFC0]  }
0x1c9: {  	v16 =	vld [tilespmem:s11+$0xFFFFFFD0]  }
0x1ca: {  	v17 =	vld [tilespmem:s12+$0xFFFFFFD0]  }
0x1cb: {  	v19 =	vld [tilespmem:s12+$0xFFFFFFE0]  }
0x1cc: {  	v18 =	vld [tilespmem:s11+$0xFFFFFFE0];
	v5 =	vmul.f32 v5, v4  }
0x1cd: {  	v20 =	vld [tilespmem:s11+$0xFFFFFFF0]  }
0x1ce: {  	v9 =	vmul.f32 v9, v4;
	v5 =	vadd.f32 v5, v6;
	v6 =	vmul.f32 v7, v3;
	v7 =	vld [tilespmem:s12+$0xFFFFFFF0]  }
0x1cf: {  	v21 =	vld [tilespmem:s12+$0x0];
	v10 =	vmul.f32 v10, v4;
	v11 =	vmul.f32 v11, v4  }
0x1d0: {  	v19 =	vmul.f32 v19, v3;
	v9 =	vadd.f32 v9, v16;
	v16 =	vmul.f32 v17, v3;
	v17 =	vld [tilespmem:s11+$0x0]  }
0x1d1: {  	v12 =	vmul.f32 v12, v4;
	v18 =	vadd.f32 v10, v18;
	v10 =	vld [tilespmem:s11+$0x10];
	v6 =	vadd.f32 v6, v5  }
0x1d2: {  	v20 =	vadd.f32 v11, v20;
	v16 =	vadd.f32 v16, v9;
	v5 =	vmul.f32 v8, v4;
	v9 =	vld [tilespmem:s12+$0x10]  }
0x1d3: {  	v11 =	vld [tilespmem:s11+$0x20];
	v8 =	vmul.f32 v13, v4;
	v18 =	vadd.f32 v19, v18;
	[tilespmem:s11+$0x30] =	vst v6;
	v19 =	vmul.f32 v7, v3  }
0x1d4: {  	v13 =	vld [tilespmem:s12+$0x20];
	v6 =	vmul.f32 v15, v3;
	[tilespmem:s11+$0xFFFFFFD0] =	vst v16;
	v16 =	vmul.f32 v21, v3  }
0x1d5: {  	s13 =	simm.s32 $0x0;
	s25 =	sadd.s32 $0x400, s24;
	s24 =	smov.u32 s11;
	[tilespmem:s11+$0xFFFFFFE0] =	vst v18;
	v7 =	vmul.f32 v14, v4;
	v14 =	vadd.f32 v12, v17;
	v12 =	vld [tilespmem:s11+$0xFFFFFFC0];
	v15 =	vadd.f32 v19, v20  }
.LBB2_11:
0x1d6: {  	v17 =	vld [tilespmem:s25+$0x30];
	s13 =	sadd.s32 $0x80, s13;
	v8 =	vadd.f32 v8, v10;
	s11 =	sadd.s32 $0x400, s11  }
0x1d7: {  	s12 =	sadd.s32 $0x400, s12;
	v10 =	vld [tilespmem:s11+$0x30];
	p0 =	slt.u32 s13, $0x380;
	[tilespmem:s24+$0xFFFFFFF0] =	vst v15;
	v14 =	vadd.f32 v16, v14;
	v9 =	vmul.f32 v9, v3  }
0x1d8: {  	v15 =	vld [tilespmem:s12+$0x30];
	v7 =	vadd.f32 v7, v11  }
0x1d9: {  	v11 =	vld [tilespmem:s25+$0xFFFFFFC0];
	[tilespmem:s24+$0x0] =	vst v14;
	v8 =	vadd.f32 v9, v8;
	v9 =	vmul.f32 v13, v3  }
0x1da: {  	v13 =	vld [tilespmem:s25+$0xFFFFFFD0];
	v5 =	vadd.f32 v5, v12  }
0x1db: {  	v12 =	vld [tilespmem:s25+$0xFFFFFFE0];
	v14 =	vmul.f32 v17, v4;
	[tilespmem:s24+$0x10] =	vst v8;
	v7 =	vadd.f32 v9, v7  }
0x1dc: {  	v8 =	vld [tilespmem:s25+$0xFFFFFFF0];
	v6 =	vadd.f32 v6, v5  }
0x1dd: {  	v9 =	vld [tilespmem:s25+$0x0];
	v10 =	vadd.f32 v14, v10;
	v14 =	vmul.f32 v15, v3;
	[tilespmem:s24+$0x20] =	vst v7  }
0x1de: {  	v5 =	vmul.f32 v11, v4;
	v7 =	vld [tilespmem:s25+$0x10];
	[tilespmem:s24+$0xFFFFFFC0] =	vst v6;
	s24 =	smov.u32 s11  }
0x1df: {  	v11 =	vmul.f32 v13, v4;
	v6 =	vld [tilespmem:s25+$0x20];
	v10 =	vadd.f32 v14, v10  }
0x1e0: {  	v13 =	vld [tilespmem:s12+$0xFFFFFFC0];
	v12 =	vmul.f32 v12, v4  }
0x1e1: {  	v14 =	vld [tilespmem:s11+$0xFFFFFFD0];
	v15 =	vmul.f32 v8, v4;
	[tilespmem:s11+$0x30] =	vst v10  }
0x1e2: {  	v10 =	vld [tilespmem:s12+$0xFFFFFFD0];
	v16 =	vmul.f32 v9, v4  }
0x1e3: {  	v9 =	vld [tilespmem:s11+$0xFFFFFFE0];
	v8 =	vmul.f32 v7, v4  }
0x1e4: {  	v17 =	vld [tilespmem:s12+$0xFFFFFFE0];
	v7 =	vmul.f32 v6, v4  }
0x1e5: {  	v6 =	vmul.f32 v13, v3;
	v13 =	vld [tilespmem:s11+$0xFFFFFFF0]  }
0x1e6: {  	v11 =	vadd.f32 v11, v14;
	v14 =	vld [tilespmem:s12+$0xFFFFFFF0]  }
0x1e7: {  	v10 =	vmul.f32 v10, v3;
	v18 =	vld [tilespmem:s11+$0x0]  }
0x1e8: {  	v12 =	vadd.f32 v12, v9;
	v19 =	vld [tilespmem:s12+$0x0]  }
.Ltmp4:
0x1e9: {  	v11 =	vadd.f32 v10, v11;
	v17 =	vmul.f32 v17, v3;
	v10 =	vld [tilespmem:s11+$0x10];
	(pc) =	sbr.rel @p0 .LBB2_11-.Ltmp4, $4  }
0x1ea: {  	v15 =	vadd.f32 v15, v13;
	v9 =	vld [tilespmem:s12+$0x10]  }
0x1eb: {  	[tilespmem:s11+$0xFFFFFFD0] =	vst v11;
	v17 =	vadd.f32 v17, v12;
	v20 =	vmul.f32 v14, v3;
	v11 =	vld [tilespmem:s11+$0x20]  }
0x1ec: {  	v14 =	vadd.f32 v16, v18;
	v13 =	vld [tilespmem:s12+$0x20]  }
0x1ed: {  	s25 =	sadd.s32 $0x400, s25;
	v12 =	vld [tilespmem:s11+$0xFFFFFFC0];
	[tilespmem:s11+$0xFFFFFFE0] =	vst v17;
	v15 =	vadd.f32 v20, v15;
	v16 =	vmul.f32 v19, v3  }
0x1ee: {  	_ =	sdelay $0x1  }
0x1ef: {  	v4 =	vadd.f32 v8, v10;
	s21 =	sadd.s32 $0x1, s21;
	v61 =	vmul.f32 v9, v3  }
0x1f0: {  	v62 =	vadd.f32 v16, v14;
	p0 =	sne.s32 s21, $0x10;
	v7 =	vadd.f32 v7, v11;
	v3 =	vmul.f32 v13, v3  }
.Ltmp5:
0x1f1: {  	[tilespmem:s24+$0xFFFFFFF0] =	vst v15;
	v4 =	vadd.f32 v61, v4;
	v5 =	vadd.f32 v5, v12;
	(pc) =	sbr.rel @p0 .LBB2_10-.Ltmp5, $4  }
0x1f2: {  	[tilespmem:s24+$0x0] =	vst v62;
	v3 =	vadd.f32 v3, v7  }
0x1f3: {  	[tilespmem:s24+$0x10] =	vst v4;
	v63 =	vadd.f32 v6, v5  }
0x1f4: {  	[tilespmem:s24+$0x20] =	vst v3  }
0x1f5: {  	s9 =	sadd.s32 $0x400, s9;
	s20 =	sadd.s32 $0x1, s20;
	[tilespmem:s24+$0xFFFFFFC0] =	vst v63  }
0x1f6: {  	s20 =	simm.s32 $0x0;
	s9 =	rddreg [dreg:$0x12]  }
0x1f7: {  	[hbm4b:s9+s20] =	stream.linear.scatter [tilespmem:s20], [sflag:$0x3], $0x4000, $0x38;
	[tilespmem:$0x1A200] =	vst v63  }
0x1f8: {  	_ =	swait.ge [sflag:s4], $0x4000  }
0x1f9: {  	[sflag:s4] =	ssyncset.done $0x0  }
0x1fa: {  	[sflag:s4] =	ssyncadd.s32 $0xFFFFC000  }
0x1fb: {  	_ =	swait.ge [sflag:s19], $0x4000  }
0x1fc: {  	[sflag:s19] =	ssyncset.done $0x0  }
0x1fd: {  	[sflag:s19] =	ssyncadd.s32 $0xFFFFC000  }
0x1fe: {  	_ =	swait.ge [sflag:s19], $0x4000  }
0x1ff: {  	[sflag:s19] =	ssyncset.done $0x0  }
0x200: {  	[sflag:s19] =	ssyncadd.s32 $0xFFFFC000  }
0x201: {  	_ =	swait.ge [sflag:s19], $0x4000  }
0x202: {  	[sflag:s19] =	ssyncset.done $0x0  }
0x203: {  	[sflag:s19] =	ssyncadd.s32 $0xFFFFC000  }
0x204: {  	_ =	swait.ge [sflag:s19], $0x800  }
0x205: {  	[sflag:s19] =	ssyncset.done $0x0  }
0x206: {  	[sflag:s19] =	ssyncadd.s32 $0xFFFFF800  }
0x207: {  	_ =	swait.ge [sflag:s19], $0x800  }
0x208: {  	[sflag:s19] =	ssyncset.done $0x0  }
0x209: {  	s21 =	simm.s32 $0x0;
	s9 =	simm.s32 $0x0;
	[sflag:s19] =	ssyncadd.s32 $0xFFFFF800  }
.LBB2_14:
0x20a: {  	s11 =	sshll.u32 s9, $0x2;
	s12 =	sand.u32 $0x7, s20  }
0x20b: {  	s11 =	sand.u32 $0xFFFF8000, s11;
	s12 =	sshll.u32 s12, $0x9  }
0x20c: {  	s25 =	sshll.u32 s21, $0x7;
	s11 =	sor.u32 s12, s11  }
0x20d: {  	v4 =	vld [tilespmem:s25+$0x19000];
	s13 =	sshrl.u32 s11, $0x2  }
0x20e: {  	v3 =	vld [tilespmem:s25+$0x19800];
	s24 =	sadd.s32 $0x11040, s13  }
0x20f: {  	s11 =	sadd.s32 $0xD040, s13;
	v5 =	vld [tilespmem:s24+$0x30]  }
0x210: {  	s12 =	sadd.s32 $0x15040, s13;
	v6 =	vld [tilespmem:s11+$0x30]  }
0x211: {  	v7 =	vld [tilespmem:s12+$0x30]  }
0x212: {  	v8 =	vld [tilespmem:s24+$0xFFFFFFC0]  }
0x213: {  	v9 =	vld [tilespmem:s24+$0xFFFFFFD0]  }
0x214: {  	v10 =	vld [tilespmem:s24+$0xFFFFFFE0]  }
0x215: {  	v11 =	vld [tilespmem:s24+$0xFFFFFFF0]  }
0x216: {  	v12 =	vld [tilespmem:s24+$0x0]  }
0x217: {  	v13 =	vld [tilespmem:s24+$0x10]  }
0x218: {  	v14 =	vld [tilespmem:s24+$0x20]  }
0x219: {  	v15 =	vld [tilespmem:s12+$0xFFFFFFC0]  }
0x21a: {  	v16 =	vld [tilespmem:s11+$0xFFFFFFD0]  }
0x21b: {  	v17 =	vld [tilespmem:s12+$0xFFFFFFD0]  }
0x21c: {  	v19 =	vld [tilespmem:s12+$0xFFFFFFE0]  }
0x21d: {  	v18 =	vld [tilespmem:s11+$0xFFFFFFE0];
	v5 =	vmul.f32 v5, v4  }
0x21e: {  	v20 =	vld [tilespmem:s11+$0xFFFFFFF0]  }
0x21f: {  	v9 =	vmul.f32 v9, v4;
	v5 =	vadd.f32 v5, v6;
	v6 =	vmul.f32 v7, v3;
	v7 =	vld [tilespmem:s12+$0xFFFFFFF0]  }
0x220: {  	v21 =	vld [tilespmem:s12+$0x0];
	v10 =	vmul.f32 v10, v4;
	v11 =	vmul.f32 v11, v4  }
0x221: {  	v19 =	vmul.f32 v19, v3;
	v9 =	vadd.f32 v9, v16;
	v16 =	vmul.f32 v17, v3;
	v17 =	vld [tilespmem:s11+$0x0]  }
0x222: {  	v12 =	vmul.f32 v12, v4;
	v18 =	vadd.f32 v10, v18;
	v10 =	vld [tilespmem:s11+$0x10];
	v6 =	vadd.f32 v6, v5  }
0x223: {  	v20 =	vadd.f32 v11, v20;
	v16 =	vadd.f32 v16, v9;
	v5 =	vmul.f32 v8, v4;
	v9 =	vld [tilespmem:s12+$0x10]  }
0x224: {  	v11 =	vld [tilespmem:s11+$0x20];
	v8 =	vmul.f32 v13, v4;
	v18 =	vadd.f32 v19, v18;
	[tilespmem:s11+$0x30] =	vst v6;
	v19 =	vmul.f32 v7, v3  }
0x225: {  	v13 =	vld [tilespmem:s12+$0x20];
	v6 =	vmul.f32 v15, v3;
	[tilespmem:s11+$0xFFFFFFD0] =	vst v16;
	v16 =	vmul.f32 v21, v3  }
0x226: {  	s13 =	simm.s32 $0x0;
	s25 =	sadd.s32 $0x400, s24;
	s24 =	smov.u32 s11;
	[tilespmem:s11+$0xFFFFFFE0] =	vst v18;
	v7 =	vmul.f32 v14, v4;
	v14 =	vadd.f32 v12, v17;
	v12 =	vld [tilespmem:s11+$0xFFFFFFC0];
	v15 =	vadd.f32 v19, v20  }
.LBB2_15:
0x227: {  	v17 =	vld [tilespmem:s25+$0x30];
	s13 =	sadd.s32 $0x80, s13;
	v8 =	vadd.f32 v8, v10;
	s11 =	sadd.s32 $0x400, s11  }
0x228: {  	s12 =	sadd.s32 $0x400, s12;
	v10 =	vld [tilespmem:s11+$0x30];
	p0 =	slt.u32 s13, $0x380;
	[tilespmem:s24+$0xFFFFFFF0] =	vst v15;
	v14 =	vadd.f32 v16, v14;
	v9 =	vmul.f32 v9, v3  }
0x229: {  	v15 =	vld [tilespmem:s12+$0x30];
	v7 =	vadd.f32 v7, v11  }
0x22a: {  	v11 =	vld [tilespmem:s25+$0xFFFFFFC0];
	[tilespmem:s24+$0x0] =	vst v14;
	v8 =	vadd.f32 v9, v8;
	v9 =	vmul.f32 v13, v3  }
0x22b: {  	v13 =	vld [tilespmem:s25+$0xFFFFFFD0];
	v5 =	vadd.f32 v5, v12  }
0x22c: {  	v12 =	vld [tilespmem:s25+$0xFFFFFFE0];
	v14 =	vmul.f32 v17, v4;
	[tilespmem:s24+$0x10] =	vst v8;
	v7 =	vadd.f32 v9, v7  }
0x22d: {  	v8 =	vld [tilespmem:s25+$0xFFFFFFF0];
	v6 =	vadd.f32 v6, v5  }
0x22e: {  	v9 =	vld [tilespmem:s25+$0x0];
	v10 =	vadd.f32 v14, v10;
	v14 =	vmul.f32 v15, v3;
	[tilespmem:s24+$0x20] =	vst v7  }
0x22f: {  	v5 =	vmul.f32 v11, v4;
	v7 =	vld [tilespmem:s25+$0x10];
	[tilespmem:s24+$0xFFFFFFC0] =	vst v6;
	s24 =	smov.u32 s11  }
0x230: {  	v11 =	vmul.f32 v13, v4;
	v6 =	vld [tilespmem:s25+$0x20];
	v10 =	vadd.f32 v14, v10  }
0x231: {  	v13 =	vld [tilespmem:s12+$0xFFFFFFC0];
	v12 =	vmul.f32 v12, v4  }
0x232: {  	v14 =	vld [tilespmem:s11+$0xFFFFFFD0];
	v15 =	vmul.f32 v8, v4;
	[tilespmem:s11+$0x30] =	vst v10  }
0x233: {  	v10 =	vld [tilespmem:s12+$0xFFFFFFD0];
	v16 =	vmul.f32 v9, v4  }
0x234: {  	v9 =	vld [tilespmem:s11+$0xFFFFFFE0];
	v8 =	vmul.f32 v7, v4  }
0x235: {  	v17 =	vld [tilespmem:s12+$0xFFFFFFE0];
	v7 =	vmul.f32 v6, v4  }
0x236: {  	v6 =	vmul.f32 v13, v3;
	v13 =	vld [tilespmem:s11+$0xFFFFFFF0]  }
0x237: {  	v11 =	vadd.f32 v11, v14;
	v14 =	vld [tilespmem:s12+$0xFFFFFFF0]  }
0x238: {  	v10 =	vmul.f32 v10, v3;
	v18 =	vld [tilespmem:s11+$0x0]  }
0x239: {  	v12 =	vadd.f32 v12, v9;
	v19 =	vld [tilespmem:s12+$0x0]  }
.Ltmp6:
0x23a: {  	v11 =	vadd.f32 v10, v11;
	v17 =	vmul.f32 v17, v3;
	v10 =	vld [tilespmem:s11+$0x10];
	(pc) =	sbr.rel @p0 .LBB2_15-.Ltmp6, $4  }
0x23b: {  	v15 =	vadd.f32 v15, v13;
	v9 =	vld [tilespmem:s12+$0x10]  }
0x23c: {  	[tilespmem:s11+$0xFFFFFFD0] =	vst v11;
	v17 =	vadd.f32 v17, v12;
	v20 =	vmul.f32 v14, v3;
	v11 =	vld [tilespmem:s11+$0x20]  }
0x23d: {  	v14 =	vadd.f32 v16, v18;
	v13 =	vld [tilespmem:s12+$0x20]  }
0x23e: {  	s25 =	sadd.s32 $0x400, s25;
	v12 =	vld [tilespmem:s11+$0xFFFFFFC0];
	[tilespmem:s11+$0xFFFFFFE0] =	vst v17;
	v15 =	vadd.f32 v20, v15;
	v16 =	vmul.f32 v19, v3  }
0x23f: {  	_ =	sdelay $0x1  }
0x240: {  	v4 =	vadd.f32 v8, v10;
	s21 =	sadd.s32 $0x1, s21;
	v61 =	vmul.f32 v9, v3  }
0x241: {  	v62 =	vadd.f32 v16, v14;
	p0 =	sne.s32 s21, $0x10;
	v7 =	vadd.f32 v7, v11;
	v3 =	vmul.f32 v13, v3  }
.Ltmp7:
0x242: {  	[tilespmem:s24+$0xFFFFFFF0] =	vst v15;
	v4 =	vadd.f32 v61, v4;
	v5 =	vadd.f32 v5, v12;
	(pc) =	sbr.rel @p0 .LBB2_14-.Ltmp7, $4  }
0x243: {  	[tilespmem:s24+$0x0] =	vst v62;
	v3 =	vadd.f32 v3, v7  }
0x244: {  	[tilespmem:s24+$0x10] =	vst v4;
	v63 =	vadd.f32 v6, v5  }
0x245: {  	[tilespmem:s24+$0x20] =	vst v3  }
0x246: {  	s9 =	sadd.s32 $0x400, s9;
	s20 =	sadd.s32 $0x1, s20;
	[tilespmem:s24+$0xFFFFFFC0] =	vst v63  }
0x247: {  	s9 =	rddreg [dreg:$0x13]  }
0x248: {  	[hbm4b:s9+s2] =	stream.linear.scatter [tilespmem:s10], [sflag:$0x3], $0x4000, $0x38;
	[tilespmem:$0x1A200] =	vst v63  }
0x249: {  	_ =	swait.ge [sflag:s4], $0x4000  }
0x24a: {  	s8 =	sadd.s32 $0x1, s8;
	s25 =	rddreg [dreg:$0x1b]  }
0x24b: {  	p0 =	sne.s32 s8, s25  }
.Ltmp8:
0x24c: {  	_ = 	snop;
	(pc) =	sbr.rel @p0 .LBB2_1-.Ltmp8, $3  }
0x24d: {  	_ =	sdelay $0x1  }
0x24e: {  	[sflag:s4] =	ssyncset.done $0x0  }
0x24f: {  	[sflag:s4] =	ssyncadd.s32 $0xFFFFC000  }
0x250: {  	_ =	sfence.sel $0x180000  }
0x251: {  	[bflag:$0x0] =	sbarrier.arrive $0xFFFF  }
0x252: {  	_ =	strace $0x9000004A  }
0x253: {  	s0 =	stileid.u32;
	[bflag:$0x2] =	sbarrier.arrive $0xFFFF  }
0x254: {  	p0 =	sne.s32 s0, $0x0;
	s0 =	rddreg [dreg:$0x2]  }
0x255: {  	s0 =	sadd.s32 @!p0 $0x100000, s0  }
0x256: {  	[sflag:s0] =	ssyncadd.tile.s32 @!p0 $0x1;
	_ =	shalt  }
.Lfunc_end2:
_tile_overlayer_lowered:
.L_overlay_start_2:
0x257: {  	(tag) =	ssettag $0x2  }
0x258: {  	s0 =	rddreg [dreg:$0x0];
	s2 =	stileid.u32  }
0x259: {  	s1 =	rddreg [dreg:$0x1];
	p0 =	sne.s32 s2, $0x0  }
0x25a: {  	s3 =	rddreg [dreg:$0x2];
	[bflag:$0x3] =	sbarrier.arrive $0xFFFF;
	s2 =	simm.s32 @!p0 $0x1C03  }
0x25b: {  	[timem:s3], [sflag:s2] =	dma.local @!p0 [hbm:s0], s1  }
0x25c: {  	s0 =	simm.s32 @!p0 $0x3  }
0x25d: {  	_ =	swait.ge @!p0 [sflag:s0], s1  }
0x25e: {  	s1 =	ssub.s32 @!p0 $0x0, s1;
	[sflag:s0] =	ssyncset.done @!p0 $0x0  }
0x25f: {  	[sflag:s0] =	ssyncadd.s32 @!p0 s1  }
0x260: {  	[bflag:$0x3] =	sbarrier.arrive $0xFFFF  }
0x261: {  	_ =	shalt  }

// kernel: kernel.7.cloned.1.call-start
scs
__scs_entry_jumppad:
0x0: {  	(pc) =	sbr.rel $0x88, $3  }
0x1: {  	(tag) =	ssettag $0x0;
	lr =	simm.s32 $0x1  }
0x2: {  	[smem:$0x3F9B] =	sst lr;
	_ =	strace $0xD0000000  }
0x3: {  	_ = 	snop  }
0x4: {  	_ = 	snop  }
0x5: {  	_ = 	snop  }
0x6: {  	_ = 	snop  }
0x7: {  	_ = 	snop  }
__scs_overlays_trampoline_lowered:
0x8: {  	[smem:$0x3FAA] =	sst s0  }
0x9: {  	[smem:$0x3FAB] =	sst s1  }
0xa: {  	[smem:$0x3FAC] =	sst s2  }
0xb: {  	[smem:$0x3FAD] =	sst s3  }
0xc: {  	[smem:$0x3FAE] =	sst s4  }
0xd: {  	[smem:$0x3FAF] =	sst s5  }
0xe: {  	[smem:$0x3FB0] =	sst s6  }
0xf: {  	[smem:$0x3FB1] =	sst s7  }
0x10: {  	[smem:$0x3FB2] =	sst s8  }
0x11: {  	[smem:$0x3FB3] =	sst s9;
	s0 =	simm.s32 @!p0 $0x0  }
0x12: {  	s1 =	sld [smem:$0x3F99];
	s0 =	simm.s32 @p0 $0x1  }
0x13: {  	[smem:$0x3FB4] =	sst s0;
	s0 =	simm.s32 @!p1 $0x0  }
0x14: {  	s2 =	sld [smem:$0x3F98];
	s0 =	simm.s32 @p1 $0x1  }
0x15: {  	[smem:$0x3FB5] =	sst s0;
	s0 =	simm.s32 @!p2 $0x0  }
0x16: {  	s3 =	sld [smem:$0x3FDB];
	s0 =	simm.s32 @p2 $0x1  }
0x17: {  	s4 =	simm.s32 $0x1BF5;
	[smem:$0x3FB7] =	sst s0  }
0x18: {  	s0 =	sld [smem:$0x3F9A];
	_ =	swait.ge [sflag:s4], $0x0  }
0x19: {  	s7 =	sld [smem:$0x3F9B]  }
0x1a: {  	s8 =	sadd.s32 $0xFFFFE003, lr  }
0x1b: {  	s9 =	sadd.s32 $0xFFFFFEF7, lr;
	s5 =	simm.s32 $0xFFFFFFFF;
	p2 =	slt.u32 s8, $0xFFFFF086  }
0x1c: {  	p1 =	slt.u32 s9, $0xF7A;
	s5 =	simm.s32 @!p2 $0x0  }
0x1d: {  	s5 =	simm.s32 @p1 $0x1;
	p0 =	seq.s32 s7, s2  }
0x1e: {  	s7 =	smul.u32 @!p0 $0xF7A, s2;
	p2 =	seq.s32 @!p0 s5, $0x0  }
0x1f: {  	s9 =	smul.u32 $0xF7A, s1;
	s8 =	simm.s32 @!p0 $0x1BF5;
	p2 =	por !p2, p0  }
0x20: {  	[sflag:s8] =	ssyncset.s32 @!p0 $0xFFFFF086;
	s6 =	sadd.s32 @!p0 s3, s7;
	s7 =	simm.s32 @!p0 $0x108  }
0x21: {  	s3 =	sadd.s32 s3, s9;
	s6 =	sadd.s32 @!p0 $0x88, s6;
	s7 =	simm.s32 @p2 $0x1082  }
0x22: {  	[simem:s7], [sflag:s8] =	dma.local @!p0 [hbm:s6], $0xF7A  }
0x23: {  	s9 =	sor.u32 $0xD0000000, s2;
	s6 =	simm.s32 $0x108;
	_ =	swait.ge @!p0 [sflag:s8], $0x0  }
0x24: {  	s3 =	sadd.s32 $0x88, s3;
	s6 =	simm.s32 @!p1 $0x1082;
	[sflag:s4] =	ssyncset.s32 $0xFFFFF086  }
0x25: {  	[simem:s6], [sflag:s4] =	dma.local [hbm:s3], $0xF7A  }
0x26: {  	[smem:$0x3F9B] =	sst s1;
	(tag) =	ssettag s2;
	_ =	strace s9  }
0x27: {  	s1 =	sld [smem:$0x3FAB]  }
0x28: {  	s2 =	sld [smem:$0x3FAC]  }
0x29: {  	s4 =	sld [smem:$0x3FAE]  }
0x2a: {  	p0 =	seq.s32 s5, $0x0;
	s5 =	sld [smem:$0x3FAF]  }
0x2b: {  	s6 =	sld [smem:$0x3FB0]  }
0x2c: {  	s7 =	sld [smem:$0x3FB1]  }
0x2d: {  	s3 =	simm.s32 $0x108;
	s8 =	sld [smem:$0x3FB2]  }
0x2e: {  	s3 =	simm.s32 @!p0 $0x1082;
	s9 =	sld [smem:$0x3FB3]  }
0x2f: {  	lr =	sadd.s32 s0, s3;
	s0 =	sld [smem:$0x3FAA]  }
0x30: {  	s3 =	sld [smem:$0x3FAD]  }
0x31: {  	[smem:$0x3FB6] =	sst s10  }
0x32: {  	s10 =	sld [smem:$0x3FB4];
	_ =	sdelay $0x3  }
0x33: {  	p0 =	seq.s32 s10, $0x1;
	s10 =	sld [smem:$0x3FB6];
	_ =	sdelay $0x3  }
0x34: {  	[smem:$0x3FB6] =	sst s10  }
0x35: {  	s10 =	sld [smem:$0x3FB5];
	_ =	sdelay $0x3  }
0x36: {  	p1 =	seq.s32 s10, $0x1;
	s10 =	sld [smem:$0x3FB6];
	_ =	sdelay $0x3  }
0x37: {  	[smem:$0x3FB6] =	sst s10  }
0x38: {  	s10 =	sld [smem:$0x3FB7]  }
0x39: {  	_ = 	snop;
	(pc) =	sbr.ind lr, $3  }
0x3a: {  	_ = 	snop  }
0x3b: {  	_ = 	snop  }
0x3c: {  	p2 =	seq.s32 s10, $0x1;
	s10 =	sld [smem:$0x3FB6]  }
0x3d: {  	_ =	shalt  }
0x3e: {  	_ =	shalt  }
0x3f: {  	_ =	shalt  }
0x40: {  	_ =	shalt  }
0x41: {  	_ =	shalt  }
0x42: {  	_ =	shalt  }
0x43: {  	_ =	shalt  }
0x44: {  	_ =	shalt  }
0x45: {  	_ =	shalt  }
0x46: {  	_ =	shalt  }
0x47: {  	_ =	shalt  }
0x48: {  	_ =	shalt  }
0x49: {  	_ =	shalt  }
0x4a: {  	_ =	shalt  }
0x4b: {  	_ =	shalt  }
0x4c: {  	_ =	shalt  }
0x4d: {  	_ =	shalt  }
0x4e: {  	_ =	shalt  }
0x4f: {  	_ =	shalt  }
0x50: {  	_ =	shalt  }
0x51: {  	_ =	shalt  }
0x52: {  	_ =	shalt  }
0x53: {  	_ =	shalt  }
0x54: {  	_ =	shalt  }
0x55: {  	_ =	shalt  }
0x56: {  	_ =	shalt  }
0x57: {  	_ =	shalt  }
0x58: {  	_ =	shalt  }
0x59: {  	_ =	shalt  }
0x5a: {  	_ =	shalt  }
0x5b: {  	_ =	shalt  }
0x5c: {  	_ =	shalt  }
0x5d: {  	_ =	shalt  }
0x5e: {  	_ =	shalt  }
0x5f: {  	_ =	shalt  }
0x60: {  	_ =	shalt  }
0x61: {  	_ =	shalt  }
0x62: {  	_ =	shalt  }
0x63: {  	_ =	shalt  }
0x64: {  	_ =	shalt  }
0x65: {  	_ =	shalt  }
0x66: {  	_ =	shalt  }
0x67: {  	_ =	shalt  }
0x68: {  	_ =	shalt  }
0x69: {  	_ =	shalt  }
0x6a: {  	_ =	shalt  }
0x6b: {  	_ =	shalt  }
0x6c: {  	_ =	shalt  }
0x6d: {  	_ =	shalt  }
0x6e: {  	_ =	shalt  }
0x6f: {  	_ =	shalt  }
0x70: {  	_ =	shalt  }
0x71: {  	_ =	shalt  }
0x72: {  	_ =	shalt  }
0x73: {  	_ =	shalt  }
0x74: {  	_ =	shalt  }
0x75: {  	_ =	shalt  }
0x76: {  	_ =	shalt  }
0x77: {  	_ =	shalt  }
0x78: {  	_ =	shalt  }
0x79: {  	_ =	shalt  }
0x7a: {  	_ =	shalt  }
0x7b: {  	_ =	shalt  }
0x7c: {  	_ =	shalt  }
0x7d: {  	_ =	shalt  }
0x7e: {  	_ =	shalt  }
0x7f: {  	_ =	shalt  }
0x80: {  	_ =	shalt  }
0x81: {  	_ =	shalt  }
0x82: {  	_ =	shalt  }
0x83: {  	_ =	shalt  }
0x84: {  	_ =	shalt  }
0x85: {  	_ =	shalt  }
0x86: {  	_ =	shalt  }
0x87: {  	_ =	shalt  }
.Lfunc_end0:
.L_simem_size_0:
called_computation_lowered:
.L_overlay_start_0:
0x88: {  	s2 =	sld [smem:$0x3FD9]  }
0x89: {  	s3 =	sld [smem:$0x3FFE];
	_ =	sdelay $0x1  }
0x8a: {  	s1 =	srdreg.scid  }
0x8b: {  	s0 =	sand.u32 $0x1, s1  }
0x8c: {  	s17 =	sshll.u32 s0, $0xA;
	s2 =	sadd.s32 s3, s2  }
0x8d: {  	s2 =	sadd.s32 s2, s17  }
0x8e: {  	[smem:$0x3FC2] =	sst s2  }
0x8f: {  	_ = 	snop  }
0x90: {  	s2 =	sld [smem:$0x3FC9];
	(tm) =	ssettm $0x1  }
0x91: {  	s18 =	sld [smem:$0x3FFB];
	_ =	sdelay $0x3  }
0x92: {  	_ =	strace s18  }
0x93: {  	s3 =	sld [smem:$0x3FFC];
	_ =	sdelay $0x3  }
0x94: {  	_ =	strace s3  }
0x95: {  	s3 =	sld [smem:$0x3FFD];
	_ =	sdelay $0x3  }
0x96: {  	_ =	strace s3  }
0x97: {  	_ =	strace $0x8FFFFFFF  }
0x98: {  	s19 =	sld [smem:$0x3FDB];
	_ =	sdelay $0x1  }
0x99: {  	s4 =	simm.s32 $_scs_section_size  }
0x9a: {  	s5 =	simm.s32 $_size__tile_overlayer_lowered;
	s6 =	simm.s32 $_tile_overlayer_lowered  }
0x9b: {  	s22 =	simm.s32 $0x1BFF;
	s21 =	sshll.u32 s6, $0x1;
	s3 =	sadd.s32 s4, s19  }
0x9c: {  	s7 =	simm.s32 $0x0;
	s20 =	sshll.u32 s5, $0x1;
	s5 =	sadd.s32 s21, s3  }
0x9d: {  	[timem:s7], [sflag:s22] =	dma.local [hbm:s5], s20  }
0x9e: {  	_ =	swait.ge [sflag:s22], s20  }
0x9f: {  	s4 =	ssub.s32 $0x0, s20;
	[sflag:s22] =	ssyncset.done $0x0  }
0xa0: {  	[sflag:s22] =	ssyncadd.s32 s4;
	_ =	sdelay $0x1  }
0xa1: {  	s23 =	simm.s32 $0x1B8B  }
0xa2: {  	_ =	swait.ge [sflag:s23], $0x1  }
0xa3: {  	[sflag:s23] =	ssyncset.done $0x0  }
0xa4: {  	s25 =	simm.s32 $0x1B8E;
	s24 =	sld [smem:$0x3FFE];
	[sflag:s23] =	ssyncadd.s32 $0xFFFFFFFF  }
0xa5: {  	s26 =	simm.s32 $execute0_lowered;
	[smem:$0x3FD2] =	sst s25  }
0xa6: {  	s5 =	sshll.u32 s26, $0x1;
	_ =	strace $0x80000046;
	[dreg:$0x1] =	wrdreg $0xFFFFFFFF  }
0xa7: {  	s28 =	simm.s32 $_size_execute0_lowered;
	s3 =	sadd.s32 s3, s5;
	[dreg:$0x0] =	wrdreg $0x0  }
0xa8: {  	s5 =	sshll.u32 s28, $0x1;
	[dreg:$0x2] =	wrdreg s3  }
0xa9: {  	[dreg:$0x3] =	wrdreg s5  }
0xaa: {  	[dreg:$0x4] =	wrdreg $0xC0  }
0xab: {  	_ =	task [dreg:s7], $0x5FFFF  }
0xac: {  	[dreg:$0x1] =	wrdreg $0xFFFFFFFF  }
0xad: {  	[dreg:$0x0] =	wrdreg $0x60  }
0xae: {  	[dreg:$0x2] =	wrdreg s2  }
0xaf: {  	[dreg:$0x3] =	wrdreg s24  }
0xb0: {  	[dreg:$0x4] =	wrdreg $0x9  }
0xb1: {  	_ =	task.clear_ibuf [dreg:s7], $0x5FFFF;
	_ =	strace $0x90000046  }
0xb2: {  	s29 =	simm.s32 $0x9;
	_ =	strace $0x80000048  }
0xb3: {  	_ =	swait.ge [sflag:s29], $0x1  }
0xb4: {  	[sflag:s29] =	ssyncadd.s32 $0xFFFFFFFF  }
0xb5: {  	_ =	strace $0x90000048  }
0xb6: {  	_ =	sfence  }
0xb7: {  	s30 =	sld [smem:$0x0];
	_ =	sdelay $0x2  }
0xb8: {  	s31 =	sshll.u32 s1, $0xD;
	s1 =	sshrl.u32 s1, $0x2  }
0xb9: {  	s3 =	sand.u32 $0x4000, s31;
	s1 =	sadd.s32 s1, s30  }
0xba: {  	s0 =	sor.u32 s3, s0;
	s1 =	sshll.u32 s1, $0x11  }
0xbb: {  	s0 =	sor.u32 s1, s0  }
0xbc: {  	s0 =	sadd.s32 $0x8F2B, s0  }
0xbd: {  	[sflag:s0] =	ssyncadd.remote.s32 $0x1  }
0xbe: {  	_ =	sfence.sel $0xFFFF  }
0xbf: {  	[dreg:$0x0] =	wrdreg $0xFFFFFFFF;
	(pc) =	sbr.abs _section_cstart, $3  }
0xc0: {  	[dreg:$0x1] =	wrdreg $0xFFFFFFFF  }
0xc1: {  	_ =	task.clear_ibuf [dreg:s7], $0x2FFFF;
	_ =	strace $0x9FFFFFFF  }
0xc2: {  	(tm) =	ssettm $0x7FFFFFFF  }
0xc3: {  	_ =	shalt  }
tec
execute0_lowered:
.L_overlay_start_1:
0x0: {  	(tag) =	ssettag $0x1  }
0x1: {  	s1 =	srdreg.scid;
	s3 =	rddreg [dreg:$0x0]  }
0x2: {  	s0 =	stileid.u32;
	s7 =	rddreg [dreg:$0x1];
	s12 =	simm.s32 $0x4000  }
0x3: {  	s13 =	simm.s32 $0x8000;
	s14 =	simm.s32 $0x3;
	s15 =	simm.s32 $0x8080  }
0x4: {  	s16 =	simm.s32 $0x1;
	s17 =	simm.s32 $0x800;
	s18 =	simm.s32 $0x1000  }
0x5: {  	s28 =	simm.s32 $0x5800;
	s29 =	simm.s32 $0x6000;
	s30 =	simm.s32 $0x6800  }
0x6: {  	s31 =	simm.s32 $0x7000;
	s1 =	sand.u32 $0x1, s1;
	s2 =	sshll.u32 s0, $0x1  }
0x7: {  	s4 =	sor.u32 s1, s2;
	s2 =	simm.s32 $0x0;
	s1 =	ssub.s32 $0x2, s1  }
0x8: {  	s5 =	sshll.u32 s4, $0xD;
	[smem:$0x7FF] =	sst s2;
	s4 =	sshll.u32 s4, $0x7  }
0x9: {  	s6 =	sshrl.u32 s1, $0x1;
	s19 =	sadd.s32 s3, s5;
	_ =	strace $0x80000047  }
0xa: {  	s10 =	sadd.s32 s4, s7;
	s20 =	sadd.s32 $0x800, s19;
	[dreg:$0xb] =	wrdreg s19  }
0xb: {  	s4 =	sadd.s32 $0x12000, s7;
	s21 =	sadd.s32 $0x11000, s10;
	[dreg:$0x3] =	wrdreg s20  }
0xc: {  	s1 =	ssub.s32 s1, s6;
	s22 =	sadd.s32 $0x11010, s10;
	[dreg:$0x4] =	wrdreg s21  }
0xd: {  	s5 =	sadd.s32 $0x12100, s7;
	s23 =	sadd.s32 $0x1000, s19;
	[dreg:$0x5] =	wrdreg s22  }
0xe: {  	s6 =	sadd.s32 $0x12200, s7;
	s24 =	sadd.s32 $0x11020, s10;
	[dreg:$0x6] =	wrdreg s23  }
0xf: {  	s7 =	sadd.s32 $0x12300, s7;
	s25 =	sadd.s32 $0x11030, s10;
	[dreg:$0x7] =	wrdreg s24  }
0x10: {  	s26 =	sadd.s32 $0x1800, s19;
	s8 =	sadd.s32 $0x11040, s10;
	[dreg:$0x8] =	wrdreg s25  }
0x11: {  	s9 =	sadd.s32 $0x11060, s10;
	s11 =	smax.u32 s1, $0x1;
	[dreg:$0x9] =	wrdreg s26  }
0x12: {  	s19 =	simm.s32 $0x1800;
	s1 =	simm.s32 $0x7800;
	[dreg:$0xa] =	wrdreg s8  }
0x13: {  	v2 =	vlaneseq.u32;
	s8 =	sadd.s32 $0x11050, s10;
	s10 =	sadd.s32 $0x11070, s10;
	s20 =	simm.s32 $0x2000  }
0x14: {  	vm0 =	vmmov $0xffff;
	v1 =	vshrl.u32 v2, $0x3;
	s21 =	simm.s32 $0x2800;
	s22 =	simm.s32 $0x3000;
	s23 =	simm.s32 $0x3800  }
0x15: {  	v0 =	vand.u32 $0x7, v2;
	v2 =	vor.u32 $0x8, v2;
	v1 =	vmul.u32 $0x8, v1;
	s24 =	simm.s32 $0x2;
	s25 =	simm.s32 $0x4800;
	s26 =	simm.s32 $0x5000  }
.LBB2_1:
0x16: {  	s3 =	rddreg [dreg:$0xb]  }
0x17: {  	[tilespmem:s2], [sflag:$0x1] =	stream.linear.gather [hbm4b:s3+s2], $0x4000, $0x38;
	[tilespmem:$0x8100] =	vst v63  }
0x18: {  	s0 =	rddreg [dreg:$0x3]  }
0x19: {  	[tilespmem:s12], [sflag:$0x1] =	stream.linear.gather [hbm4b:s0+s2], $0x4000, $0x38;
	[tilespmem:$0x8100] =	vst v63  }
0x1a: {  	s3 =	rddreg [dreg:$0x4]  }
0x1b: {  	[tilespmem:s13], [sflag:$0x3] =	stream.linear.gather [hbm4b:s3+s2], $0x80, $0x38;
	[tilespmem:$0x8100] =	vst v63  }
0x1c: {  	_ =	swait.ge [sflag:s14], $0x80  }
0x1d: {  	[sflag:s14] =	ssyncset.done $0x0  }
0x1e: {  	s3 =	rddreg [dreg:$0x5];
	[sflag:s14] =	ssyncadd.s32 $0xFFFFFF80  }
0x1f: {  	[tilespmem:s15], [sflag:$0x3] =	stream.linear.gather [hbm4b:s3+s2], $0x80, $0x38;
	[tilespmem:$0x8100] =	vst v63  }
0x20: {  	_ =	swait.ge [sflag:s14], $0x80  }
0x21: {  	[sflag:s14] =	ssyncset.done $0x0  }
0x22: {  	[sflag:s14] =	ssyncadd.s32 $0xFFFFFF80  }
0x23: {  	_ =	swait.ge [sflag:s16], $0x4000  }
0x24: {  	[sflag:s16] =	ssyncset.done $0x0  }
0x25: {  	[sflag:s16] =	ssyncadd.s32 $0xFFFFC000  }
0x26: {  	v3 =	vld [tilespmem:$0x8000];
	_ =	sdelay $0x4  }
0x27: {  	v4 =	vshll.u32 v3, $0x3  }
0x28: {  	v3 =	vand.u32 $0x7, v3;
	v4 =	vand.u32 $0xFFFFFFC0, v4  }
0x29: {  	v3 =	vor.u32 v3, v4  }
0x2a: {  	v4 =	vperm.xlane v3, v0;
	_ =	sdelay $0x1  }
0x2b: {  	v4 =	vadd.s32 v1, v4;
	_ =	sdelay $0x4  }
0x2c: {  	[hbm4b:s4+s2] =	stream.indirect_vreg.scatter [tilespmem:s2], [sflag:$0x2], $0x80, v4, vm0, $0xb8;
	[tilespmem:$0x8100] =	vst v63  }
0x2d: {  	v3 =	vperm.xlane v3, v2  }
0x2e: {  	[hbm4b:s5+s2] =	stream.indirect_vreg.scatter [tilespmem:s17], [sflag:$0x2], $0x80, v4, vm0, $0xb8;
	[tilespmem:$0x8100] =	vst v63  }
0x2f: {  	v3 =	vadd.s32 v1, v3  }
0x30: {  	[hbm4b:s6+s2] =	stream.indirect_vreg.scatter [tilespmem:s18], [sflag:$0x2], $0x80, v4, vm0, $0xb8;
	[tilespmem:$0x8100] =	vst v63  }
0x31: {  	_ = 	snop  }
0x32: {  	[hbm4b:s7+s2] =	stream.indirect_vreg.scatter [tilespmem:s19], [sflag:$0x2], $0x80, v4, vm0, $0xb8;
	[tilespmem:$0x8100] =	vst v63  }
0x33: {  	_ = 	snop  }
0x34: {  	[hbm4b:s4+s2] =	stream.indirect_vreg.scatter [tilespmem:s20], [sflag:$0x2], $0x80, v3, vm0, $0xb8;
	[tilespmem:$0x8100] =	vst v63  }
0x35: {  	_ = 	snop  }
0x36: {  	[hbm4b:s5+s2] =	stream.indirect_vreg.scatter [tilespmem:s21], [sflag:$0x2], $0x80, v3, vm0, $0xb8;
	[tilespmem:$0x8100] =	vst v63  }
0x37: {  	_ = 	snop  }
0x38: {  	[hbm4b:s6+s2] =	stream.indirect_vreg.scatter [tilespmem:s22], [sflag:$0x2], $0x80, v3, vm0, $0xb8;
	[tilespmem:$0x8100] =	vst v63  }
0x39: {  	_ = 	snop  }
0x3a: {  	[hbm4b:s7+s2] =	stream.indirect_vreg.scatter [tilespmem:s23], [sflag:$0x2], $0x80, v3, vm0, $0xb8;
	[tilespmem:$0x8100] =	vst v63  }
0x3b: {  	v3 =	vld [tilespmem:$0x8080];
	_ =	sdelay $0x4  }
0x3c: {  	v57 =	vshll.u32 v3, $0x3  }
0x3d: {  	v3 =	vand.u32 $0x7, v3;
	v4 =	vand.u32 $0xFFFFFFC0, v57  }
0x3e: {  	v3 =	vor.u32 v3, v4  }
0x3f: {  	v4 =	vperm.xlane v3, v0;
	_ =	sdelay $0x1  }
0x40: {  	v4 =	vadd.s32 v1, v4;
	_ =	sdelay $0x4  }
0x41: {  	[hbm4b:s4+s2] =	stream.indirect_vreg.scatter [tilespmem:s2], [sflag:$0x2], $0x80, v4, vm0, $0xb8;
	[tilespmem:$0x8100] =	vst v63  }
0x42: {  	v3 =	vperm.xlane v3, v2  }
0x43: {  	[hbm4b:s5+s2] =	stream.indirect_vreg.scatter [tilespmem:s17], [sflag:$0x2], $0x80, v4, vm0, $0xb8;
	[tilespmem:$0x8100] =	vst v63  }
0x44: {  	v3 =	vadd.s32 v1, v3  }
0x45: {  	[hbm4b:s6+s2] =	stream.indirect_vreg.scatter [tilespmem:s18], [sflag:$0x2], $0x80, v4, vm0, $0xb8;
	[tilespmem:$0x8100] =	vst v63  }
0x46: {  	_ = 	snop  }
0x47: {  	[hbm4b:s7+s2] =	stream.indirect_vreg.scatter [tilespmem:s19], [sflag:$0x2], $0x80, v4, vm0, $0xb8;
	[tilespmem:$0x8100] =	vst v63  }
0x48: {  	_ = 	snop  }
0x49: {  	[hbm4b:s4+s2] =	stream.indirect_vreg.scatter [tilespmem:s20], [sflag:$0x2], $0x80, v3, vm0, $0xb8;
	[tilespmem:$0x8100] =	vst v63  }
0x4a: {  	_ = 	snop  }
0x4b: {  	[hbm4b:s5+s2] =	stream.indirect_vreg.scatter [tilespmem:s21], [sflag:$0x2], $0x80, v3, vm0, $0xb8;
	[tilespmem:$0x8100] =	vst v63  }
0x4c: {  	_ = 	snop  }
0x4d: {  	[hbm4b:s6+s2] =	stream.indirect_vreg.scatter [tilespmem:s22], [sflag:$0x2], $0x80, v3, vm0, $0xb8;
	[tilespmem:$0x8100] =	vst v63  }
0x4e: {  	_ = 	snop  }
0x4f: {  	[hbm4b:s7+s2] =	stream.indirect_vreg.scatter [tilespmem:s23], [sflag:$0x2], $0x80, v3, vm0, $0xb8;
	[tilespmem:$0x8100] =	vst v63  }
0x50: {  	_ =	swait.ge [sflag:s24], $0x4000  }
0x51: {  	[sflag:s24] =	ssyncset.done $0x0  }
0x52: {  	[sflag:s24] =	ssyncadd.s32 $0xFFFFC000  }
0x53: {  	_ =	swait.ge [sflag:s24], $0x4000  }
0x54: {  	[sflag:s24] =	ssyncset.done $0x0  }
0x55: {  	s0 =	rddreg [dreg:$0x6];
	[sflag:s24] =	ssyncadd.s32 $0xFFFFC000  }
0x56: {  	[tilespmem:s2], [sflag:$0x1] =	stream.linear.gather [hbm4b:s0+s2], $0x4000, $0x38;
	[tilespmem:$0x8100] =	vst v63  }
0x57: {  	s3 =	rddreg [dreg:$0x7]  }
0x58: {  	[tilespmem:s13], [sflag:$0x3] =	stream.linear.gather [hbm4b:s3+s2], $0x80, $0x38;
	[tilespmem:$0x8100] =	vst v63  }
0x59: {  	_ =	swait.ge [sflag:s14], $0x80  }
0x5a: {  	[sflag:s14] =	ssyncset.done $0x0  }
0x5b: {  	s3 =	rddreg [dreg:$0x8];
	[sflag:s14] =	ssyncadd.s32 $0xFFFFFF80  }
0x5c: {  	[tilespmem:s15], [sflag:$0x3] =	stream.linear.gather [hbm4b:s3+s2], $0x80, $0x38;
	[tilespmem:$0x8100] =	vst v63  }
0x5d: {  	_ =	swait.ge [sflag:s14], $0x80  }
0x5e: {  	[sflag:s14] =	ssyncset.done $0x0  }
0x5f: {  	[sflag:s14] =	ssyncadd.s32 $0xFFFFFF80  }
0x60: {  	_ =	swait.ge [sflag:s16], $0x4000  }
0x61: {  	[sflag:s16] =	ssyncset.done $0x0  }
0x62: {  	[sflag:s16] =	ssyncadd.s32 $0xFFFFC000  }
0x63: {  	v3 =	vld [tilespmem:$0x8000];
	_ =	sdelay $0x4  }
0x64: {  	v58 =	vshll.u32 v3, $0x3  }
0x65: {  	v3 =	vand.u32 $0x7, v3;
	v4 =	vand.u32 $0xFFFFFFC0, v58  }
0x66: {  	v3 =	vor.u32 v3, v4  }
0x67: {  	v4 =	vperm.xlane v3, v0;
	_ =	sdelay $0x1  }
0x68: {  	v4 =	vadd.s32 v1, v4;
	_ =	sdelay $0x4  }
0x69: {  	[hbm4b:s4+s2] =	stream.indirect_vreg.scatter [tilespmem:s12], [sflag:$0x2], $0x80, v4, vm0, $0xb8;
	[tilespmem:$0x8100] =	vst v63  }
0x6a: {  	v3 =	vperm.xlane v3, v2  }
0x6b: {  	[hbm4b:s5+s2] =	stream.indirect_vreg.scatter [tilespmem:s25], [sflag:$0x2], $0x80, v4, vm0, $0xb8;
	[tilespmem:$0x8100] =	vst v63  }
0x6c: {  	v3 =	vadd.s32 v1, v3  }
0x6d: {  	[hbm4b:s6+s2] =	stream.indirect_vreg.scatter [tilespmem:s26], [sflag:$0x2], $0x80, v4, vm0, $0xb8;
	[tilespmem:$0x8100] =	vst v63  }
0x6e: {  	_ = 	snop  }
0x6f: {  	[hbm4b:s7+s2] =	stream.indirect_vreg.scatter [tilespmem:s28], [sflag:$0x2], $0x80, v4, vm0, $0xb8;
	[tilespmem:$0x8100] =	vst v63  }
0x70: {  	_ = 	snop  }
0x71: {  	[hbm4b:s4+s2] =	stream.indirect_vreg.scatter [tilespmem:s29], [sflag:$0x2], $0x80, v3, vm0, $0xb8;
	[tilespmem:$0x8100] =	vst v63  }
0x72: {  	_ = 	snop  }
0x73: {  	[hbm4b:s5+s2] =	stream.indirect_vreg.scatter [tilespmem:s30], [sflag:$0x2], $0x80, v3, vm0, $0xb8;
	[tilespmem:$0x8100] =	vst v63  }
0x74: {  	_ = 	snop  }
0x75: {  	[hbm4b:s6+s2] =	stream.indirect_vreg.scatter [tilespmem:s31], [sflag:$0x2], $0x80, v3, vm0, $0xb8;
	[tilespmem:$0x8100] =	vst v63  }
0x76: {  	_ = 	snop  }
0x77: {  	[hbm4b:s7+s2] =	stream.indirect_vreg.scatter [tilespmem:s1], [sflag:$0x2], $0x80, v3, vm0, $0xb8;
	[tilespmem:$0x8100] =	vst v63  }
0x78: {  	v3 =	vld [tilespmem:$0x8080];
	_ =	sdelay $0x4  }
0x79: {  	v59 =	vshll.u32 v3, $0x3  }
0x7a: {  	v3 =	vand.u32 $0x7, v3;
	v4 =	vand.u32 $0xFFFFFFC0, v59  }
0x7b: {  	v3 =	vor.u32 v3, v4  }
0x7c: {  	v4 =	vperm.xlane v3, v0;
	_ =	sdelay $0x1  }
0x7d: {  	v4 =	vadd.s32 v1, v4;
	_ =	sdelay $0x4  }
0x7e: {  	[hbm4b:s4+s2] =	stream.indirect_vreg.scatter [tilespmem:s12], [sflag:$0x2], $0x80, v4, vm0, $0xb8;
	[tilespmem:$0x8100] =	vst v63  }
0x7f: {  	v3 =	vperm.xlane v3, v2  }
0x80: {  	[hbm4b:s5+s2] =	stream.indirect_vreg.scatter [tilespmem:s25], [sflag:$0x2], $0x80, v4, vm0, $0xb8;
	[tilespmem:$0x8100] =	vst v63  }
0x81: {  	v3 =	vadd.s32 v1, v3  }
0x82: {  	[hbm4b:s6+s2] =	stream.indirect_vreg.scatter [tilespmem:s26], [sflag:$0x2], $0x80, v4, vm0, $0xb8;
	[tilespmem:$0x8100] =	vst v63  }
0x83: {  	_ = 	snop  }
0x84: {  	[hbm4b:s7+s2] =	stream.indirect_vreg.scatter [tilespmem:s28], [sflag:$0x2], $0x80, v4, vm0, $0xb8;
	[tilespmem:$0x8100] =	vst v63  }
0x85: {  	_ = 	snop  }
0x86: {  	[hbm4b:s4+s2] =	stream.indirect_vreg.scatter [tilespmem:s29], [sflag:$0x2], $0x80, v3, vm0, $0xb8;
	[tilespmem:$0x8100] =	vst v63  }
0x87: {  	_ = 	snop  }
0x88: {  	[hbm4b:s5+s2] =	stream.indirect_vreg.scatter [tilespmem:s30], [sflag:$0x2], $0x80, v3, vm0, $0xb8;
	[tilespmem:$0x8100] =	vst v63  }
0x89: {  	_ = 	snop  }
0x8a: {  	[hbm4b:s6+s2] =	stream.indirect_vreg.scatter [tilespmem:s31], [sflag:$0x2], $0x80, v3, vm0, $0xb8;
	[tilespmem:$0x8100] =	vst v63  }
0x8b: {  	_ = 	snop  }
0x8c: {  	[hbm4b:s7+s2] =	stream.indirect_vreg.scatter [tilespmem:s1], [sflag:$0x2], $0x80, v3, vm0, $0xb8;
	[tilespmem:$0x8100] =	vst v63  }
0x8d: {  	_ =	swait.ge [sflag:s24], $0x4000  }
0x8e: {  	[sflag:s24] =	ssyncset.done $0x0  }
0x8f: {  	[sflag:s24] =	ssyncadd.s32 $0xFFFFC000  }
0x90: {  	_ =	swait.ge [sflag:s24], $0x4000  }
0x91: {  	[sflag:s24] =	ssyncset.done $0x0  }
0x92: {  	s0 =	rddreg [dreg:$0x9];
	[sflag:s24] =	ssyncadd.s32 $0xFFFFC000  }
0x93: {  	[tilespmem:s12], [sflag:$0x1] =	stream.linear.gather [hbm4b:s0+s2], $0x4000, $0x38;
	[tilespmem:$0x8100] =	vst v63  }
0x94: {  	s3 =	rddreg [dreg:$0xa]  }
0x95: {  	[tilespmem:s13], [sflag:$0x3] =	stream.linear.gather [hbm4b:s3+s2], $0x80, $0x38;
	[tilespmem:$0x8100] =	vst v63  }
0x96: {  	_ =	swait.ge [sflag:s14], $0x80  }
0x97: {  	[sflag:s14] =	ssyncset.done $0x0  }
0x98: {  	[sflag:s14] =	ssyncadd.s32 $0xFFFFFF80  }
0x99: {  	[tilespmem:s15], [sflag:$0x3] =	stream.linear.gather [hbm4b:s8+s2], $0x80, $0x38;
	[tilespmem:$0x8100] =	vst v63  }
0x9a: {  	_ =	swait.ge [sflag:s14], $0x80  }
0x9b: {  	[sflag:s14] =	ssyncset.done $0x0  }
0x9c: {  	[sflag:s14] =	ssyncadd.s32 $0xFFFFFF80  }
0x9d: {  	_ =	swait.ge [sflag:s16], $0x4000  }
0x9e: {  	[sflag:s16] =	ssyncset.done $0x0  }
0x9f: {  	[sflag:s16] =	ssyncadd.s32 $0xFFFFC000  }
0xa0: {  	v3 =	vld [tilespmem:$0x8000];
	_ =	sdelay $0x4  }
0xa1: {  	v60 =	vshll.u32 v3, $0x3  }
0xa2: {  	v3 =	vand.u32 $0x7, v3;
	v4 =	vand.u32 $0xFFFFFFC0, v60  }
0xa3: {  	v3 =	vor.u32 v3, v4  }
0xa4: {  	v4 =	vperm.xlane v3, v0;
	_ =	sdelay $0x1  }
0xa5: {  	v4 =	vadd.s32 v1, v4;
	_ =	sdelay $0x4  }
0xa6: {  	[hbm4b:s4+s2] =	stream.indirect_vreg.scatter [tilespmem:s2], [sflag:$0x2], $0x80, v4, vm0, $0xb8;
	[tilespmem:$0x8100] =	vst v63  }
0xa7: {  	v3 =	vperm.xlane v3, v2  }
0xa8: {  	[hbm4b:s5+s2] =	stream.indirect_vreg.scatter [tilespmem:s17], [sflag:$0x2], $0x80, v4, vm0, $0xb8;
	[tilespmem:$0x8100] =	vst v63  }
0xa9: {  	v3 =	vadd.s32 v1, v3  }
0xaa: {  	[hbm4b:s6+s2] =	stream.indirect_vreg.scatter [tilespmem:s18], [sflag:$0x2], $0x80, v4, vm0, $0xb8;
	[tilespmem:$0x8100] =	vst v63  }
0xab: {  	_ = 	snop  }
0xac: {  	[hbm4b:s7+s2] =	stream.indirect_vreg.scatter [tilespmem:s19], [sflag:$0x2], $0x80, v4, vm0, $0xb8;
	[tilespmem:$0x8100] =	vst v63  }
0xad: {  	_ = 	snop  }
0xae: {  	[hbm4b:s4+s2] =	stream.indirect_vreg.scatter [tilespmem:s20], [sflag:$0x2], $0x80, v3, vm0, $0xb8;
	[tilespmem:$0x8100] =	vst v63  }
0xaf: {  	_ = 	snop  }
0xb0: {  	[hbm4b:s5+s2] =	stream.indirect_vreg.scatter [tilespmem:s21], [sflag:$0x2], $0x80, v3, vm0, $0xb8;
	[tilespmem:$0x8100] =	vst v63  }
0xb1: {  	_ = 	snop  }
0xb2: {  	[hbm4b:s6+s2] =	stream.indirect_vreg.scatter [tilespmem:s22], [sflag:$0x2], $0x80, v3, vm0, $0xb8;
	[tilespmem:$0x8100] =	vst v63  }
0xb3: {  	_ = 	snop  }
0xb4: {  	[hbm4b:s7+s2] =	stream.indirect_vreg.scatter [tilespmem:s23], [sflag:$0x2], $0x80, v3, vm0, $0xb8;
	[tilespmem:$0x8100] =	vst v63  }
0xb5: {  	v3 =	vld [tilespmem:$0x8080];
	_ =	sdelay $0x4  }
0xb6: {  	v61 =	vshll.u32 v3, $0x3  }
0xb7: {  	v3 =	vand.u32 $0x7, v3;
	v4 =	vand.u32 $0xFFFFFFC0, v61  }
0xb8: {  	v3 =	vor.u32 v3, v4  }
0xb9: {  	v4 =	vperm.xlane v3, v0;
	_ =	sdelay $0x1  }
0xba: {  	v4 =	vadd.s32 v1, v4;
	_ =	sdelay $0x4  }
0xbb: {  	[hbm4b:s4+s2] =	stream.indirect_vreg.scatter [tilespmem:s2], [sflag:$0x2], $0x80, v4, vm0, $0xb8;
	[tilespmem:$0x8100] =	vst v63  }
0xbc: {  	v3 =	vperm.xlane v3, v2  }
0xbd: {  	[hbm4b:s5+s2] =	stream.indirect_vreg.scatter [tilespmem:s17], [sflag:$0x2], $0x80, v4, vm0, $0xb8;
	[tilespmem:$0x8100] =	vst v63  }
0xbe: {  	v3 =	vadd.s32 v1, v3  }
0xbf: {  	[hbm4b:s6+s2] =	stream.indirect_vreg.scatter [tilespmem:s18], [sflag:$0x2], $0x80, v4, vm0, $0xb8;
	[tilespmem:$0x8100] =	vst v63  }
0xc0: {  	_ = 	snop  }
0xc1: {  	[hbm4b:s7+s2] =	stream.indirect_vreg.scatter [tilespmem:s19], [sflag:$0x2], $0x80, v4, vm0, $0xb8;
	[tilespmem:$0x8100] =	vst v63  }
0xc2: {  	_ = 	snop  }
0xc3: {  	[hbm4b:s4+s2] =	stream.indirect_vreg.scatter [tilespmem:s20], [sflag:$0x2], $0x80, v3, vm0, $0xb8;
	[tilespmem:$0x8100] =	vst v63  }
0xc4: {  	_ = 	snop  }
0xc5: {  	[hbm4b:s5+s2] =	stream.indirect_vreg.scatter [tilespmem:s21], [sflag:$0x2], $0x80, v3, vm0, $0xb8;
	[tilespmem:$0x8100] =	vst v63  }
0xc6: {  	_ = 	snop  }
0xc7: {  	[hbm4b:s6+s2] =	stream.indirect_vreg.scatter [tilespmem:s22], [sflag:$0x2], $0x80, v3, vm0, $0xb8;
	[tilespmem:$0x8100] =	vst v63  }
0xc8: {  	_ = 	snop  }
0xc9: {  	[hbm4b:s7+s2] =	stream.indirect_vreg.scatter [tilespmem:s23], [sflag:$0x2], $0x80, v3, vm0, $0xb8;
	[tilespmem:$0x8100] =	vst v63  }
0xca: {  	_ =	swait.ge [sflag:s24], $0x4000  }
0xcb: {  	[sflag:s24] =	ssyncset.done $0x0  }
0xcc: {  	[sflag:s24] =	ssyncadd.s32 $0xFFFFC000  }
0xcd: {  	_ =	swait.ge [sflag:s24], $0x4000  }
0xce: {  	[sflag:s24] =	ssyncset.done $0x0  }
0xcf: {  	[sflag:s24] =	ssyncadd.s32 $0xFFFFC000  }
0xd0: {  	[tilespmem:s13], [sflag:$0x3] =	stream.linear.gather [hbm4b:s9+s2], $0x80, $0x38;
	[tilespmem:$0x8100] =	vst v63  }
0xd1: {  	_ =	swait.ge [sflag:s14], $0x80  }
0xd2: {  	[sflag:s14] =	ssyncset.done $0x0  }
0xd3: {  	[sflag:s14] =	ssyncadd.s32 $0xFFFFFF80  }
0xd4: {  	[tilespmem:s15], [sflag:$0x3] =	stream.linear.gather [hbm4b:s10+s2], $0x80, $0x38;
	[tilespmem:$0x8100] =	vst v63  }
0xd5: {  	_ =	swait.ge [sflag:s14], $0x80  }
0xd6: {  	[sflag:s14] =	ssyncset.done $0x0  }
0xd7: {  	[sflag:s14] =	ssyncadd.s32 $0xFFFFFF80  }
0xd8: {  	_ =	swait.ge [sflag:s16], $0x4000  }
0xd9: {  	[sflag:s16] =	ssyncset.done $0x0  }
0xda: {  	[sflag:s16] =	ssyncadd.s32 $0xFFFFC000  }
0xdb: {  	v3 =	vld [tilespmem:$0x8000];
	_ =	sdelay $0x4  }
0xdc: {  	v62 =	vshll.u32 v3, $0x3  }
0xdd: {  	v3 =	vand.u32 $0x7, v3;
	v4 =	vand.u32 $0xFFFFFFC0, v62  }
0xde: {  	v3 =	vor.u32 v3, v4  }
0xdf: {  	v4 =	vperm.xlane v3, v0;
	_ =	sdelay $0x1  }
0xe0: {  	v4 =	vadd.s32 v1, v4;
	_ =	sdelay $0x4  }
0xe1: {  	[hbm4b:s4+s2] =	stream.indirect_vreg.scatter [tilespmem:s12], [sflag:$0x2], $0x80, v4, vm0, $0xb8;
	[tilespmem:$0x8100] =	vst v63  }
0xe2: {  	v3 =	vperm.xlane v3, v2  }
0xe3: {  	[hbm4b:s5+s2] =	stream.indirect_vreg.scatter [tilespmem:s25], [sflag:$0x2], $0x80, v4, vm0, $0xb8;
	[tilespmem:$0x8100] =	vst v63  }
0xe4: {  	v3 =	vadd.s32 v1, v3  }
0xe5: {  	[hbm4b:s6+s2] =	stream.indirect_vreg.scatter [tilespmem:s26], [sflag:$0x2], $0x80, v4, vm0, $0xb8;
	[tilespmem:$0x8100] =	vst v63  }
0xe6: {  	_ = 	snop  }
0xe7: {  	[hbm4b:s7+s2] =	stream.indirect_vreg.scatter [tilespmem:s28], [sflag:$0x2], $0x80, v4, vm0, $0xb8;
	[tilespmem:$0x8100] =	vst v63  }
0xe8: {  	_ = 	snop  }
0xe9: {  	[hbm4b:s4+s2] =	stream.indirect_vreg.scatter [tilespmem:s29], [sflag:$0x2], $0x80, v3, vm0, $0xb8;
	[tilespmem:$0x8100] =	vst v63  }
0xea: {  	_ = 	snop  }
0xeb: {  	[hbm4b:s5+s2] =	stream.indirect_vreg.scatter [tilespmem:s30], [sflag:$0x2], $0x80, v3, vm0, $0xb8;
	[tilespmem:$0x8100] =	vst v63  }
0xec: {  	_ = 	snop  }
0xed: {  	[hbm4b:s6+s2] =	stream.indirect_vreg.scatter [tilespmem:s31], [sflag:$0x2], $0x80, v3, vm0, $0xb8;
	[tilespmem:$0x8100] =	vst v63  }
0xee: {  	_ = 	snop  }
0xef: {  	[hbm4b:s7+s2] =	stream.indirect_vreg.scatter [tilespmem:s1], [sflag:$0x2], $0x80, v3, vm0, $0xb8;
	[tilespmem:$0x8100] =	vst v63  }
0xf0: {  	v3 =	vld [tilespmem:$0x8080];
	_ =	sdelay $0x4  }
0xf1: {  	v63 =	vshll.u32 v3, $0x3  }
0xf2: {  	v3 =	vand.u32 $0x7, v3;
	v4 =	vand.u32 $0xFFFFFFC0, v63  }
0xf3: {  	v3 =	vor.u32 v3, v4  }
0xf4: {  	v4 =	vperm.xlane v3, v0;
	_ =	sdelay $0x1  }
0xf5: {  	v4 =	vadd.s32 v1, v4;
	_ =	sdelay $0x4  }
0xf6: {  	[hbm4b:s4+s2] =	stream.indirect_vreg.scatter [tilespmem:s12], [sflag:$0x2], $0x80, v4, vm0, $0xb8;
	[tilespmem:$0x8100] =	vst v63  }
0xf7: {  	v3 =	vperm.xlane v3, v2  }
0xf8: {  	[hbm4b:s5+s2] =	stream.indirect_vreg.scatter [tilespmem:s25], [sflag:$0x2], $0x80, v4, vm0, $0xb8;
	[tilespmem:$0x8100] =	vst v63  }
0xf9: {  	v3 =	vadd.s32 v1, v3  }
0xfa: {  	[hbm4b:s6+s2] =	stream.indirect_vreg.scatter [tilespmem:s26], [sflag:$0x2], $0x80, v4, vm0, $0xb8;
	[tilespmem:$0x8100] =	vst v63  }
0xfb: {  	_ = 	snop  }
0xfc: {  	[hbm4b:s7+s2] =	stream.indirect_vreg.scatter [tilespmem:s28], [sflag:$0x2], $0x80, v4, vm0, $0xb8;
	[tilespmem:$0x8100] =	vst v63  }
0xfd: {  	_ = 	snop  }
0xfe: {  	[hbm4b:s4+s2] =	stream.indirect_vreg.scatter [tilespmem:s29], [sflag:$0x2], $0x80, v3, vm0, $0xb8;
	[tilespmem:$0x8100] =	vst v63  }
0xff: {  	_ = 	snop  }
0x100: {  	[hbm4b:s5+s2] =	stream.indirect_vreg.scatter [tilespmem:s30], [sflag:$0x2], $0x80, v3, vm0, $0xb8;
	[tilespmem:$0x8100] =	vst v63  }
0x101: {  	_ = 	snop  }
0x102: {  	[hbm4b:s6+s2] =	stream.indirect_vreg.scatter [tilespmem:s31], [sflag:$0x2], $0x80, v3, vm0, $0xb8;
	[tilespmem:$0x8100] =	vst v63  }
0x103: {  	_ = 	snop  }
0x104: {  	[hbm4b:s7+s2] =	stream.indirect_vreg.scatter [tilespmem:s1], [sflag:$0x2], $0x80, v3, vm0, $0xb8;
	[tilespmem:$0x8100] =	vst v63  }
0x105: {  	p0 =	sne.s32 s11, $0x1;
	_ =	swait.ge [sflag:s24], $0x4000  }
.Ltmp0:
0x106: {  	[sflag:s24] =	ssyncset.done $0x0;
	(pc) =	sbr.rel @p0 .LBB2_1-.Ltmp0, $4  }
0x107: {  	[sflag:s24] =	ssyncadd.s32 $0xFFFFC000  }
0x108: {  	_ =	swait.ge [sflag:s24], $0x4000  }
0x109: {  	[sflag:s24] =	ssyncset.done $0x0  }
0x10a: {  	s11 =	sadd.s32 $0xFFFFFFFF, s11;
	[sflag:s24] =	ssyncadd.s32 $0xFFFFC000  }
0x10b: {  	_ =	sfence.sel $0x180000  }
0x10c: {  	[bflag:$0x0] =	sbarrier.arrive $0xFFFF  }
0x10d: {  	_ =	strace $0x90000047  }
0x10e: {  	s0 =	stileid.u32;
	[bflag:$0x2] =	sbarrier.arrive $0xFFFF  }
0x10f: {  	p0 =	sne.s32 s0, $0x0;
	s0 =	rddreg [dreg:$0x2]  }
0x110: {  	s0 =	sadd.s32 @!p0 $0x100000, s0  }
0x111: {  	[sflag:s0] =	ssyncadd.tile.s32 @!p0 $0x1;
	_ =	shalt  }
.Lfunc_end2:
_tile_overlayer_lowered:
.L_overlay_start_2:
0x112: {  	(tag) =	ssettag $0x2  }
0x113: {  	s0 =	rddreg [dreg:$0x0];
	s2 =	stileid.u32  }
0x114: {  	s1 =	rddreg [dreg:$0x1];
	p0 =	sne.s32 s2, $0x0  }
0x115: {  	s3 =	rddreg [dreg:$0x2];
	[bflag:$0x3] =	sbarrier.arrive $0xFFFF;
	s2 =	simm.s32 @!p0 $0x1C03  }
0x116: {  	[timem:s3], [sflag:s2] =	dma.local @!p0 [hbm:s0], s1  }
0x117: {  	s0 =	simm.s32 @!p0 $0x3  }
0x118: {  	_ =	swait.ge @!p0 [sflag:s0], s1  }
0x119: {  	s1 =	ssub.s32 @!p0 $0x0, s1;
	[sflag:s0] =	ssyncset.done @!p0 $0x0  }
0x11a: {  	[sflag:s0] =	ssyncadd.s32 @!p0 s1  }
0x11b: {  	[bflag:$0x3] =	sbarrier.arrive $0xFFFF  }
0x11c: {  	_ =	shalt  }

</sc_bundles>
